<compile_context>
chip_gen: v7x
topology: tpu7x:2x2x1
jax: 0.10.2.dev20260603
libtpu: 0.0.44.dev20260713+nightly
codegen_flags: <defaults>
</compile_context>

<pallas_src>
import functools

import jax
import jax.numpy as jnp
from jax import lax
from jax.experimental import pallas as pl
from jax.experimental.pallas import tpu as pltpu
from jax.experimental.pallas import tpu_sc as plsc

B = 16384
D = 128
S = 8
P = 16
NC = 2
NS = 16
NW = NC * NS
RPW = B // NW
CHUNK = 32
NCHUNK = RPW // CHUNK


def _prep_body(protos_ref, st_ref, tbl_ref, pidx_ref):
    m = jnp.sum(protos_ref[...], axis=1) * (1.0 / (2 * P))
    tbl_ref[...] = jnp.tile(m, (2 * B // CHUNK, 1))
    row_blk = lax.broadcasted_iota(jnp.int32, (B // CHUNK, CHUNK), 0)
    col = lax.broadcasted_iota(jnp.int32, (B // CHUNK, CHUNK), 1)
    pidx_ref[...] = st_ref[...] + row_blk * (2 * S) + (col % 2) * S


_prep_call = pl.pallas_call(
    _prep_body,
    out_shape=(
        jax.ShapeDtypeStruct((2 * B // CHUNK * S, D), jnp.float32),
        jax.ShapeDtypeStruct((B // CHUNK, CHUNK), jnp.int32),
    ),
)


def _sc_body(feat_hbm, pidx_hbm, tbl_hbm, out_hbm,
             idx2, feat_v, sem_s, sem_f, sem_g, sem_o):
    wid = lax.axis_index("s") * NC + lax.axis_index("c")
    base = wid * RPW

    cp_s = pltpu.async_copy(pidx_hbm.at[pl.ds(wid * NCHUNK, NCHUNK)],
                            idx2, sem_s)
    cp_f = [
        pltpu.async_copy(feat_hbm.at[pl.ds(base + c * CHUNK, CHUNK)],
                         feat_v.at[c], sem_f)
        for c in range(NCHUNK)
    ]
    cp_s.wait()

    cp_g = []
    for c in range(NCHUNK):
        cp_f[c].wait()
        cp_g.append(pltpu.async_copy(tbl_hbm.at[idx2.at[c]], feat_v.at[c],
                                     sem_g, add=True))

    cp_o = []
    for c in range(NCHUNK):
        cp_g[c].wait()
        cp_o.append(pltpu.async_copy(feat_v.at[c],
                                     out_hbm.at[pl.ds(base + c * CHUNK, CHUNK)],
                                     sem_o))
    for c in range(NCHUNK):
        cp_o[c].wait()


_sc_call = functools.partial(
    pl.kernel,
    out_type=jax.ShapeDtypeStruct((B, D), jnp.float32),
    mesh=plsc.VectorSubcoreMesh(core_axis_name="c", subcore_axis_name="s"),
    scratch_types=[
        pltpu.VMEM((NCHUNK, CHUNK), jnp.int32),
        pltpu.VMEM((NCHUNK, CHUNK, D), jnp.float32),
        pltpu.SemaphoreType.DMA,
        pltpu.SemaphoreType.DMA,
        pltpu.SemaphoreType.DMA,
        pltpu.SemaphoreType.DMA,
    ],
)(_sc_body)


def kernel(features, class_ids, stages, shared_protos):
    del class_ids
    stages2d = stages.astype(jnp.int32).reshape(B // CHUNK, CHUNK)
    tbl, pidx = _prep_call(shared_protos, stages2d)
    return _sc_call(features, pidx, tbl)

# --- scband reference (transcript-rebuilt; emitter-appended) ---
"""Pipeline reference for scband-insect-aware-proto-pool-1700807049514 (READ-ONLY COPY).

The authoritative reference and input builder live on the scoring server;
editing this copy changes nothing except your own understanding.
"""

import jax, jax.numpy as jnp
import numpy as np

B = 16384
D = 128
MAX_STAGES = 8
SHARED_PER_STAGE = 16
NUM_CLASSES = 1000


def setup_inputs(seed: int = 0) -> dict:
    key = jax.random.key(seed)
    k1, k2, k3, k4 = jax.random.split(key, 4)
    features = jax.random.normal(k1, (B, D), dtype=jnp.float32)
    class_ids = jax.random.randint(k2, (B,), 0, NUM_CLASSES, dtype=jnp.int64 if jax.config.jax_enable_x64 else jnp.int32)
    stages = jax.random.randint(k3, (B,), 0, MAX_STAGES, dtype=jnp.int64 if jax.config.jax_enable_x64 else jnp.int32)
    # learned shared stage prototypes: one [shared_proto_per_stage, embed_dim] block per stage
    shared_protos = jax.random.normal(k4, (MAX_STAGES, SHARED_PER_STAGE, D), dtype=jnp.float32)
    return {"features": features, "class_ids": class_ids, "stages": stages, "shared_protos": shared_protos}


def reference(features, class_ids, stages, shared_protos):
    # Faithful translation of InsectAwareProtoPool.forward at initial state:
    # no class prototypes have been registered via init_prototype/update_prototype,
    # so _get_class_proto returns a zero vector for every sample.
    class_proto = jnp.zeros_like(features)  # [B, D]
    # _get_shared_stage_proto: mean over the shared prototypes of the sample's stage
    shared_means = jnp.mean(shared_protos, axis=1)  # [max_stages, D]
    shared_proto = jnp.take(shared_means, stages, axis=0)  # gather per-sample [B, D]
    enhanced = features + 0.5 * (class_proto + shared_proto)
    return enhanced

if __name__ == "__main__":
    import jax
    _d = setup_inputs()
    print(jax.jit(kernel)(*tuple(_d.values())))

</pallas_src>

<mosaic_0001>
#map = affine_map<(d0, d1) -> (0, 0)>
module attributes {stable_mosaic.version = 14 : i64} {
  func.func @_sc_body(%arg0: i32, %arg1: i32, %arg2: memref<16384x128xf32, #tpu.memory_space<hbm>>, %arg3: memref<512x32xi32, #tpu.memory_space<hbm>>, %arg4: memref<8192x128xf32, #tpu.memory_space<hbm>>, %arg5: memref<16384x128xf32, #tpu.memory_space<hbm>>, %arg6: memref<16x32xi32, #tpu.memory_space<vmem>>, %arg7: memref<16x32x128xf32, #tpu.memory_space<vmem>>, %arg8: memref<!tpu.dma_semaphore, #tpu.memory_space<semaphore_mem>>, %arg9: memref<!tpu.dma_semaphore, #tpu.memory_space<semaphore_mem>>, %arg10: memref<!tpu.dma_semaphore, #tpu.memory_space<semaphore_mem>>, %arg11: memref<!tpu.dma_semaphore, #tpu.memory_space<semaphore_mem>>) attributes {dimension_semantics = [#tpu.dimension_semantics<core_parallel>, #tpu.dimension_semantics<subcore_parallel>], iteration_bounds = array<i64: 2, 16>, scalar_prefetch = 0 : i64, scratch_operands = 6 : i64, tpu.core_type = #tpu.core_type<sc_vector_subcore>, window_params = [{transform_indices = #map}, {transform_indices = #map}, {transform_indices = #map}, {transform_indices = #map}]} {
    %mul3A = arith.constant 2 : i32
    %mul3A_0 = arith.muli %arg1, %mul3A : i32
    %add3A = arith.addi %mul3A_0, %arg0 : i32
    %mul3A_1 = arith.constant 512 : i32
    %mul3A_2 = arith.muli %add3A, %mul3A_1 : i32
    %mul3A_3 = arith.constant 16 : i32
    %mul3A_4 = arith.muli %add3A, %mul3A_3 : i32
    %dma_start3A = arith.constant 0 : i32
    %dma_start3A_5 = tpu.memref_slice %arg3[%mul3A_4, %dma_start3A] : memref<512x32xi32, #tpu.memory_space<hbm>> -> memref<16x32xi32, #tpu.memory_space<hbm>>
    %dma_start3A_6 = arith.constant 0 : i32
    %dma_start3A_7 = tpu.memref_slice %arg3[%mul3A_4, %dma_start3A_6] : memref<512x32xi32, #tpu.memory_space<hbm>> -> memref<16x32xi32, #tpu.memory_space<hbm>>
    tpu.enqueue_dma source(%dma_start3A_7 : memref<16x32xi32, #tpu.memory_space<hbm>>) target(%arg6 : memref<16x32xi32, #tpu.memory_space<vmem>>) target_semaphore(%arg8 : memref<!tpu.dma_semaphore, #tpu.memory_space<semaphore_mem>>)
    %add3A_8 = arith.constant 0 : i32
    %add3A_9 = arith.addi %mul3A_2, %add3A_8 : i32
    %dma_start3A_10 = arith.constant 0 : i32
    %dma_start3A_11 = arith.constant 0 : i32
    %dma_start3A_12 = arith.constant 0 : i32
    %dma_start3A_13 = tpu.memref_slice %arg7[%dma_start3A_10, %dma_start3A_11, %dma_start3A_12] : memref<16x32x128xf32, #tpu.memory_space<vmem>> -> memref<1x32x128xf32, #tpu.memory_space<vmem>>
    %dma_start3A_14 = tpu.memref_squeeze %dma_start3A_13 : memref<1x32x128xf32, #tpu.memory_space<vmem>> -> memref<32x128xf32, #tpu.memory_space<vmem>>
    %dma_start3A_15 = arith.constant 0 : i32
    %dma_start3A_16 = tpu.memref_slice %arg2[%add3A_9, %dma_start3A_15] : memref<16384x128xf32, #tpu.memory_space<hbm>> -> memref<32x128xf32, #tpu.memory_space<hbm>>
    %dma_start3A_17 = arith.constant 0 : i32
    %dma_start3A_18 = arith.constant 0 : i32
    %dma_start3A_19 = tpu.memref_slice %arg7[%dma_start3A_10, %dma_start3A_17, %dma_start3A_18] : memref<16x32x128xf32, #tpu.memory_space<vmem>> -> memref<1x32x128xf32, #tpu.memory_space<vmem>>
    %dma_start3A_20 = tpu.memref_squeeze %dma_start3A_19 : memref<1x32x128xf32, #tpu.memory_space<vmem>> -> memref<32x128xf32, #tpu.memory_space<vmem>>
    %dma_start3A_21 = arith.constant 0 : i32
    %dma_start3A_22 = tpu.memref_slice %arg2[%add3A_9, %dma_start3A_21] : memref<16384x128xf32, #tpu.memory_space<hbm>> -> memref<32x128xf32, #tpu.memory_space<hbm>>
    tpu.enqueue_dma source(%dma_start3A_22 : memref<32x128xf32, #tpu.memory_space<hbm>>) target(%dma_start3A_20 : memref<32x128xf32, #tpu.memory_space<vmem>>) target_semaphore(%arg9 : memref<!tpu.dma_semaphore, #tpu.memory_space<semaphore_mem>>)
    %add3A_23 = arith.constant 32 : i32
    %add3A_24 = arith.addi %mul3A_2, %add3A_23 : i32
    %dma_start3A_25 = arith.constant 1 : i32
    %dma_start3A_26 = arith.constant 0 : i32
    %dma_start3A_27 = arith.constant 0 : i32
    %dma_start3A_28 = tpu.memref_slice %arg7[%dma_start3A_25, %dma_start3A_26, %dma_start3A_27] : memref<16x32x128xf32, #tpu.memory_space<vmem>> -> memref<1x32x128xf32, #tpu.memory_space<vmem>>
    %dma_start3A_29 = tpu.memref_squeeze %dma_start3A_28 : memref<1x32x128xf32, #tpu.memory_space<vmem>> -> memref<32x128xf32, #tpu.memory_space<vmem>>
    %dma_start3A_30 = arith.constant 0 : i32
    %dma_start3A_31 = tpu.memref_slice %arg2[%add3A_24, %dma_start3A_30] : memref<16384x128xf32, #tpu.memory_space<hbm>> -> memref<32x128xf32, #tpu.memory_space<hbm>>
    %dma_start3A_32 = arith.constant 0 : i32
    %dma_start3A_33 = arith.constant 0 : i32
    %dma_start3A_34 = tpu.memref_slice %arg7[%dma_start3A_25, %dma_start3A_32, %dma_start3A_33] : memref<16x32x128xf32, #tpu.memory_space<vmem>> -> memref<1x32x128xf32, #tpu.memory_space<vmem>>
    %dma_start3A_35 = tpu.memref_squeeze %dma_start3A_34 : memref<1x32x128xf32, #tpu.memory_space<vmem>> -> memref<32x128xf32, #tpu.memory_space<vmem>>
    %dma_start3A_36 = arith.constant 0 : i32
    %dma_start3A_37 = tpu.memref_slice %arg2[%add3A_24, %dma_start3A_36] : memref<16384x128xf32, #tpu.memory_space<hbm>> -> memref<32x128xf32, #tpu.memory_space<hbm>>
    tpu.enqueue_dma source(%dma_start3A_37 : memref<32x128xf32, #tpu.memory_space<hbm>>) target(%dma_start3A_35 : memref<32x128xf32, #tpu.memory_space<vmem>>) target_semaphore(%arg9 : memref<!tpu.dma_semaphore, #tpu.memory_space<semaphore_mem>>)
    %add3A_38 = arith.constant 64 : i32
    %add3A_39 = arith.addi %mul3A_2, %add3A_38 : i32
    %dma_start3A_40 = arith.constant 2 : i32
    %dma_start3A_41 = arith.constant 0 : i32
    %dma_start3A_42 = arith.constant 0 : i32
    %dma_start3A_43 = tpu.memref_slice %arg7[%dma_start3A_40, %dma_start3A_41, %dma_start3A_42] : memref<16x32x128xf32, #tpu.memory_space<vmem>> -> memref<1x32x128xf32, #tpu.memory_space<vmem>>
    %dma_start3A_44 = tpu.memref_squeeze %dma_start3A_43 : memref<1x32x128xf32, #tpu.memory_space<vmem>> -> memref<32x128xf32, #tpu.memory_space<vmem>>
    %dma_start3A_45 = arith.constant 0 : i32
    %dma_start3A_46 = tpu.memref_slice %arg2[%add3A_39, %dma_start3A_45] : memref<16384x128xf32, #tpu.memory_space<hbm>> -> memref<32x128xf32, #tpu.memory_space<hbm>>
    %dma_start3A_47 = arith.constant 0 : i32
    %dma_start3A_48 = arith.constant 0 : i32
    %dma_start3A_49 = tpu.memref_slice %arg7[%dma_start3A_40, %dma_start3A_47, %dma_start3A_48] : memref<16x32x128xf32, #tpu.memory_space<vmem>> -> memref<1x32x128xf32, #tpu.memory_space<vmem>>
    %dma_start3A_50 = tpu.memref_squeeze %dma_start3A_49 : memref<1x32x128xf32, #tpu.memory_space<vmem>> -> memref<32x128xf32, #tpu.memory_space<vmem>>
    %dma_start3A_51 = arith.constant 0 : i32
    %dma_start3A_52 = tpu.memref_slice %arg2[%add3A_39, %dma_start3A_51] : memref<16384x128xf32, #tpu.memory_space<hbm>> -> memref<32x128xf32, #tpu.memory_space<hbm>>
    tpu.enqueue_dma source(%dma_start3A_52 : memref<32x128xf32, #tpu.memory_space<hbm>>) target(%dma_start3A_50 : memref<32x128xf32, #tpu.memory_space<vmem>>) target_semaphore(%arg9 : memref<!tpu.dma_semaphore, #tpu.memory_space<semaphore_mem>>)
    %add3A_53 = arith.constant 96 : i32
    %add3A_54 = arith.addi %mul3A_2, %add3A_53 : i32
    %dma_start3A_55 = arith.constant 3 : i32
    %dma_start3A_56 = arith.constant 0 : i32
    %dma_start3A_57 = arith.constant 0 : i32
    %dma_start3A_58 = tpu.memref_slice %arg7[%dma_start3A_55, %dma_start3A_56, %dma_start3A_57] : memref<16x32x128xf32, #tpu.memory_space<vmem>> -> memref<1x32x128xf32, #tpu.memory_space<vmem>>
    %dma_start3A_59 = tpu.memref_squeeze %dma_start3A_58 : memref<1x32x128xf32, #tpu.memory_space<vmem>> -> memref<32x128xf32, #tpu.memory_space<vmem>>
    %dma_start3A_60 = arith.constant 0 : i32
    %dma_start3A_61 = tpu.memref_slice %arg2[%add3A_54, %dma_start3A_60] : memref<16384x128xf32, #tpu.memory_space<hbm>> -> memref<32x128xf32, #tpu.memory_space<hbm>>
    %dma_start3A_62 = arith.constant 0 : i32
    %dma_start3A_63 = arith.constant 0 : i32
    %dma_start3A_64 = tpu.memref_slice %arg7[%dma_start3A_55, %dma_start3A_62, %dma_start3A_63] : memref<16x32x128xf32, #tpu.memory_space<vmem>> -> memref<1x32x128xf32, #tpu.memory_space<vmem>>
    %dma_start3A_65 = tpu.memref_squeeze %dma_start3A_64 : memref<1x32x128xf32, #tpu.memory_space<vmem>> -> memref<32x128xf32, #tpu.memory_space<vmem>>
    %dma_start3A_66 = arith.constant 0 : i32
    %dma_start3A_67 = tpu.memref_slice %arg2[%add3A_54, %dma_start3A_66] : memref<16384x128xf32, #tpu.memory_space<hbm>> -> memref<32x128xf32, #tpu.memory_space<hbm>>
    tpu.enqueue_dma source(%dma_start3A_67 : memref<32x128xf32, #tpu.memory_space<hbm>>) target(%dma_start3A_65 : memref<32x128xf32, #tpu.memory_space<vmem>>) target_semaphore(%arg9 : memref<!tpu.dma_semaphore, #tpu.memory_space<semaphore_mem>>)
    %add3A_68 = arith.constant 128 : i32
    %add3A_69 = arith.addi %mul3A_2, %add3A_68 : i32
    %dma_start3A_70 = arith.constant 4 : i32
    %dma_start3A_71 = arith.constant 0 : i32
    %dma_start3A_72 = arith.constant 0 : i32
    %dma_start3A_73 = tpu.memref_slice %arg7[%dma_start3A_70, %dma_start3A_71, %dma_start3A_72] : memref<16x32x128xf32, #tpu.memory_space<vmem>> -> memref<1x32x128xf32, #tpu.memory_space<vmem>>
    %dma_start3A_74 = tpu.memref_squeeze %dma_start3A_73 : memref<1x32x128xf32, #tpu.memory_space<vmem>> -> memref<32x128xf32, #tpu.memory_space<vmem>>
    %dma_start3A_75 = arith.constant 0 : i32
    %dma_start3A_76 = tpu.memref_slice %arg2[%add3A_69, %dma_start3A_75] : memref<16384x128xf32, #tpu.memory_space<hbm>> -> memref<32x128xf32, #tpu.memory_space<hbm>>
    %dma_start3A_77 = arith.constant 0 : i32
    %dma_start3A_78 = arith.constant 0 : i32
    %dma_start3A_79 = tpu.memref_slice %arg7[%dma_start3A_70, %dma_start3A_77, %dma_start3A_78] : memref<16x32x128xf32, #tpu.memory_space<vmem>> -> memref<1x32x128xf32, #tpu.memory_space<vmem>>
    %dma_start3A_80 = tpu.memref_squeeze %dma_start3A_79 : memref<1x32x128xf32, #tpu.memory_space<vmem>> -> memref<32x128xf32, #tpu.memory_space<vmem>>
    %dma_start3A_81 = arith.constant 0 : i32
    %dma_start3A_82 = tpu.memref_slice %arg2[%add3A_69, %dma_start3A_81] : memref<16384x128xf32, #tpu.memory_space<hbm>> -> memref<32x128xf32, #tpu.memory_space<hbm>>
    tpu.enqueue_dma source(%dma_start3A_82 : memref<32x128xf32, #tpu.memory_space<hbm>>) target(%dma_start3A_80 : memref<32x128xf32, #tpu.memory_space<vmem>>) target_semaphore(%arg9 : memref<!tpu.dma_semaphore, #tpu.memory_space<semaphore_mem>>)
    %add3A_83 = arith.constant 160 : i32
    %add3A_84 = arith.addi %mul3A_2, %add3A_83 : i32
    %dma_start3A_85 = arith.constant 5 : i32
    %dma_start3A_86 = arith.constant 0 : i32
    %dma_start3A_87 = arith.constant 0 : i32
    %dma_start3A_88 = tpu.memref_slice %arg7[%dma_start3A_85, %dma_start3A_86, %dma_start3A_87] : memref<16x32x128xf32, #tpu.memory_space<vmem>> -> memref<1x32x128xf32, #tpu.memory_space<vmem>>
    %dma_start3A_89 = tpu.memref_squeeze %dma_start3A_88 : memref<1x32x128xf32, #tpu.memory_space<vmem>> -> memref<32x128xf32, #tpu.memory_space<vmem>>
    %dma_start3A_90 = arith.constant 0 : i32
    %dma_start3A_91 = tpu.memref_slice %arg2[%add3A_84, %dma_start3A_90] : memref<16384x128xf32, #tpu.memory_space<hbm>> -> memref<32x128xf32, #tpu.memory_space<hbm>>
    %dma_start3A_92 = arith.constant 0 : i32
    %dma_start3A_93 = arith.constant 0 : i32
    %dma_start3A_94 = tpu.memref_slice %arg7[%dma_start3A_85, %dma_start3A_92, %dma_start3A_93] : memref<16x32x128xf32, #tpu.memory_space<vmem>> -> memref<1x32x128xf32, #tpu.memory_space<vmem>>
    %dma_start3A_95 = tpu.memref_squeeze %dma_start3A_94 : memref<1x32x128xf32, #tpu.memory_space<vmem>> -> memref<32x128xf32, #tpu.memory_space<vmem>>
    %dma_start3A_96 = arith.constant 0 : i32
    %dma_start3A_97 = tpu.memref_slice %arg2[%add3A_84, %dma_start3A_96] : memref<16384x128xf32, #tpu.memory_space<hbm>> -> memref<32x128xf32, #tpu.memory_space<hbm>>
    tpu.enqueue_dma source(%dma_start3A_97 : memref<32x128xf32, #tpu.memory_space<hbm>>) target(%dma_start3A_95 : memref<32x128xf32, #tpu.memory_space<vmem>>) target_semaphore(%arg9 : memref<!tpu.dma_semaphore, #tpu.memory_space<semaphore_mem>>)
    %add3A_98 = arith.constant 192 : i32
    %add3A_99 = arith.addi %mul3A_2, %add3A_98 : i32
    %dma_start3A_100 = arith.constant 6 : i32
    %dma_start3A_101 = arith.constant 0 : i32
    %dma_start3A_102 = arith.constant 0 : i32
    %dma_start3A_103 = tpu.memref_slice %arg7[%dma_start3A_100, %dma_start3A_101, %dma_start3A_102] : memref<16x32x128xf32, #tpu.memory_space<vmem>> -> memref<1x32x128xf32, #tpu.memory_space<vmem>>
    %dma_start3A_104 = tpu.memref_squeeze %dma_start3A_103 : memref<1x32x128xf32, #tpu.memory_space<vmem>> -> memref<32x128xf32, #tpu.memory_space<vmem>>
    %dma_start3A_105 = arith.constant 0 : i32
    %dma_start3A_106 = tpu.memref_slice %arg2[%add3A_99, %dma_start3A_105] : memref<16384x128xf32, #tpu.memory_space<hbm>> -> memref<32x128xf32, #tpu.memory_space<hbm>>
    %dma_start3A_107 = arith.constant 0 : i32
    %dma_start3A_108 = arith.constant 0 : i32
    %dma_start3A_109 = tpu.memref_slice %arg7[%dma_start3A_100, %dma_start3A_107, %dma_start3A_108] : memref<16x32x128xf32, #tpu.memory_space<vmem>> -> memref<1x32x128xf32, #tpu.memory_space<vmem>>
    %dma_start3A_110 = tpu.memref_squeeze %dma_start3A_109 : memref<1x32x128xf32, #tpu.memory_space<vmem>> -> memref<32x128xf32, #tpu.memory_space<vmem>>
    %dma_start3A_111 = arith.constant 0 : i32
    %dma_start3A_112 = tpu.memref_slice %arg2[%add3A_99, %dma_start3A_111] : memref<16384x128xf32, #tpu.memory_space<hbm>> -> memref<32x128xf32, #tpu.memory_space<hbm>>
    tpu.enqueue_dma source(%dma_start3A_112 : memref<32x128xf32, #tpu.memory_space<hbm>>) target(%dma_start3A_110 : memref<32x128xf32, #tpu.memory_space<vmem>>) target_semaphore(%arg9 : memref<!tpu.dma_semaphore, #tpu.memory_space<semaphore_mem>>)
    %add3A_113 = arith.constant 224 : i32
    %add3A_114 = arith.addi %mul3A_2, %add3A_113 : i32
    %dma_start3A_115 = arith.constant 7 : i32
    %dma_start3A_116 = arith.constant 0 : i32
    %dma_start3A_117 = arith.constant 0 : i32
    %dma_start3A_118 = tpu.memref_slice %arg7[%dma_start3A_115, %dma_start3A_116, %dma_start3A_117] : memref<16x32x128xf32, #tpu.memory_space<vmem>> -> memref<1x32x128xf32, #tpu.memory_space<vmem>>
    %dma_start3A_119 = tpu.memref_squeeze %dma_start3A_118 : memref<1x32x128xf32, #tpu.memory_space<vmem>> -> memref<32x128xf32, #tpu.memory_space<vmem>>
    %dma_start3A_120 = arith.constant 0 : i32
    %dma_start3A_121 = tpu.memref_slice %arg2[%add3A_114, %dma_start3A_120] : memref<16384x128xf32, #tpu.memory_space<hbm>> -> memref<32x128xf32, #tpu.memory_space<hbm>>
    %dma_start3A_122 = arith.constant 0 : i32
    %dma_start3A_123 = arith.constant 0 : i32
    %dma_start3A_124 = tpu.memref_slice %arg7[%dma_start3A_115, %dma_start3A_122, %dma_start3A_123] : memref<16x32x128xf32, #tpu.memory_space<vmem>> -> memref<1x32x128xf32, #tpu.memory_space<vmem>>
    %dma_start3A_125 = tpu.memref_squeeze %dma_start3A_124 : memref<1x32x128xf32, #tpu.memory_space<vmem>> -> memref<32x128xf32, #tpu.memory_space<vmem>>
    %dma_start3A_126 = arith.constant 0 : i32
    %dma_start3A_127 = tpu.memref_slice %arg2[%add3A_114, %dma_start3A_126] : memref<16384x128xf32, #tpu.memory_space<hbm>> -> memref<32x128xf32, #tpu.memory_space<hbm>>
    tpu.enqueue_dma source(%dma_start3A_127 : memref<32x128xf32, #tpu.memory_space<hbm>>) target(%dma_start3A_125 : memref<32x128xf32, #tpu.memory_space<vmem>>) target_semaphore(%arg9 : memref<!tpu.dma_semaphore, #tpu.memory_space<semaphore_mem>>)
    %add3A_128 = arith.constant 256 : i32
    %add3A_129 = arith.addi %mul3A_2, %add3A_128 : i32
    %dma_start3A_130 = arith.constant 8 : i32
    %dma_start3A_131 = arith.constant 0 : i32
    %dma_start3A_132 = arith.constant 0 : i32
    %dma_start3A_133 = tpu.memref_slice %arg7[%dma_start3A_130, %dma_start3A_131, %dma_start3A_132] : memref<16x32x128xf32, #tpu.memory_space<vmem>> -> memref<1x32x128xf32, #tpu.memory_space<vmem>>
    %dma_start3A_134 = tpu.memref_squeeze %dma_start3A_133 : memref<1x32x128xf32, #tpu.memory_space<vmem>> -> memref<32x128xf32, #tpu.memory_space<vmem>>
    %dma_start3A_135 = arith.constant 0 : i32
    %dma_start3A_136 = tpu.memref_slice %arg2[%add3A_129, %dma_start3A_135] : memref<16384x128xf32, #tpu.memory_space<hbm>> -> memref<32x128xf32, #tpu.memory_space<hbm>>
    %dma_start3A_137 = arith.constant 0 : i32
    %dma_start3A_138 = arith.constant 0 : i32
    %dma_start3A_139 = tpu.memref_slice %arg7[%dma_start3A_130, %dma_start3A_137, %dma_start3A_138] : memref<16x32x128xf32, #tpu.memory_space<vmem>> -> memref<1x32x128xf32, #tpu.memory_space<vmem>>
    %dma_start3A_140 = tpu.memref_squeeze %dma_start3A_139 : memref<1x32x128xf32, #tpu.memory_space<vmem>> -> memref<32x128xf32, #tpu.memory_space<vmem>>
    %dma_start3A_141 = arith.constant 0 : i32
    %dma_start3A_142 = tpu.memref_slice %arg2[%add3A_129, %dma_start3A_141] : memref<16384x128xf32, #tpu.memory_space<hbm>> -> memref<32x128xf32, #tpu.memory_space<hbm>>
    tpu.enqueue_dma source(%dma_start3A_142 : memref<32x128xf32, #tpu.memory_space<hbm>>) target(%dma_start3A_140 : memref<32x128xf32, #tpu.memory_space<vmem>>) target_semaphore(%arg9 : memref<!tpu.dma_semaphore, #tpu.memory_space<semaphore_mem>>)
    %add3A_143 = arith.constant 288 : i32
    %add3A_144 = arith.addi %mul3A_2, %add3A_143 : i32
    %dma_start3A_145 = arith.constant 9 : i32
    %dma_start3A_146 = arith.constant 0 : i32
    %dma_start3A_147 = arith.constant 0 : i32
    %dma_start3A_148 = tpu.memref_slice %arg7[%dma_start3A_145, %dma_start3A_146, %dma_start3A_147] : memref<16x32x128xf32, #tpu.memory_space<vmem>> -> memref<1x32x128xf32, #tpu.memory_space<vmem>>
    %dma_start3A_149 = tpu.memref_squeeze %dma_start3A_148 : memref<1x32x128xf32, #tpu.memory_space<vmem>> -> memref<32x128xf32, #tpu.memory_space<vmem>>
    %dma_start3A_150 = arith.constant 0 : i32
    %dma_start3A_151 = tpu.memref_slice %arg2[%add3A_144, %dma_start3A_150] : memref<16384x128xf32, #tpu.memory_space<hbm>> -> memref<32x128xf32, #tpu.memory_space<hbm>>
    %dma_start3A_152 = arith.constant 0 : i32
    %dma_start3A_153 = arith.constant 0 : i32
    %dma_start3A_154 = tpu.memref_slice %arg7[%dma_start3A_145, %dma_start3A_152, %dma_start3A_153] : memref<16x32x128xf32, #tpu.memory_space<vmem>> -> memref<1x32x128xf32, #tpu.memory_space<vmem>>
    %dma_start3A_155 = tpu.memref_squeeze %dma_start3A_154 : memref<1x32x128xf32, #tpu.memory_space<vmem>> -> memref<32x128xf32, #tpu.memory_space<vmem>>
    %dma_start3A_156 = arith.constant 0 : i32
    %dma_start3A_157 = tpu.memref_slice %arg2[%add3A_144, %dma_start3A_156] : memref<16384x128xf32, #tpu.memory_space<hbm>> -> memref<32x128xf32, #tpu.memory_space<hbm>>
    tpu.enqueue_dma source(%dma_start3A_157 : memref<32x128xf32, #tpu.memory_space<hbm>>) target(%dma_start3A_155 : memref<32x128xf32, #tpu.memory_space<vmem>>) target_semaphore(%arg9 : memref<!tpu.dma_semaphore, #tpu.memory_space<semaphore_mem>>)
    %add3A_158 = arith.constant 320 : i32
    %add3A_159 = arith.addi %mul3A_2, %add3A_158 : i32
    %dma_start3A_160 = arith.constant 10 : i32
    %dma_start3A_161 = arith.constant 0 : i32
    %dma_start3A_162 = arith.constant 0 : i32
    %dma_start3A_163 = tpu.memref_slice %arg7[%dma_start3A_160, %dma_start3A_161, %dma_start3A_162] : memref<16x32x128xf32, #tpu.memory_space<vmem>> -> memref<1x32x128xf32, #tpu.memory_space<vmem>>
    %dma_start3A_164 = tpu.memref_squeeze %dma_start3A_163 : memref<1x32x128xf32, #tpu.memory_space<vmem>> -> memref<32x128xf32, #tpu.memory_space<vmem>>
    %dma_start3A_165 = arith.constant 0 : i32
    %dma_start3A_166 = tpu.memref_slice %arg2[%add3A_159, %dma_start3A_165] : memref<16384x128xf32, #tpu.memory_space<hbm>> -> memref<32x128xf32, #tpu.memory_space<hbm>>
    %dma_start3A_167 = arith.constant 0 : i32
    %dma_start3A_168 = arith.constant 0 : i32
    %dma_start3A_169 = tpu.memref_slice %arg7[%dma_start3A_160, %dma_start3A_167, %dma_start3A_168] : memref<16x32x128xf32, #tpu.memory_space<vmem>> -> memref<1x32x128xf32, #tpu.memory_space<vmem>>
    %dma_start3A_170 = tpu.memref_squeeze %dma_start3A_169 : memref<1x32x128xf32, #tpu.memory_space<vmem>> -> memref<32x128xf32, #tpu.memory_space<vmem>>
    %dma_start3A_171 = arith.constant 0 : i32
    %dma_start3A_172 = tpu.memref_slice %arg2[%add3A_159, %dma_start3A_171] : memref<16384x128xf32, #tpu.memory_space<hbm>> -> memref<32x128xf32, #tpu.memory_space<hbm>>
    tpu.enqueue_dma source(%dma_start3A_172 : memref<32x128xf32, #tpu.memory_space<hbm>>) target(%dma_start3A_170 : memref<32x128xf32, #tpu.memory_space<vmem>>) target_semaphore(%arg9 : memref<!tpu.dma_semaphore, #tpu.memory_space<semaphore_mem>>)
    %add3A_173 = arith.constant 352 : i32
    %add3A_174 = arith.addi %mul3A_2, %add3A_173 : i32
    %dma_start3A_175 = arith.constant 11 : i32
    %dma_start3A_176 = arith.constant 0 : i32
    %dma_start3A_177 = arith.constant 0 : i32
    %dma_start3A_178 = tpu.memref_slice %arg7[%dma_start3A_175, %dma_start3A_176, %dma_start3A_177] : memref<16x32x128xf32, #tpu.memory_space<vmem>> -> memref<1x32x128xf32, #tpu.memory_space<vmem>>
    %dma_start3A_179 = tpu.memref_squeeze %dma_start3A_178 : memref<1x32x128xf32, #tpu.memory_space<vmem>> -> memref<32x128xf32, #tpu.memory_space<vmem>>
    %dma_start3A_180 = arith.constant 0 : i32
    %dma_start3A_181 = tpu.memref_slice %arg2[%add3A_174, %dma_start3A_180] : memref<16384x128xf32, #tpu.memory_space<hbm>> -> memref<32x128xf32, #tpu.memory_space<hbm>>
    %dma_start3A_182 = arith.constant 0 : i32
    %dma_start3A_183 = arith.constant 0 : i32
    %dma_start3A_184 = tpu.memref_slice %arg7[%dma_start3A_175, %dma_start3A_182, %dma_start3A_183] : memref<16x32x128xf32, #tpu.memory_space<vmem>> -> memref<1x32x128xf32, #tpu.memory_space<vmem>>
    %dma_start3A_185 = tpu.memref_squeeze %dma_start3A_184 : memref<1x32x128xf32, #tpu.memory_space<vmem>> -> memref<32x128xf32, #tpu.memory_space<vmem>>
    %dma_start3A_186 = arith.constant 0 : i32
    %dma_start3A_187 = tpu.memref_slice %arg2[%add3A_174, %dma_start3A_186] : memref<16384x128xf32, #tpu.memory_space<hbm>> -> memref<32x128xf32, #tpu.memory_space<hbm>>
    tpu.enqueue_dma source(%dma_start3A_187 : memref<32x128xf32, #tpu.memory_space<hbm>>) target(%dma_start3A_185 : memref<32x128xf32, #tpu.memory_space<vmem>>) target_semaphore(%arg9 : memref<!tpu.dma_semaphore, #tpu.memory_space<semaphore_mem>>)
    %add3A_188 = arith.constant 384 : i32
    %add3A_189 = arith.addi %mul3A_2, %add3A_188 : i32
    %dma_start3A_190 = arith.constant 12 : i32
    %dma_start3A_191 = arith.constant 0 : i32
    %dma_start3A_192 = arith.constant 0 : i32
    %dma_start3A_193 = tpu.memref_slice %arg7[%dma_start3A_190, %dma_start3A_191, %dma_start3A_192] : memref<16x32x128xf32, #tpu.memory_space<vmem>> -> memref<1x32x128xf32, #tpu.memory_space<vmem>>
    %dma_start3A_194 = tpu.memref_squeeze %dma_start3A_193 : memref<1x32x128xf32, #tpu.memory_space<vmem>> -> memref<32x128xf32, #tpu.memory_space<vmem>>
    %dma_start3A_195 = arith.constant 0 : i32
    %dma_start3A_196 = tpu.memref_slice %arg2[%add3A_189, %dma_start3A_195] : memref<16384x128xf32, #tpu.memory_space<hbm>> -> memref<32x128xf32, #tpu.memory_space<hbm>>
    %dma_start3A_197 = arith.constant 0 : i32
    %dma_start3A_198 = arith.constant 0 : i32
    %dma_start3A_199 = tpu.memref_slice %arg7[%dma_start3A_190, %dma_start3A_197, %dma_start3A_198] : memref<16x32x128xf32, #tpu.memory_space<vmem>> -> memref<1x32x128xf32, #tpu.memory_space<vmem>>
    %dma_start3A_200 = tpu.memref_squeeze %dma_start3A_199 : memref<1x32x128xf32, #tpu.memory_space<vmem>> -> memref<32x128xf32, #tpu.memory_space<vmem>>
    %dma_start3A_201 = arith.constant 0 : i32
    %dma_start3A_202 = tpu.memref_slice %arg2[%add3A_189, %dma_start3A_201] : memref<16384x128xf32, #tpu.memory_space<hbm>> -> memref<32x128xf32, #tpu.memory_space<hbm>>
    tpu.enqueue_dma source(%dma_start3A_202 : memref<32x128xf32, #tpu.memory_space<hbm>>) target(%dma_start3A_200 : memref<32x128xf32, #tpu.memory_space<vmem>>) target_semaphore(%arg9 : memref<!tpu.dma_semaphore, #tpu.memory_space<semaphore_mem>>)
    %add3A_203 = arith.constant 416 : i32
    %add3A_204 = arith.addi %mul3A_2, %add3A_203 : i32
    %dma_start3A_205 = arith.constant 13 : i32
    %dma_start3A_206 = arith.constant 0 : i32
    %dma_start3A_207 = arith.constant 0 : i32
    %dma_start3A_208 = tpu.memref_slice %arg7[%dma_start3A_205, %dma_start3A_206, %dma_start3A_207] : memref<16x32x128xf32, #tpu.memory_space<vmem>> -> memref<1x32x128xf32, #tpu.memory_space<vmem>>
    %dma_start3A_209 = tpu.memref_squeeze %dma_start3A_208 : memref<1x32x128xf32, #tpu.memory_space<vmem>> -> memref<32x128xf32, #tpu.memory_space<vmem>>
    %dma_start3A_210 = arith.constant 0 : i32
    %dma_start3A_211 = tpu.memref_slice %arg2[%add3A_204, %dma_start3A_210] : memref<16384x128xf32, #tpu.memory_space<hbm>> -> memref<32x128xf32, #tpu.memory_space<hbm>>
    %dma_start3A_212 = arith.constant 0 : i32
    %dma_start3A_213 = arith.constant 0 : i32
    %dma_start3A_214 = tpu.memref_slice %arg7[%dma_start3A_205, %dma_start3A_212, %dma_start3A_213] : memref<16x32x128xf32, #tpu.memory_space<vmem>> -> memref<1x32x128xf32, #tpu.memory_space<vmem>>
    %dma_start3A_215 = tpu.memref_squeeze %dma_start3A_214 : memref<1x32x128xf32, #tpu.memory_space<vmem>> -> memref<32x128xf32, #tpu.memory_space<vmem>>
    %dma_start3A_216 = arith.constant 0 : i32
    %dma_start3A_217 = tpu.memref_slice %arg2[%add3A_204, %dma_start3A_216] : memref<16384x128xf32, #tpu.memory_space<hbm>> -> memref<32x128xf32, #tpu.memory_space<hbm>>
    tpu.enqueue_dma source(%dma_start3A_217 : memref<32x128xf32, #tpu.memory_space<hbm>>) target(%dma_start3A_215 : memref<32x128xf32, #tpu.memory_space<vmem>>) target_semaphore(%arg9 : memref<!tpu.dma_semaphore, #tpu.memory_space<semaphore_mem>>)
    %add3A_218 = arith.constant 448 : i32
    %add3A_219 = arith.addi %mul3A_2, %add3A_218 : i32
    %dma_start3A_220 = arith.constant 14 : i32
    %dma_start3A_221 = arith.constant 0 : i32
    %dma_start3A_222 = arith.constant 0 : i32
    %dma_start3A_223 = tpu.memref_slice %arg7[%dma_start3A_220, %dma_start3A_221, %dma_start3A_222] : memref<16x32x128xf32, #tpu.memory_space<vmem>> -> memref<1x32x128xf32, #tpu.memory_space<vmem>>
    %dma_start3A_224 = tpu.memref_squeeze %dma_start3A_223 : memref<1x32x128xf32, #tpu.memory_space<vmem>> -> memref<32x128xf32, #tpu.memory_space<vmem>>
    %dma_start3A_225 = arith.constant 0 : i32
    %dma_start3A_226 = tpu.memref_slice %arg2[%add3A_219, %dma_start3A_225] : memref<16384x128xf32, #tpu.memory_space<hbm>> -> memref<32x128xf32, #tpu.memory_space<hbm>>
    %dma_start3A_227 = arith.constant 0 : i32
    %dma_start3A_228 = arith.constant 0 : i32
    %dma_start3A_229 = tpu.memref_slice %arg7[%dma_start3A_220, %dma_start3A_227, %dma_start3A_228] : memref<16x32x128xf32, #tpu.memory_space<vmem>> -> memref<1x32x128xf32, #tpu.memory_space<vmem>>
    %dma_start3A_230 = tpu.memref_squeeze %dma_start3A_229 : memref<1x32x128xf32, #tpu.memory_space<vmem>> -> memref<32x128xf32, #tpu.memory_space<vmem>>
    %dma_start3A_231 = arith.constant 0 : i32
    %dma_start3A_232 = tpu.memref_slice %arg2[%add3A_219, %dma_start3A_231] : memref<16384x128xf32, #tpu.memory_space<hbm>> -> memref<32x128xf32, #tpu.memory_space<hbm>>
    tpu.enqueue_dma source(%dma_start3A_232 : memref<32x128xf32, #tpu.memory_space<hbm>>) target(%dma_start3A_230 : memref<32x128xf32, #tpu.memory_space<vmem>>) target_semaphore(%arg9 : memref<!tpu.dma_semaphore, #tpu.memory_space<semaphore_mem>>)
    %add3A_233 = arith.constant 480 : i32
    %add3A_234 = arith.addi %mul3A_2, %add3A_233 : i32
    %dma_start3A_235 = arith.constant 15 : i32
    %dma_start3A_236 = arith.constant 0 : i32
    %dma_start3A_237 = arith.constant 0 : i32
    %dma_start3A_238 = tpu.memref_slice %arg7[%dma_start3A_235, %dma_start3A_236, %dma_start3A_237] : memref<16x32x128xf32, #tpu.memory_space<vmem>> -> memref<1x32x128xf32, #tpu.memory_space<vmem>>
    %dma_start3A_239 = tpu.memref_squeeze %dma_start3A_238 : memref<1x32x128xf32, #tpu.memory_space<vmem>> -> memref<32x128xf32, #tpu.memory_space<vmem>>
    %dma_start3A_240 = arith.constant 0 : i32
    %dma_start3A_241 = tpu.memref_slice %arg2[%add3A_234, %dma_start3A_240] : memref<16384x128xf32, #tpu.memory_space<hbm>> -> memref<32x128xf32, #tpu.memory_space<hbm>>
    %dma_start3A_242 = arith.constant 0 : i32
    %dma_start3A_243 = arith.constant 0 : i32
    %dma_start3A_244 = tpu.memref_slice %arg7[%dma_start3A_235, %dma_start3A_242, %dma_start3A_243] : memref<16x32x128xf32, #tpu.memory_space<vmem>> -> memref<1x32x128xf32, #tpu.memory_space<vmem>>
    %dma_start3A_245 = tpu.memref_squeeze %dma_start3A_244 : memref<1x32x128xf32, #tpu.memory_space<vmem>> -> memref<32x128xf32, #tpu.memory_space<vmem>>
    %dma_start3A_246 = arith.constant 0 : i32
    %dma_start3A_247 = tpu.memref_slice %arg2[%add3A_234, %dma_start3A_246] : memref<16384x128xf32, #tpu.memory_space<hbm>> -> memref<32x128xf32, #tpu.memory_space<hbm>>
    tpu.enqueue_dma source(%dma_start3A_247 : memref<32x128xf32, #tpu.memory_space<hbm>>) target(%dma_start3A_245 : memref<32x128xf32, #tpu.memory_space<vmem>>) target_semaphore(%arg9 : memref<!tpu.dma_semaphore, #tpu.memory_space<semaphore_mem>>)
    %dma_wait3A = arith.constant 0 : i32
    %dma_wait3A_248 = tpu.memref_slice %arg3[%mul3A_4, %dma_wait3A] : memref<512x32xi32, #tpu.memory_space<hbm>> -> memref<16x32xi32, #tpu.memory_space<hbm>>
    %dma_wait3A_249 = arith.constant 0 : i32
    %dma_wait3A_250 = tpu.memref_slice %arg3[%mul3A_4, %dma_wait3A_249] : memref<512x32xi32, #tpu.memory_space<hbm>> -> memref<16x32xi32, #tpu.memory_space<hbm>>
    tpu.wait_dma2 semaphore(%arg8 : memref<!tpu.dma_semaphore, #tpu.memory_space<semaphore_mem>>) src(%dma_wait3A_250 : memref<16x32xi32, #tpu.memory_space<hbm>>) dst(%arg6 : memref<16x32xi32, #tpu.memory_space<vmem>>)
    %dma_wait3A_251 = arith.constant 0 : i32
    %dma_wait3A_252 = arith.constant 0 : i32
    %dma_wait3A_253 = arith.constant 0 : i32
    %dma_wait3A_254 = tpu.memref_slice %arg7[%dma_wait3A_251, %dma_wait3A_252, %dma_wait3A_253] : memref<16x32x128xf32, #tpu.memory_space<vmem>> -> memref<1x32x128xf32, #tpu.memory_space<vmem>>
    %dma_wait3A_255 = tpu.memref_squeeze %dma_wait3A_254 : memref<1x32x128xf32, #tpu.memory_space<vmem>> -> memref<32x128xf32, #tpu.memory_space<vmem>>
    %dma_wait3A_256 = arith.constant 0 : i32
    %dma_wait3A_257 = tpu.memref_slice %arg2[%add3A_9, %dma_wait3A_256] : memref<16384x128xf32, #tpu.memory_space<hbm>> -> memref<32x128xf32, #tpu.memory_space<hbm>>
    %dma_wait3A_258 = arith.constant 0 : i32
    %dma_wait3A_259 = arith.constant 0 : i32
    %dma_wait3A_260 = tpu.memref_slice %arg7[%dma_wait3A_251, %dma_wait3A_258, %dma_wait3A_259] : memref<16x32x128xf32, #tpu.memory_space<vmem>> -> memref<1x32x128xf32, #tpu.memory_space<vmem>>
    %dma_wait3A_261 = tpu.memref_squeeze %dma_wait3A_260 : memref<1x32x128xf32, #tpu.memory_space<vmem>> -> memref<32x128xf32, #tpu.memory_space<vmem>>
    %dma_wait3A_262 = arith.constant 0 : i32
    %dma_wait3A_263 = tpu.memref_slice %arg2[%add3A_9, %dma_wait3A_262] : memref<16384x128xf32, #tpu.memory_space<hbm>> -> memref<32x128xf32, #tpu.memory_space<hbm>>
    tpu.wait_dma2 semaphore(%arg9 : memref<!tpu.dma_semaphore, #tpu.memory_space<semaphore_mem>>) src(%dma_wait3A_263 : memref<32x128xf32, #tpu.memory_space<hbm>>) dst(%dma_wait3A_261 : memref<32x128xf32, #tpu.memory_space<vmem>>)
    %dma_start3A_264 = arith.constant 0 : i32
    %dma_start3A_265 = arith.constant 0 : i32
    %dma_start3A_266 = arith.constant 0 : i32
    %dma_start3A_267 = arith.constant 0 : i32
    %dma_start3A_268 = tpu.memref_slice %arg7[%dma_start3A_265, %dma_start3A_266, %dma_start3A_267] : memref<16x32x128xf32, #tpu.memory_space<vmem>> -> memref<1x32x128xf32, #tpu.memory_space<vmem>>
    %dma_start3A_269 = tpu.memref_squeeze %dma_start3A_268 : memref<1x32x128xf32, #tpu.memory_space<vmem>> -> memref<32x128xf32, #tpu.memory_space<vmem>>
    %dma_start3A_270 = arith.constant 0 : i32
    %dma_start3A_271 = tpu.memref_slice %arg6[%dma_start3A_264, %dma_start3A_270] : memref<16x32xi32, #tpu.memory_space<vmem>> -> memref<1x32xi32, #tpu.memory_space<vmem>>
    %dma_start3A_272 = tpu.memref_squeeze %dma_start3A_271 : memref<1x32xi32, #tpu.memory_space<vmem>> -> memref<32xi32, #tpu.memory_space<vmem>>
    %dma_start3A_273 = arith.constant 0 : i32
    %dma_start3A_274 = arith.constant 0 : i32
    %dma_start3A_275 = tpu.memref_slice %arg4[%dma_start3A_273, %dma_start3A_274] : memref<8192x128xf32, #tpu.memory_space<hbm>> -> memref<8192x128xf32, #tpu.memory_space<hbm>>
    tpu.enqueue_indirect_dma source(%dma_start3A_275 : memref<8192x128xf32, #tpu.memory_space<hbm>>) target(%dma_start3A_269 : memref<32x128xf32, #tpu.memory_space<vmem>>) offsets(%dma_start3A_272 : memref<32xi32, #tpu.memory_space<vmem>>) semaphore(%arg10 : memref<!tpu.dma_semaphore, #tpu.memory_space<semaphore_mem>>) {add = true}
    %dma_wait3A_276 = arith.constant 1 : i32
    %dma_wait3A_277 = arith.constant 0 : i32
    %dma_wait3A_278 = arith.constant 0 : i32
    %dma_wait3A_279 = tpu.memref_slice %arg7[%dma_wait3A_276, %dma_wait3A_277, %dma_wait3A_278] : memref<16x32x128xf32, #tpu.memory_space<vmem>> -> memref<1x32x128xf32, #tpu.memory_space<vmem>>
    %dma_wait3A_280 = tpu.memref_squeeze %dma_wait3A_279 : memref<1x32x128xf32, #tpu.memory_space<vmem>> -> memref<32x128xf32, #tpu.memory_space<vmem>>
    %dma_wait3A_281 = arith.constant 0 : i32
    %dma_wait3A_282 = tpu.memref_slice %arg2[%add3A_24, %dma_wait3A_281] : memref<16384x128xf32, #tpu.memory_space<hbm>> -> memref<32x128xf32, #tpu.memory_space<hbm>>
    %dma_wait3A_283 = arith.constant 0 : i32
    %dma_wait3A_284 = arith.constant 0 : i32
    %dma_wait3A_285 = tpu.memref_slice %arg7[%dma_wait3A_276, %dma_wait3A_283, %dma_wait3A_284] : memref<16x32x128xf32, #tpu.memory_space<vmem>> -> memref<1x32x128xf32, #tpu.memory_space<vmem>>
    %dma_wait3A_286 = tpu.memref_squeeze %dma_wait3A_285 : memref<1x32x128xf32, #tpu.memory_space<vmem>> -> memref<32x128xf32, #tpu.memory_space<vmem>>
    %dma_wait3A_287 = arith.constant 0 : i32
    %dma_wait3A_288 = tpu.memref_slice %arg2[%add3A_24, %dma_wait3A_287] : memref<16384x128xf32, #tpu.memory_space<hbm>> -> memref<32x128xf32, #tpu.memory_space<hbm>>
    tpu.wait_dma2 semaphore(%arg9 : memref<!tpu.dma_semaphore, #tpu.memory_space<semaphore_mem>>) src(%dma_wait3A_288 : memref<32x128xf32, #tpu.memory_space<hbm>>) dst(%dma_wait3A_286 : memref<32x128xf32, #tpu.memory_space<vmem>>)
    %dma_start3A_289 = arith.constant 1 : i32
    %dma_start3A_290 = arith.constant 1 : i32
    %dma_start3A_291 = arith.constant 0 : i32
    %dma_start3A_292 = arith.constant 0 : i32
    %dma_start3A_293 = tpu.memref_slice %arg7[%dma_start3A_290, %dma_start3A_291, %dma_start3A_292] : memref<16x32x128xf32, #tpu.memory_space<vmem>> -> memref<1x32x128xf32, #tpu.memory_space<vmem>>
    %dma_start3A_294 = tpu.memref_squeeze %dma_start3A_293 : memref<1x32x128xf32, #tpu.memory_space<vmem>> -> memref<32x128xf32, #tpu.memory_space<vmem>>
    %dma_start3A_295 = arith.constant 0 : i32
    %dma_start3A_296 = tpu.memref_slice %arg6[%dma_start3A_289, %dma_start3A_295] : memref<16x32xi32, #tpu.memory_space<vmem>> -> memref<1x32xi32, #tpu.memory_space<vmem>>
    %dma_start3A_297 = tpu.memref_squeeze %dma_start3A_296 : memref<1x32xi32, #tpu.memory_space<vmem>> -> memref<32xi32, #tpu.memory_space<vmem>>
    %dma_start3A_298 = arith.constant 0 : i32
    %dma_start3A_299 = arith.constant 0 : i32
    %dma_start3A_300 = tpu.memref_slice %arg4[%dma_start3A_298, %dma_start3A_299] : memref<8192x128xf32, #tpu.memory_space<hbm>> -> memref<8192x128xf32, #tpu.memory_space<hbm>>
    tpu.enqueue_indirect_dma source(%dma_start3A_300 : memref<8192x128xf32, #tpu.memory_space<hbm>>) target(%dma_start3A_294 : memref<32x128xf32, #tpu.memory_space<vmem>>) offsets(%dma_start3A_297 : memref<32xi32, #tpu.memory_space<vmem>>) semaphore(%arg10 : memref<!tpu.dma_semaphore, #tpu.memory_space<semaphore_mem>>) {add = true}
    %dma_wait3A_301 = arith.constant 2 : i32
    %dma_wait3A_302 = arith.constant 0 : i32
    %dma_wait3A_303 = arith.constant 0 : i32
    %dma_wait3A_304 = tpu.memref_slice %arg7[%dma_wait3A_301, %dma_wait3A_302, %dma_wait3A_303] : memref<16x32x128xf32, #tpu.memory_space<vmem>> -> memref<1x32x128xf32, #tpu.memory_space<vmem>>
    %dma_wait3A_305 = tpu.memref_squeeze %dma_wait3A_304 : memref<1x32x128xf32, #tpu.memory_space<vmem>> -> memref<32x128xf32, #tpu.memory_space<vmem>>
    %dma_wait3A_306 = arith.constant 0 : i32
    %dma_wait3A_307 = tpu.memref_slice %arg2[%add3A_39, %dma_wait3A_306] : memref<16384x128xf32, #tpu.memory_space<hbm>> -> memref<32x128xf32, #tpu.memory_space<hbm>>
    %dma_wait3A_308 = arith.constant 0 : i32
    %dma_wait3A_309 = arith.constant 0 : i32
    %dma_wait3A_310 = tpu.memref_slice %arg7[%dma_wait3A_301, %dma_wait3A_308, %dma_wait3A_309] : memref<16x32x128xf32, #tpu.memory_space<vmem>> -> memref<1x32x128xf32, #tpu.memory_space<vmem>>
    %dma_wait3A_311 = tpu.memref_squeeze %dma_wait3A_310 : memref<1x32x128xf32, #tpu.memory_space<vmem>> -> memref<32x128xf32, #tpu.memory_space<vmem>>
    %dma_wait3A_312 = arith.constant 0 : i32
    %dma_wait3A_313 = tpu.memref_slice %arg2[%add3A_39, %dma_wait3A_312] : memref<16384x128xf32, #tpu.memory_space<hbm>> -> memref<32x128xf32, #tpu.memory_space<hbm>>
    tpu.wait_dma2 semaphore(%arg9 : memref<!tpu.dma_semaphore, #tpu.memory_space<semaphore_mem>>) src(%dma_wait3A_313 : memref<32x128xf32, #tpu.memory_space<hbm>>) dst(%dma_wait3A_311 : memref<32x128xf32, #tpu.memory_space<vmem>>)
    %dma_start3A_314 = arith.constant 2 : i32
    %dma_start3A_315 = arith.constant 2 : i32
    %dma_start3A_316 = arith.constant 0 : i32
    %dma_start3A_317 = arith.constant 0 : i32
    %dma_start3A_318 = tpu.memref_slice %arg7[%dma_start3A_315, %dma_start3A_316, %dma_start3A_317] : memref<16x32x128xf32, #tpu.memory_space<vmem>> -> memref<1x32x128xf32, #tpu.memory_space<vmem>>
    %dma_start3A_319 = tpu.memref_squeeze %dma_start3A_318 : memref<1x32x128xf32, #tpu.memory_space<vmem>> -> memref<32x128xf32, #tpu.memory_space<vmem>>
    %dma_start3A_320 = arith.constant 0 : i32
    %dma_start3A_321 = tpu.memref_slice %arg6[%dma_start3A_314, %dma_start3A_320] : memref<16x32xi32, #tpu.memory_space<vmem>> -> memref<1x32xi32, #tpu.memory_space<vmem>>
    %dma_start3A_322 = tpu.memref_squeeze %dma_start3A_321 : memref<1x32xi32, #tpu.memory_space<vmem>> -> memref<32xi32, #tpu.memory_space<vmem>>
    %dma_start3A_323 = arith.constant 0 : i32
    %dma_start3A_324 = arith.constant 0 : i32
    %dma_start3A_325 = tpu.memref_slice %arg4[%dma_start3A_323, %dma_start3A_324] : memref<8192x128xf32, #tpu.memory_space<hbm>> -> memref<8192x128xf32, #tpu.memory_space<hbm>>
    tpu.enqueue_indirect_dma source(%dma_start3A_325 : memref<8192x128xf32, #tpu.memory_space<hbm>>) target(%dma_start3A_319 : memref<32x128xf32, #tpu.memory_space<vmem>>) offsets(%dma_start3A_322 : memref<32xi32, #tpu.memory_space<vmem>>) semaphore(%arg10 : memref<!tpu.dma_semaphore, #tpu.memory_space<semaphore_mem>>) {add = true}
    %dma_wait3A_326 = arith.constant 3 : i32
    %dma_wait3A_327 = arith.constant 0 : i32
    %dma_wait3A_328 = arith.constant 0 : i32
    %dma_wait3A_329 = tpu.memref_slice %arg7[%dma_wait3A_326, %dma_wait3A_327, %dma_wait3A_328] : memref<16x32x128xf32, #tpu.memory_space<vmem>> -> memref<1x32x128xf32, #tpu.memory_space<vmem>>
    %dma_wait3A_330 = tpu.memref_squeeze %dma_wait3A_329 : memref<1x32x128xf32, #tpu.memory_space<vmem>> -> memref<32x128xf32, #tpu.memory_space<vmem>>
    %dma_wait3A_331 = arith.constant 0 : i32
    %dma_wait3A_332 = tpu.memref_slice %arg2[%add3A_54, %dma_wait3A_331] : memref<16384x128xf32, #tpu.memory_space<hbm>> -> memref<32x128xf32, #tpu.memory_space<hbm>>
    %dma_wait3A_333 = arith.constant 0 : i32
    %dma_wait3A_334 = arith.constant 0 : i32
    %dma_wait3A_335 = tpu.memref_slice %arg7[%dma_wait3A_326, %dma_wait3A_333, %dma_wait3A_334] : memref<16x32x128xf32, #tpu.memory_space<vmem>> -> memref<1x32x128xf32, #tpu.memory_space<vmem>>
    %dma_wait3A_336 = tpu.memref_squeeze %dma_wait3A_335 : memref<1x32x128xf32, #tpu.memory_space<vmem>> -> memref<32x128xf32, #tpu.memory_space<vmem>>
    %dma_wait3A_337 = arith.constant 0 : i32
    %dma_wait3A_338 = tpu.memref_slice %arg2[%add3A_54, %dma_wait3A_337] : memref<16384x128xf32, #tpu.memory_space<hbm>> -> memref<32x128xf32, #tpu.memory_space<hbm>>
    tpu.wait_dma2 semaphore(%arg9 : memref<!tpu.dma_semaphore, #tpu.memory_space<semaphore_mem>>) src(%dma_wait3A_338 : memref<32x128xf32, #tpu.memory_space<hbm>>) dst(%dma_wait3A_336 : memref<32x128xf32, #tpu.memory_space<vmem>>)
    %dma_start3A_339 = arith.constant 3 : i32
    %dma_start3A_340 = arith.constant 3 : i32
    %dma_start3A_341 = arith.constant 0 : i32
    %dma_start3A_342 = arith.constant 0 : i32
    %dma_start3A_343 = tpu.memref_slice %arg7[%dma_start3A_340, %dma_start3A_341, %dma_start3A_342] : memref<16x32x128xf32, #tpu.memory_space<vmem>> -> memref<1x32x128xf32, #tpu.memory_space<vmem>>
    %dma_start3A_344 = tpu.memref_squeeze %dma_start3A_343 : memref<1x32x128xf32, #tpu.memory_space<vmem>> -> memref<32x128xf32, #tpu.memory_space<vmem>>
    %dma_start3A_345 = arith.constant 0 : i32
    %dma_start3A_346 = tpu.memref_slice %arg6[%dma_start3A_339, %dma_start3A_345] : memref<16x32xi32, #tpu.memory_space<vmem>> -> memref<1x32xi32, #tpu.memory_space<vmem>>
    %dma_start3A_347 = tpu.memref_squeeze %dma_start3A_346 : memref<1x32xi32, #tpu.memory_space<vmem>> -> memref<32xi32, #tpu.memory_space<vmem>>
    %dma_start3A_348 = arith.constant 0 : i32
    %dma_start3A_349 = arith.constant 0 : i32
    %dma_start3A_350 = tpu.memref_slice %arg4[%dma_start3A_348, %dma_start3A_349] : memref<8192x128xf32, #tpu.memory_space<hbm>> -> memref<8192x128xf32, #tpu.memory_space<hbm>>
    tpu.enqueue_indirect_dma source(%dma_start3A_350 : memref<8192x128xf32, #tpu.memory_space<hbm>>) target(%dma_start3A_344 : memref<32x128xf32, #tpu.memory_space<vmem>>) offsets(%dma_start3A_347 : memref<32xi32, #tpu.memory_space<vmem>>) semaphore(%arg10 : memref<!tpu.dma_semaphore, #tpu.memory_space<semaphore_mem>>) {add = true}
    %dma_wait3A_351 = arith.constant 4 : i32
    %dma_wait3A_352 = arith.constant 0 : i32
    %dma_wait3A_353 = arith.constant 0 : i32
    %dma_wait3A_354 = tpu.memref_slice %arg7[%dma_wait3A_351, %dma_wait3A_352, %dma_wait3A_353] : memref<16x32x128xf32, #tpu.memory_space<vmem>> -> memref<1x32x128xf32, #tpu.memory_space<vmem>>
    %dma_wait3A_355 = tpu.memref_squeeze %dma_wait3A_354 : memref<1x32x128xf32, #tpu.memory_space<vmem>> -> memref<32x128xf32, #tpu.memory_space<vmem>>
    %dma_wait3A_356 = arith.constant 0 : i32
    %dma_wait3A_357 = tpu.memref_slice %arg2[%add3A_69, %dma_wait3A_356] : memref<16384x128xf32, #tpu.memory_space<hbm>> -> memref<32x128xf32, #tpu.memory_space<hbm>>
    %dma_wait3A_358 = arith.constant 0 : i32
    %dma_wait3A_359 = arith.constant 0 : i32
    %dma_wait3A_360 = tpu.memref_slice %arg7[%dma_wait3A_351, %dma_wait3A_358, %dma_wait3A_359] : memref<16x32x128xf32, #tpu.memory_space<vmem>> -> memref<1x32x128xf32, #tpu.memory_space<vmem>>
    %dma_wait3A_361 = tpu.memref_squeeze %dma_wait3A_360 : memref<1x32x128xf32, #tpu.memory_space<vmem>> -> memref<32x128xf32, #tpu.memory_space<vmem>>
    %dma_wait3A_362 = arith.constant 0 : i32
    %dma_wait3A_363 = tpu.memref_slice %arg2[%add3A_69, %dma_wait3A_362] : memref<16384x128xf32, #tpu.memory_space<hbm>> -> memref<32x128xf32, #tpu.memory_space<hbm>>
    tpu.wait_dma2 semaphore(%arg9 : memref<!tpu.dma_semaphore, #tpu.memory_space<semaphore_mem>>) src(%dma_wait3A_363 : memref<32x128xf32, #tpu.memory_space<hbm>>) dst(%dma_wait3A_361 : memref<32x128xf32, #tpu.memory_space<vmem>>)
    %dma_start3A_364 = arith.constant 4 : i32
    %dma_start3A_365 = arith.constant 4 : i32
    %dma_start3A_366 = arith.constant 0 : i32
    %dma_start3A_367 = arith.constant 0 : i32
    %dma_start3A_368 = tpu.memref_slice %arg7[%dma_start3A_365, %dma_start3A_366, %dma_start3A_367] : memref<16x32x128xf32, #tpu.memory_space<vmem>> -> memref<1x32x128xf32, #tpu.memory_space<vmem>>
    %dma_start3A_369 = tpu.memref_squeeze %dma_start3A_368 : memref<1x32x128xf32, #tpu.memory_space<vmem>> -> memref<32x128xf32, #tpu.memory_space<vmem>>
    %dma_start3A_370 = arith.constant 0 : i32
    %dma_start3A_371 = tpu.memref_slice %arg6[%dma_start3A_364, %dma_start3A_370] : memref<16x32xi32, #tpu.memory_space<vmem>> -> memref<1x32xi32, #tpu.memory_space<vmem>>
    %dma_start3A_372 = tpu.memref_squeeze %dma_start3A_371 : memref<1x32xi32, #tpu.memory_space<vmem>> -> memref<32xi32, #tpu.memory_space<vmem>>
    %dma_start3A_373 = arith.constant 0 : i32
    %dma_start3A_374 = arith.constant 0 : i32
    %dma_start3A_375 = tpu.memref_slice %arg4[%dma_start3A_373, %dma_start3A_374] : memref<8192x128xf32, #tpu.memory_space<hbm>> -> memref<8192x128xf32, #tpu.memory_space<hbm>>
    tpu.enqueue_indirect_dma source(%dma_start3A_375 : memref<8192x128xf32, #tpu.memory_space<hbm>>) target(%dma_start3A_369 : memref<32x128xf32, #tpu.memory_space<vmem>>) offsets(%dma_start3A_372 : memref<32xi32, #tpu.memory_space<vmem>>) semaphore(%arg10 : memref<!tpu.dma_semaphore, #tpu.memory_space<semaphore_mem>>) {add = true}
    %dma_wait3A_376 = arith.constant 5 : i32
    %dma_wait3A_377 = arith.constant 0 : i32
    %dma_wait3A_378 = arith.constant 0 : i32
    %dma_wait3A_379 = tpu.memref_slice %arg7[%dma_wait3A_376, %dma_wait3A_377, %dma_wait3A_378] : memref<16x32x128xf32, #tpu.memory_space<vmem>> -> memref<1x32x128xf32, #tpu.memory_space<vmem>>
    %dma_wait3A_380 = tpu.memref_squeeze %dma_wait3A_379 : memref<1x32x128xf32, #tpu.memory_space<vmem>> -> memref<32x128xf32, #tpu.memory_space<vmem>>
    %dma_wait3A_381 = arith.constant 0 : i32
    %dma_wait3A_382 = tpu.memref_slice %arg2[%add3A_84, %dma_wait3A_381] : memref<16384x128xf32, #tpu.memory_space<hbm>> -> memref<32x128xf32, #tpu.memory_space<hbm>>
    %dma_wait3A_383 = arith.constant 0 : i32
    %dma_wait3A_384 = arith.constant 0 : i32
    %dma_wait3A_385 = tpu.memref_slice %arg7[%dma_wait3A_376, %dma_wait3A_383, %dma_wait3A_384] : memref<16x32x128xf32, #tpu.memory_space<vmem>> -> memref<1x32x128xf32, #tpu.memory_space<vmem>>
    %dma_wait3A_386 = tpu.memref_squeeze %dma_wait3A_385 : memref<1x32x128xf32, #tpu.memory_space<vmem>> -> memref<32x128xf32, #tpu.memory_space<vmem>>
    %dma_wait3A_387 = arith.constant 0 : i32
    %dma_wait3A_388 = tpu.memref_slice %arg2[%add3A_84, %dma_wait3A_387] : memref<16384x128xf32, #tpu.memory_space<hbm>> -> memref<32x128xf32, #tpu.memory_space<hbm>>
    tpu.wait_dma2 semaphore(%arg9 : memref<!tpu.dma_semaphore, #tpu.memory_space<semaphore_mem>>) src(%dma_wait3A_388 : memref<32x128xf32, #tpu.memory_space<hbm>>) dst(%dma_wait3A_386 : memref<32x128xf32, #tpu.memory_space<vmem>>)
    %dma_start3A_389 = arith.constant 5 : i32
    %dma_start3A_390 = arith.constant 5 : i32
    %dma_start3A_391 = arith.constant 0 : i32
    %dma_start3A_392 = arith.constant 0 : i32
    %dma_start3A_393 = tpu.memref_slice %arg7[%dma_start3A_390, %dma_start3A_391, %dma_start3A_392] : memref<16x32x128xf32, #tpu.memory_space<vmem>> -> memref<1x32x128xf32, #tpu.memory_space<vmem>>
    %dma_start3A_394 = tpu.memref_squeeze %dma_start3A_393 : memref<1x32x128xf32, #tpu.memory_space<vmem>> -> memref<32x128xf32, #tpu.memory_space<vmem>>
    %dma_start3A_395 = arith.constant 0 : i32
    %dma_start3A_396 = tpu.memref_slice %arg6[%dma_start3A_389, %dma_start3A_395] : memref<16x32xi32, #tpu.memory_space<vmem>> -> memref<1x32xi32, #tpu.memory_space<vmem>>
    %dma_start3A_397 = tpu.memref_squeeze %dma_start3A_396 : memref<1x32xi32, #tpu.memory_space<vmem>> -> memref<32xi32, #tpu.memory_space<vmem>>
    %dma_start3A_398 = arith.constant 0 : i32
    %dma_start3A_399 = arith.constant 0 : i32
    %dma_start3A_400 = tpu.memref_slice %arg4[%dma_start3A_398, %dma_start3A_399] : memref<8192x128xf32, #tpu.memory_space<hbm>> -> memref<8192x128xf32, #tpu.memory_space<hbm>>
    tpu.enqueue_indirect_dma source(%dma_start3A_400 : memref<8192x128xf32, #tpu.memory_space<hbm>>) target(%dma_start3A_394 : memref<32x128xf32, #tpu.memory_space<vmem>>) offsets(%dma_start3A_397 : memref<32xi32, #tpu.memory_space<vmem>>) semaphore(%arg10 : memref<!tpu.dma_semaphore, #tpu.memory_space<semaphore_mem>>) {add = true}
    %dma_wait3A_401 = arith.constant 6 : i32
    %dma_wait3A_402 = arith.constant 0 : i32
    %dma_wait3A_403 = arith.constant 0 : i32
    %dma_wait3A_404 = tpu.memref_slice %arg7[%dma_wait3A_401, %dma_wait3A_402, %dma_wait3A_403] : memref<16x32x128xf32, #tpu.memory_space<vmem>> -> memref<1x32x128xf32, #tpu.memory_space<vmem>>
    %dma_wait3A_405 = tpu.memref_squeeze %dma_wait3A_404 : memref<1x32x128xf32, #tpu.memory_space<vmem>> -> memref<32x128xf32, #tpu.memory_space<vmem>>
    %dma_wait3A_406 = arith.constant 0 : i32
    %dma_wait3A_407 = tpu.memref_slice %arg2[%add3A_99, %dma_wait3A_406] : memref<16384x128xf32, #tpu.memory_space<hbm>> -> memref<32x128xf32, #tpu.memory_space<hbm>>
    %dma_wait3A_408 = arith.constant 0 : i32
    %dma_wait3A_409 = arith.constant 0 : i32
    %dma_wait3A_410 = tpu.memref_slice %arg7[%dma_wait3A_401, %dma_wait3A_408, %dma_wait3A_409] : memref<16x32x128xf32, #tpu.memory_space<vmem>> -> memref<1x32x128xf32, #tpu.memory_space<vmem>>
    %dma_wait3A_411 = tpu.memref_squeeze %dma_wait3A_410 : memref<1x32x128xf32, #tpu.memory_space<vmem>> -> memref<32x128xf32, #tpu.memory_space<vmem>>
    %dma_wait3A_412 = arith.constant 0 : i32
    %dma_wait3A_413 = tpu.memref_slice %arg2[%add3A_99, %dma_wait3A_412] : memref<16384x128xf32, #tpu.memory_space<hbm>> -> memref<32x128xf32, #tpu.memory_space<hbm>>
    tpu.wait_dma2 semaphore(%arg9 : memref<!tpu.dma_semaphore, #tpu.memory_space<semaphore_mem>>) src(%dma_wait3A_413 : memref<32x128xf32, #tpu.memory_space<hbm>>) dst(%dma_wait3A_411 : memref<32x128xf32, #tpu.memory_space<vmem>>)
    %dma_start3A_414 = arith.constant 6 : i32
    %dma_start3A_415 = arith.constant 6 : i32
    %dma_start3A_416 = arith.constant 0 : i32
    %dma_start3A_417 = arith.constant 0 : i32
    %dma_start3A_418 = tpu.memref_slice %arg7[%dma_start3A_415, %dma_start3A_416, %dma_start3A_417] : memref<16x32x128xf32, #tpu.memory_space<vmem>> -> memref<1x32x128xf32, #tpu.memory_space<vmem>>
    %dma_start3A_419 = tpu.memref_squeeze %dma_start3A_418 : memref<1x32x128xf32, #tpu.memory_space<vmem>> -> memref<32x128xf32, #tpu.memory_space<vmem>>
    %dma_start3A_420 = arith.constant 0 : i32
    %dma_start3A_421 = tpu.memref_slice %arg6[%dma_start3A_414, %dma_start3A_420] : memref<16x32xi32, #tpu.memory_space<vmem>> -> memref<1x32xi32, #tpu.memory_space<vmem>>
    %dma_start3A_422 = tpu.memref_squeeze %dma_start3A_421 : memref<1x32xi32, #tpu.memory_space<vmem>> -> memref<32xi32, #tpu.memory_space<vmem>>
    %dma_start3A_423 = arith.constant 0 : i32
    %dma_start3A_424 = arith.constant 0 : i32
    %dma_start3A_425 = tpu.memref_slice %arg4[%dma_start3A_423, %dma_start3A_424] : memref<8192x128xf32, #tpu.memory_space<hbm>> -> memref<8192x128xf32, #tpu.memory_space<hbm>>
    tpu.enqueue_indirect_dma source(%dma_start3A_425 : memref<8192x128xf32, #tpu.memory_space<hbm>>) target(%dma_start3A_419 : memref<32x128xf32, #tpu.memory_space<vmem>>) offsets(%dma_start3A_422 : memref<32xi32, #tpu.memory_space<vmem>>) semaphore(%arg10 : memref<!tpu.dma_semaphore, #tpu.memory_space<semaphore_mem>>) {add = true}
    %dma_wait3A_426 = arith.constant 7 : i32
    %dma_wait3A_427 = arith.constant 0 : i32
    %dma_wait3A_428 = arith.constant 0 : i32
    %dma_wait3A_429 = tpu.memref_slice %arg7[%dma_wait3A_426, %dma_wait3A_427, %dma_wait3A_428] : memref<16x32x128xf32, #tpu.memory_space<vmem>> -> memref<1x32x128xf32, #tpu.memory_space<vmem>>
    %dma_wait3A_430 = tpu.memref_squeeze %dma_wait3A_429 : memref<1x32x128xf32, #tpu.memory_space<vmem>> -> memref<32x128xf32, #tpu.memory_space<vmem>>
    %dma_wait3A_431 = arith.constant 0 : i32
    %dma_wait3A_432 = tpu.memref_slice %arg2[%add3A_114, %dma_wait3A_431] : memref<16384x128xf32, #tpu.memory_space<hbm>> -> memref<32x128xf32, #tpu.memory_space<hbm>>
    %dma_wait3A_433 = arith.constant 0 : i32
    %dma_wait3A_434 = arith.constant 0 : i32
    %dma_wait3A_435 = tpu.memref_slice %arg7[%dma_wait3A_426, %dma_wait3A_433, %dma_wait3A_434] : memref<16x32x128xf32, #tpu.memory_space<vmem>> -> memref<1x32x128xf32, #tpu.memory_space<vmem>>
    %dma_wait3A_436 = tpu.memref_squeeze %dma_wait3A_435 : memref<1x32x128xf32, #tpu.memory_space<vmem>> -> memref<32x128xf32, #tpu.memory_space<vmem>>
    %dma_wait3A_437 = arith.constant 0 : i32
    %dma_wait3A_438 = tpu.memref_slice %arg2[%add3A_114, %dma_wait3A_437] : memref<16384x128xf32, #tpu.memory_space<hbm>> -> memref<32x128xf32, #tpu.memory_space<hbm>>
    tpu.wait_dma2 semaphore(%arg9 : memref<!tpu.dma_semaphore, #tpu.memory_space<semaphore_mem>>) src(%dma_wait3A_438 : memref<32x128xf32, #tpu.memory_space<hbm>>) dst(%dma_wait3A_436 : memref<32x128xf32, #tpu.memory_space<vmem>>)
    %dma_start3A_439 = arith.constant 7 : i32
    %dma_start3A_440 = arith.constant 7 : i32
    %dma_start3A_441 = arith.constant 0 : i32
    %dma_start3A_442 = arith.constant 0 : i32
    %dma_start3A_443 = tpu.memref_slice %arg7[%dma_start3A_440, %dma_start3A_441, %dma_start3A_442] : memref<16x32x128xf32, #tpu.memory_space<vmem>> -> memref<1x32x128xf32, #tpu.memory_space<vmem>>
    %dma_start3A_444 = tpu.memref_squeeze %dma_start3A_443 : memref<1x32x128xf32, #tpu.memory_space<vmem>> -> memref<32x128xf32, #tpu.memory_space<vmem>>
    %dma_start3A_445 = arith.constant 0 : i32
    %dma_start3A_446 = tpu.memref_slice %arg6[%dma_start3A_439, %dma_start3A_445] : memref<16x32xi32, #tpu.memory_space<vmem>> -> memref<1x32xi32, #tpu.memory_space<vmem>>
    %dma_start3A_447 = tpu.memref_squeeze %dma_start3A_446 : memref<1x32xi32, #tpu.memory_space<vmem>> -> memref<32xi32, #tpu.memory_space<vmem>>
    %dma_start3A_448 = arith.constant 0 : i32
    %dma_start3A_449 = arith.constant 0 : i32
    %dma_start3A_450 = tpu.memref_slice %arg4[%dma_start3A_448, %dma_start3A_449] : memref<8192x128xf32, #tpu.memory_space<hbm>> -> memref<8192x128xf32, #tpu.memory_space<hbm>>
    tpu.enqueue_indirect_dma source(%dma_start3A_450 : memref<8192x128xf32, #tpu.memory_space<hbm>>) target(%dma_start3A_444 : memref<32x128xf32, #tpu.memory_space<vmem>>) offsets(%dma_start3A_447 : memref<32xi32, #tpu.memory_space<vmem>>) semaphore(%arg10 : memref<!tpu.dma_semaphore, #tpu.memory_space<semaphore_mem>>) {add = true}
    %dma_wait3A_451 = arith.constant 8 : i32
    %dma_wait3A_452 = arith.constant 0 : i32
    %dma_wait3A_453 = arith.constant 0 : i32
    %dma_wait3A_454 = tpu.memref_slice %arg7[%dma_wait3A_451, %dma_wait3A_452, %dma_wait3A_453] : memref<16x32x128xf32, #tpu.memory_space<vmem>> -> memref<1x32x128xf32, #tpu.memory_space<vmem>>
    %dma_wait3A_455 = tpu.memref_squeeze %dma_wait3A_454 : memref<1x32x128xf32, #tpu.memory_space<vmem>> -> memref<32x128xf32, #tpu.memory_space<vmem>>
    %dma_wait3A_456 = arith.constant 0 : i32
    %dma_wait3A_457 = tpu.memref_slice %arg2[%add3A_129, %dma_wait3A_456] : memref<16384x128xf32, #tpu.memory_space<hbm>> -> memref<32x128xf32, #tpu.memory_space<hbm>>
    %dma_wait3A_458 = arith.constant 0 : i32
    %dma_wait3A_459 = arith.constant 0 : i32
    %dma_wait3A_460 = tpu.memref_slice %arg7[%dma_wait3A_451, %dma_wait3A_458, %dma_wait3A_459] : memref<16x32x128xf32, #tpu.memory_space<vmem>> -> memref<1x32x128xf32, #tpu.memory_space<vmem>>
    %dma_wait3A_461 = tpu.memref_squeeze %dma_wait3A_460 : memref<1x32x128xf32, #tpu.memory_space<vmem>> -> memref<32x128xf32, #tpu.memory_space<vmem>>
    %dma_wait3A_462 = arith.constant 0 : i32
    %dma_wait3A_463 = tpu.memref_slice %arg2[%add3A_129, %dma_wait3A_462] : memref<16384x128xf32, #tpu.memory_space<hbm>> -> memref<32x128xf32, #tpu.memory_space<hbm>>
    tpu.wait_dma2 semaphore(%arg9 : memref<!tpu.dma_semaphore, #tpu.memory_space<semaphore_mem>>) src(%dma_wait3A_463 : memref<32x128xf32, #tpu.memory_space<hbm>>) dst(%dma_wait3A_461 : memref<32x128xf32, #tpu.memory_space<vmem>>)
    %dma_start3A_464 = arith.constant 8 : i32
    %dma_start3A_465 = arith.constant 8 : i32
    %dma_start3A_466 = arith.constant 0 : i32
    %dma_start3A_467 = arith.constant 0 : i32
    %dma_start3A_468 = tpu.memref_slice %arg7[%dma_start3A_465, %dma_start3A_466, %dma_start3A_467] : memref<16x32x128xf32, #tpu.memory_space<vmem>> -> memref<1x32x128xf32, #tpu.memory_space<vmem>>
    %dma_start3A_469 = tpu.memref_squeeze %dma_start3A_468 : memref<1x32x128xf32, #tpu.memory_space<vmem>> -> memref<32x128xf32, #tpu.memory_space<vmem>>
    %dma_start3A_470 = arith.constant 0 : i32
    %dma_start3A_471 = tpu.memref_slice %arg6[%dma_start3A_464, %dma_start3A_470] : memref<16x32xi32, #tpu.memory_space<vmem>> -> memref<1x32xi32, #tpu.memory_space<vmem>>
    %dma_start3A_472 = tpu.memref_squeeze %dma_start3A_471 : memref<1x32xi32, #tpu.memory_space<vmem>> -> memref<32xi32, #tpu.memory_space<vmem>>
    %dma_start3A_473 = arith.constant 0 : i32
    %dma_start3A_474 = arith.constant 0 : i32
    %dma_start3A_475 = tpu.memref_slice %arg4[%dma_start3A_473, %dma_start3A_474] : memref<8192x128xf32, #tpu.memory_space<hbm>> -> memref<8192x128xf32, #tpu.memory_space<hbm>>
    tpu.enqueue_indirect_dma source(%dma_start3A_475 : memref<8192x128xf32, #tpu.memory_space<hbm>>) target(%dma_start3A_469 : memref<32x128xf32, #tpu.memory_space<vmem>>) offsets(%dma_start3A_472 : memref<32xi32, #tpu.memory_space<vmem>>) semaphore(%arg10 : memref<!tpu.dma_semaphore, #tpu.memory_space<semaphore_mem>>) {add = true}
    %dma_wait3A_476 = arith.constant 9 : i32
    %dma_wait3A_477 = arith.constant 0 : i32
    %dma_wait3A_478 = arith.constant 0 : i32
    %dma_wait3A_479 = tpu.memref_slice %arg7[%dma_wait3A_476, %dma_wait3A_477, %dma_wait3A_478] : memref<16x32x128xf32, #tpu.memory_space<vmem>> -> memref<1x32x128xf32, #tpu.memory_space<vmem>>
    %dma_wait3A_480 = tpu.memref_squeeze %dma_wait3A_479 : memref<1x32x128xf32, #tpu.memory_space<vmem>> -> memref<32x128xf32, #tpu.memory_space<vmem>>
    %dma_wait3A_481 = arith.constant 0 : i32
    %dma_wait3A_482 = tpu.memref_slice %arg2[%add3A_144, %dma_wait3A_481] : memref<16384x128xf32, #tpu.memory_space<hbm>> -> memref<32x128xf32, #tpu.memory_space<hbm>>
    %dma_wait3A_483 = arith.constant 0 : i32
    %dma_wait3A_484 = arith.constant 0 : i32
    %dma_wait3A_485 = tpu.memref_slice %arg7[%dma_wait3A_476, %dma_wait3A_483, %dma_wait3A_484] : memref<16x32x128xf32, #tpu.memory_space<vmem>> -> memref<1x32x128xf32, #tpu.memory_space<vmem>>
    %dma_wait3A_486 = tpu.memref_squeeze %dma_wait3A_485 : memref<1x32x128xf32, #tpu.memory_space<vmem>> -> memref<32x128xf32, #tpu.memory_space<vmem>>
    %dma_wait3A_487 = arith.constant 0 : i32
    %dma_wait3A_488 = tpu.memref_slice %arg2[%add3A_144, %dma_wait3A_487] : memref<16384x128xf32, #tpu.memory_space<hbm>> -> memref<32x128xf32, #tpu.memory_space<hbm>>
    tpu.wait_dma2 semaphore(%arg9 : memref<!tpu.dma_semaphore, #tpu.memory_space<semaphore_mem>>) src(%dma_wait3A_488 : memref<32x128xf32, #tpu.memory_space<hbm>>) dst(%dma_wait3A_486 : memref<32x128xf32, #tpu.memory_space<vmem>>)
    %dma_start3A_489 = arith.constant 9 : i32
    %dma_start3A_490 = arith.constant 9 : i32
    %dma_start3A_491 = arith.constant 0 : i32
    %dma_start3A_492 = arith.constant 0 : i32
    %dma_start3A_493 = tpu.memref_slice %arg7[%dma_start3A_490, %dma_start3A_491, %dma_start3A_492] : memref<16x32x128xf32, #tpu.memory_space<vmem>> -> memref<1x32x128xf32, #tpu.memory_space<vmem>>
    %dma_start3A_494 = tpu.memref_squeeze %dma_start3A_493 : memref<1x32x128xf32, #tpu.memory_space<vmem>> -> memref<32x128xf32, #tpu.memory_space<vmem>>
    %dma_start3A_495 = arith.constant 0 : i32
    %dma_start3A_496 = tpu.memref_slice %arg6[%dma_start3A_489, %dma_start3A_495] : memref<16x32xi32, #tpu.memory_space<vmem>> -> memref<1x32xi32, #tpu.memory_space<vmem>>
    %dma_start3A_497 = tpu.memref_squeeze %dma_start3A_496 : memref<1x32xi32, #tpu.memory_space<vmem>> -> memref<32xi32, #tpu.memory_space<vmem>>
    %dma_start3A_498 = arith.constant 0 : i32
    %dma_start3A_499 = arith.constant 0 : i32
    %dma_start3A_500 = tpu.memref_slice %arg4[%dma_start3A_498, %dma_start3A_499] : memref<8192x128xf32, #tpu.memory_space<hbm>> -> memref<8192x128xf32, #tpu.memory_space<hbm>>
    tpu.enqueue_indirect_dma source(%dma_start3A_500 : memref<8192x128xf32, #tpu.memory_space<hbm>>) target(%dma_start3A_494 : memref<32x128xf32, #tpu.memory_space<vmem>>) offsets(%dma_start3A_497 : memref<32xi32, #tpu.memory_space<vmem>>) semaphore(%arg10 : memref<!tpu.dma_semaphore, #tpu.memory_space<semaphore_mem>>) {add = true}
    %dma_wait3A_501 = arith.constant 10 : i32
    %dma_wait3A_502 = arith.constant 0 : i32
    %dma_wait3A_503 = arith.constant 0 : i32
    %dma_wait3A_504 = tpu.memref_slice %arg7[%dma_wait3A_501, %dma_wait3A_502, %dma_wait3A_503] : memref<16x32x128xf32, #tpu.memory_space<vmem>> -> memref<1x32x128xf32, #tpu.memory_space<vmem>>
    %dma_wait3A_505 = tpu.memref_squeeze %dma_wait3A_504 : memref<1x32x128xf32, #tpu.memory_space<vmem>> -> memref<32x128xf32, #tpu.memory_space<vmem>>
    %dma_wait3A_506 = arith.constant 0 : i32
    %dma_wait3A_507 = tpu.memref_slice %arg2[%add3A_159, %dma_wait3A_506] : memref<16384x128xf32, #tpu.memory_space<hbm>> -> memref<32x128xf32, #tpu.memory_space<hbm>>
    %dma_wait3A_508 = arith.constant 0 : i32
    %dma_wait3A_509 = arith.constant 0 : i32
    %dma_wait3A_510 = tpu.memref_slice %arg7[%dma_wait3A_501, %dma_wait3A_508, %dma_wait3A_509] : memref<16x32x128xf32, #tpu.memory_space<vmem>> -> memref<1x32x128xf32, #tpu.memory_space<vmem>>
    %dma_wait3A_511 = tpu.memref_squeeze %dma_wait3A_510 : memref<1x32x128xf32, #tpu.memory_space<vmem>> -> memref<32x128xf32, #tpu.memory_space<vmem>>
    %dma_wait3A_512 = arith.constant 0 : i32
    %dma_wait3A_513 = tpu.memref_slice %arg2[%add3A_159, %dma_wait3A_512] : memref<16384x128xf32, #tpu.memory_space<hbm>> -> memref<32x128xf32, #tpu.memory_space<hbm>>
    tpu.wait_dma2 semaphore(%arg9 : memref<!tpu.dma_semaphore, #tpu.memory_space<semaphore_mem>>) src(%dma_wait3A_513 : memref<32x128xf32, #tpu.memory_space<hbm>>) dst(%dma_wait3A_511 : memref<32x128xf32, #tpu.memory_space<vmem>>)
    %dma_start3A_514 = arith.constant 10 : i32
    %dma_start3A_515 = arith.constant 10 : i32
    %dma_start3A_516 = arith.constant 0 : i32
    %dma_start3A_517 = arith.constant 0 : i32
    %dma_start3A_518 = tpu.memref_slice %arg7[%dma_start3A_515, %dma_start3A_516, %dma_start3A_517] : memref<16x32x128xf32, #tpu.memory_space<vmem>> -> memref<1x32x128xf32, #tpu.memory_space<vmem>>
    %dma_start3A_519 = tpu.memref_squeeze %dma_start3A_518 : memref<1x32x128xf32, #tpu.memory_space<vmem>> -> memref<32x128xf32, #tpu.memory_space<vmem>>
    %dma_start3A_520 = arith.constant 0 : i32
    %dma_start3A_521 = tpu.memref_slice %arg6[%dma_start3A_514, %dma_start3A_520] : memref<16x32xi32, #tpu.memory_space<vmem>> -> memref<1x32xi32, #tpu.memory_space<vmem>>
    %dma_start3A_522 = tpu.memref_squeeze %dma_start3A_521 : memref<1x32xi32, #tpu.memory_space<vmem>> -> memref<32xi32, #tpu.memory_space<vmem>>
    %dma_start3A_523 = arith.constant 0 : i32
    %dma_start3A_524 = arith.constant 0 : i32
    %dma_start3A_525 = tpu.memref_slice %arg4[%dma_start3A_523, %dma_start3A_524] : memref<8192x128xf32, #tpu.memory_space<hbm>> -> memref<8192x128xf32, #tpu.memory_space<hbm>>
    tpu.enqueue_indirect_dma source(%dma_start3A_525 : memref<8192x128xf32, #tpu.memory_space<hbm>>) target(%dma_start3A_519 : memref<32x128xf32, #tpu.memory_space<vmem>>) offsets(%dma_start3A_522 : memref<32xi32, #tpu.memory_space<vmem>>) semaphore(%arg10 : memref<!tpu.dma_semaphore, #tpu.memory_space<semaphore_mem>>) {add = true}
    %dma_wait3A_526 = arith.constant 11 : i32
    %dma_wait3A_527 = arith.constant 0 : i32
    %dma_wait3A_528 = arith.constant 0 : i32
    %dma_wait3A_529 = tpu.memref_slice %arg7[%dma_wait3A_526, %dma_wait3A_527, %dma_wait3A_528] : memref<16x32x128xf32, #tpu.memory_space<vmem>> -> memref<1x32x128xf32, #tpu.memory_space<vmem>>
    %dma_wait3A_530 = tpu.memref_squeeze %dma_wait3A_529 : memref<1x32x128xf32, #tpu.memory_space<vmem>> -> memref<32x128xf32, #tpu.memory_space<vmem>>
    %dma_wait3A_531 = arith.constant 0 : i32
    %dma_wait3A_532 = tpu.memref_slice %arg2[%add3A_174, %dma_wait3A_531] : memref<16384x128xf32, #tpu.memory_space<hbm>> -> memref<32x128xf32, #tpu.memory_space<hbm>>
    %dma_wait3A_533 = arith.constant 0 : i32
    %dma_wait3A_534 = arith.constant 0 : i32
    %dma_wait3A_535 = tpu.memref_slice %arg7[%dma_wait3A_526, %dma_wait3A_533, %dma_wait3A_534] : memref<16x32x128xf32, #tpu.memory_space<vmem>> -> memref<1x32x128xf32, #tpu.memory_space<vmem>>
    %dma_wait3A_536 = tpu.memref_squeeze %dma_wait3A_535 : memref<1x32x128xf32, #tpu.memory_space<vmem>> -> memref<32x128xf32, #tpu.memory_space<vmem>>
    %dma_wait3A_537 = arith.constant 0 : i32
    %dma_wait3A_538 = tpu.memref_slice %arg2[%add3A_174, %dma_wait3A_537] : memref<16384x128xf32, #tpu.memory_space<hbm>> -> memref<32x128xf32, #tpu.memory_space<hbm>>
    tpu.wait_dma2 semaphore(%arg9 : memref<!tpu.dma_semaphore, #tpu.memory_space<semaphore_mem>>) src(%dma_wait3A_538 : memref<32x128xf32, #tpu.memory_space<hbm>>) dst(%dma_wait3A_536 : memref<32x128xf32, #tpu.memory_space<vmem>>)
    %dma_start3A_539 = arith.constant 11 : i32
    %dma_start3A_540 = arith.constant 11 : i32
    %dma_start3A_541 = arith.constant 0 : i32
    %dma_start3A_542 = arith.constant 0 : i32
    %dma_start3A_543 = tpu.memref_slice %arg7[%dma_start3A_540, %dma_start3A_541, %dma_start3A_542] : memref<16x32x128xf32, #tpu.memory_space<vmem>> -> memref<1x32x128xf32, #tpu.memory_space<vmem>>
    %dma_start3A_544 = tpu.memref_squeeze %dma_start3A_543 : memref<1x32x128xf32, #tpu.memory_space<vmem>> -> memref<32x128xf32, #tpu.memory_space<vmem>>
    %dma_start3A_545 = arith.constant 0 : i32
    %dma_start3A_546 = tpu.memref_slice %arg6[%dma_start3A_539, %dma_start3A_545] : memref<16x32xi32, #tpu.memory_space<vmem>> -> memref<1x32xi32, #tpu.memory_space<vmem>>
    %dma_start3A_547 = tpu.memref_squeeze %dma_start3A_546 : memref<1x32xi32, #tpu.memory_space<vmem>> -> memref<32xi32, #tpu.memory_space<vmem>>
    %dma_start3A_548 = arith.constant 0 : i32
    %dma_start3A_549 = arith.constant 0 : i32
    %dma_start3A_550 = tpu.memref_slice %arg4[%dma_start3A_548, %dma_start3A_549] : memref<8192x128xf32, #tpu.memory_space<hbm>> -> memref<8192x128xf32, #tpu.memory_space<hbm>>
    tpu.enqueue_indirect_dma source(%dma_start3A_550 : memref<8192x128xf32, #tpu.memory_space<hbm>>) target(%dma_start3A_544 : memref<32x128xf32, #tpu.memory_space<vmem>>) offsets(%dma_start3A_547 : memref<32xi32, #tpu.memory_space<vmem>>) semaphore(%arg10 : memref<!tpu.dma_semaphore, #tpu.memory_space<semaphore_mem>>) {add = true}
    %dma_wait3A_551 = arith.constant 12 : i32
    %dma_wait3A_552 = arith.constant 0 : i32
    %dma_wait3A_553 = arith.constant 0 : i32
    %dma_wait3A_554 = tpu.memref_slice %arg7[%dma_wait3A_551, %dma_wait3A_552, %dma_wait3A_553] : memref<16x32x128xf32, #tpu.memory_space<vmem>> -> memref<1x32x128xf32, #tpu.memory_space<vmem>>
    %dma_wait3A_555 = tpu.memref_squeeze %dma_wait3A_554 : memref<1x32x128xf32, #tpu.memory_space<vmem>> -> memref<32x128xf32, #tpu.memory_space<vmem>>
    %dma_wait3A_556 = arith.constant 0 : i32
    %dma_wait3A_557 = tpu.memref_slice %arg2[%add3A_189, %dma_wait3A_556] : memref<16384x128xf32, #tpu.memory_space<hbm>> -> memref<32x128xf32, #tpu.memory_space<hbm>>
    %dma_wait3A_558 = arith.constant 0 : i32
    %dma_wait3A_559 = arith.constant 0 : i32
    %dma_wait3A_560 = tpu.memref_slice %arg7[%dma_wait3A_551, %dma_wait3A_558, %dma_wait3A_559] : memref<16x32x128xf32, #tpu.memory_space<vmem>> -> memref<1x32x128xf32, #tpu.memory_space<vmem>>
    %dma_wait3A_561 = tpu.memref_squeeze %dma_wait3A_560 : memref<1x32x128xf32, #tpu.memory_space<vmem>> -> memref<32x128xf32, #tpu.memory_space<vmem>>
    %dma_wait3A_562 = arith.constant 0 : i32
    %dma_wait3A_563 = tpu.memref_slice %arg2[%add3A_189, %dma_wait3A_562] : memref<16384x128xf32, #tpu.memory_space<hbm>> -> memref<32x128xf32, #tpu.memory_space<hbm>>
    tpu.wait_dma2 semaphore(%arg9 : memref<!tpu.dma_semaphore, #tpu.memory_space<semaphore_mem>>) src(%dma_wait3A_563 : memref<32x128xf32, #tpu.memory_space<hbm>>) dst(%dma_wait3A_561 : memref<32x128xf32, #tpu.memory_space<vmem>>)
    %dma_start3A_564 = arith.constant 12 : i32
    %dma_start3A_565 = arith.constant 12 : i32
    %dma_start3A_566 = arith.constant 0 : i32
    %dma_start3A_567 = arith.constant 0 : i32
    %dma_start3A_568 = tpu.memref_slice %arg7[%dma_start3A_565, %dma_start3A_566, %dma_start3A_567] : memref<16x32x128xf32, #tpu.memory_space<vmem>> -> memref<1x32x128xf32, #tpu.memory_space<vmem>>
    %dma_start3A_569 = tpu.memref_squeeze %dma_start3A_568 : memref<1x32x128xf32, #tpu.memory_space<vmem>> -> memref<32x128xf32, #tpu.memory_space<vmem>>
    %dma_start3A_570 = arith.constant 0 : i32
    %dma_start3A_571 = tpu.memref_slice %arg6[%dma_start3A_564, %dma_start3A_570] : memref<16x32xi32, #tpu.memory_space<vmem>> -> memref<1x32xi32, #tpu.memory_space<vmem>>
    %dma_start3A_572 = tpu.memref_squeeze %dma_start3A_571 : memref<1x32xi32, #tpu.memory_space<vmem>> -> memref<32xi32, #tpu.memory_space<vmem>>
    %dma_start3A_573 = arith.constant 0 : i32
    %dma_start3A_574 = arith.constant 0 : i32
    %dma_start3A_575 = tpu.memref_slice %arg4[%dma_start3A_573, %dma_start3A_574] : memref<8192x128xf32, #tpu.memory_space<hbm>> -> memref<8192x128xf32, #tpu.memory_space<hbm>>
    tpu.enqueue_indirect_dma source(%dma_start3A_575 : memref<8192x128xf32, #tpu.memory_space<hbm>>) target(%dma_start3A_569 : memref<32x128xf32, #tpu.memory_space<vmem>>) offsets(%dma_start3A_572 : memref<32xi32, #tpu.memory_space<vmem>>) semaphore(%arg10 : memref<!tpu.dma_semaphore, #tpu.memory_space<semaphore_mem>>) {add = true}
    %dma_wait3A_576 = arith.constant 13 : i32
    %dma_wait3A_577 = arith.constant 0 : i32
    %dma_wait3A_578 = arith.constant 0 : i32
    %dma_wait3A_579 = tpu.memref_slice %arg7[%dma_wait3A_576, %dma_wait3A_577, %dma_wait3A_578] : memref<16x32x128xf32, #tpu.memory_space<vmem>> -> memref<1x32x128xf32, #tpu.memory_space<vmem>>
    %dma_wait3A_580 = tpu.memref_squeeze %dma_wait3A_579 : memref<1x32x128xf32, #tpu.memory_space<vmem>> -> memref<32x128xf32, #tpu.memory_space<vmem>>
    %dma_wait3A_581 = arith.constant 0 : i32
    %dma_wait3A_582 = tpu.memref_slice %arg2[%add3A_204, %dma_wait3A_581] : memref<16384x128xf32, #tpu.memory_space<hbm>> -> memref<32x128xf32, #tpu.memory_space<hbm>>
    %dma_wait3A_583 = arith.constant 0 : i32
    %dma_wait3A_584 = arith.constant 0 : i32
    %dma_wait3A_585 = tpu.memref_slice %arg7[%dma_wait3A_576, %dma_wait3A_583, %dma_wait3A_584] : memref<16x32x128xf32, #tpu.memory_space<vmem>> -> memref<1x32x128xf32, #tpu.memory_space<vmem>>
    %dma_wait3A_586 = tpu.memref_squeeze %dma_wait3A_585 : memref<1x32x128xf32, #tpu.memory_space<vmem>> -> memref<32x128xf32, #tpu.memory_space<vmem>>
    %dma_wait3A_587 = arith.constant 0 : i32
    %dma_wait3A_588 = tpu.memref_slice %arg2[%add3A_204, %dma_wait3A_587] : memref<16384x128xf32, #tpu.memory_space<hbm>> -> memref<32x128xf32, #tpu.memory_space<hbm>>
    tpu.wait_dma2 semaphore(%arg9 : memref<!tpu.dma_semaphore, #tpu.memory_space<semaphore_mem>>) src(%dma_wait3A_588 : memref<32x128xf32, #tpu.memory_space<hbm>>) dst(%dma_wait3A_586 : memref<32x128xf32, #tpu.memory_space<vmem>>)
    %dma_start3A_589 = arith.constant 13 : i32
    %dma_start3A_590 = arith.constant 13 : i32
    %dma_start3A_591 = arith.constant 0 : i32
    %dma_start3A_592 = arith.constant 0 : i32
    %dma_start3A_593 = tpu.memref_slice %arg7[%dma_start3A_590, %dma_start3A_591, %dma_start3A_592] : memref<16x32x128xf32, #tpu.memory_space<vmem>> -> memref<1x32x128xf32, #tpu.memory_space<vmem>>
    %dma_start3A_594 = tpu.memref_squeeze %dma_start3A_593 : memref<1x32x128xf32, #tpu.memory_space<vmem>> -> memref<32x128xf32, #tpu.memory_space<vmem>>
    %dma_start3A_595 = arith.constant 0 : i32
    %dma_start3A_596 = tpu.memref_slice %arg6[%dma_start3A_589, %dma_start3A_595] : memref<16x32xi32, #tpu.memory_space<vmem>> -> memref<1x32xi32, #tpu.memory_space<vmem>>
    %dma_start3A_597 = tpu.memref_squeeze %dma_start3A_596 : memref<1x32xi32, #tpu.memory_space<vmem>> -> memref<32xi32, #tpu.memory_space<vmem>>
    %dma_start3A_598 = arith.constant 0 : i32
    %dma_start3A_599 = arith.constant 0 : i32
    %dma_start3A_600 = tpu.memref_slice %arg4[%dma_start3A_598, %dma_start3A_599] : memref<8192x128xf32, #tpu.memory_space<hbm>> -> memref<8192x128xf32, #tpu.memory_space<hbm>>
    tpu.enqueue_indirect_dma source(%dma_start3A_600 : memref<8192x128xf32, #tpu.memory_space<hbm>>) target(%dma_start3A_594 : memref<32x128xf32, #tpu.memory_space<vmem>>) offsets(%dma_start3A_597 : memref<32xi32, #tpu.memory_space<vmem>>) semaphore(%arg10 : memref<!tpu.dma_semaphore, #tpu.memory_space<semaphore_mem>>) {add = true}
    %dma_wait3A_601 = arith.constant 14 : i32
    %dma_wait3A_602 = arith.constant 0 : i32
    %dma_wait3A_603 = arith.constant 0 : i32
    %dma_wait3A_604 = tpu.memref_slice %arg7[%dma_wait3A_601, %dma_wait3A_602, %dma_wait3A_603] : memref<16x32x128xf32, #tpu.memory_space<vmem>> -> memref<1x32x128xf32, #tpu.memory_space<vmem>>
    %dma_wait3A_605 = tpu.memref_squeeze %dma_wait3A_604 : memref<1x32x128xf32, #tpu.memory_space<vmem>> -> memref<32x128xf32, #tpu.memory_space<vmem>>
    %dma_wait3A_606 = arith.constant 0 : i32
    %dma_wait3A_607 = tpu.memref_slice %arg2[%add3A_219, %dma_wait3A_606] : memref<16384x128xf32, #tpu.memory_space<hbm>> -> memref<32x128xf32, #tpu.memory_space<hbm>>
    %dma_wait3A_608 = arith.constant 0 : i32
    %dma_wait3A_609 = arith.constant 0 : i32
    %dma_wait3A_610 = tpu.memref_slice %arg7[%dma_wait3A_601, %dma_wait3A_608, %dma_wait3A_609] : memref<16x32x128xf32, #tpu.memory_space<vmem>> -> memref<1x32x128xf32, #tpu.memory_space<vmem>>
    %dma_wait3A_611 = tpu.memref_squeeze %dma_wait3A_610 : memref<1x32x128xf32, #tpu.memory_space<vmem>> -> memref<32x128xf32, #tpu.memory_space<vmem>>
    %dma_wait3A_612 = arith.constant 0 : i32
    %dma_wait3A_613 = tpu.memref_slice %arg2[%add3A_219, %dma_wait3A_612] : memref<16384x128xf32, #tpu.memory_space<hbm>> -> memref<32x128xf32, #tpu.memory_space<hbm>>
    tpu.wait_dma2 semaphore(%arg9 : memref<!tpu.dma_semaphore, #tpu.memory_space<semaphore_mem>>) src(%dma_wait3A_613 : memref<32x128xf32, #tpu.memory_space<hbm>>) dst(%dma_wait3A_611 : memref<32x128xf32, #tpu.memory_space<vmem>>)
    %dma_start3A_614 = arith.constant 14 : i32
    %dma_start3A_615 = arith.constant 14 : i32
    %dma_start3A_616 = arith.constant 0 : i32
    %dma_start3A_617 = arith.constant 0 : i32
    %dma_start3A_618 = tpu.memref_slice %arg7[%dma_start3A_615, %dma_start3A_616, %dma_start3A_617] : memref<16x32x128xf32, #tpu.memory_space<vmem>> -> memref<1x32x128xf32, #tpu.memory_space<vmem>>
    %dma_start3A_619 = tpu.memref_squeeze %dma_start3A_618 : memref<1x32x128xf32, #tpu.memory_space<vmem>> -> memref<32x128xf32, #tpu.memory_space<vmem>>
    %dma_start3A_620 = arith.constant 0 : i32
    %dma_start3A_621 = tpu.memref_slice %arg6[%dma_start3A_614, %dma_start3A_620] : memref<16x32xi32, #tpu.memory_space<vmem>> -> memref<1x32xi32, #tpu.memory_space<vmem>>
    %dma_start3A_622 = tpu.memref_squeeze %dma_start3A_621 : memref<1x32xi32, #tpu.memory_space<vmem>> -> memref<32xi32, #tpu.memory_space<vmem>>
    %dma_start3A_623 = arith.constant 0 : i32
    %dma_start3A_624 = arith.constant 0 : i32
    %dma_start3A_625 = tpu.memref_slice %arg4[%dma_start3A_623, %dma_start3A_624] : memref<8192x128xf32, #tpu.memory_space<hbm>> -> memref<8192x128xf32, #tpu.memory_space<hbm>>
    tpu.enqueue_indirect_dma source(%dma_start3A_625 : memref<8192x128xf32, #tpu.memory_space<hbm>>) target(%dma_start3A_619 : memref<32x128xf32, #tpu.memory_space<vmem>>) offsets(%dma_start3A_622 : memref<32xi32, #tpu.memory_space<vmem>>) semaphore(%arg10 : memref<!tpu.dma_semaphore, #tpu.memory_space<semaphore_mem>>) {add = true}
    %dma_wait3A_626 = arith.constant 15 : i32
    %dma_wait3A_627 = arith.constant 0 : i32
    %dma_wait3A_628 = arith.constant 0 : i32
    %dma_wait3A_629 = tpu.memref_slice %arg7[%dma_wait3A_626, %dma_wait3A_627, %dma_wait3A_628] : memref<16x32x128xf32, #tpu.memory_space<vmem>> -> memref<1x32x128xf32, #tpu.memory_space<vmem>>
    %dma_wait3A_630 = tpu.memref_squeeze %dma_wait3A_629 : memref<1x32x128xf32, #tpu.memory_space<vmem>> -> memref<32x128xf32, #tpu.memory_space<vmem>>
    %dma_wait3A_631 = arith.constant 0 : i32
    %dma_wait3A_632 = tpu.memref_slice %arg2[%add3A_234, %dma_wait3A_631] : memref<16384x128xf32, #tpu.memory_space<hbm>> -> memref<32x128xf32, #tpu.memory_space<hbm>>
    %dma_wait3A_633 = arith.constant 0 : i32
    %dma_wait3A_634 = arith.constant 0 : i32
    %dma_wait3A_635 = tpu.memref_slice %arg7[%dma_wait3A_626, %dma_wait3A_633, %dma_wait3A_634] : memref<16x32x128xf32, #tpu.memory_space<vmem>> -> memref<1x32x128xf32, #tpu.memory_space<vmem>>
    %dma_wait3A_636 = tpu.memref_squeeze %dma_wait3A_635 : memref<1x32x128xf32, #tpu.memory_space<vmem>> -> memref<32x128xf32, #tpu.memory_space<vmem>>
    %dma_wait3A_637 = arith.constant 0 : i32
    %dma_wait3A_638 = tpu.memref_slice %arg2[%add3A_234, %dma_wait3A_637] : memref<16384x128xf32, #tpu.memory_space<hbm>> -> memref<32x128xf32, #tpu.memory_space<hbm>>
    tpu.wait_dma2 semaphore(%arg9 : memref<!tpu.dma_semaphore, #tpu.memory_space<semaphore_mem>>) src(%dma_wait3A_638 : memref<32x128xf32, #tpu.memory_space<hbm>>) dst(%dma_wait3A_636 : memref<32x128xf32, #tpu.memory_space<vmem>>)
    %dma_start3A_639 = arith.constant 15 : i32
    %dma_start3A_640 = arith.constant 15 : i32
    %dma_start3A_641 = arith.constant 0 : i32
    %dma_start3A_642 = arith.constant 0 : i32
    %dma_start3A_643 = tpu.memref_slice %arg7[%dma_start3A_640, %dma_start3A_641, %dma_start3A_642] : memref<16x32x128xf32, #tpu.memory_space<vmem>> -> memref<1x32x128xf32, #tpu.memory_space<vmem>>
    %dma_start3A_644 = tpu.memref_squeeze %dma_start3A_643 : memref<1x32x128xf32, #tpu.memory_space<vmem>> -> memref<32x128xf32, #tpu.memory_space<vmem>>
    %dma_start3A_645 = arith.constant 0 : i32
    %dma_start3A_646 = tpu.memref_slice %arg6[%dma_start3A_639, %dma_start3A_645] : memref<16x32xi32, #tpu.memory_space<vmem>> -> memref<1x32xi32, #tpu.memory_space<vmem>>
    %dma_start3A_647 = tpu.memref_squeeze %dma_start3A_646 : memref<1x32xi32, #tpu.memory_space<vmem>> -> memref<32xi32, #tpu.memory_space<vmem>>
    %dma_start3A_648 = arith.constant 0 : i32
    %dma_start3A_649 = arith.constant 0 : i32
    %dma_start3A_650 = tpu.memref_slice %arg4[%dma_start3A_648, %dma_start3A_649] : memref<8192x128xf32, #tpu.memory_space<hbm>> -> memref<8192x128xf32, #tpu.memory_space<hbm>>
    tpu.enqueue_indirect_dma source(%dma_start3A_650 : memref<8192x128xf32, #tpu.memory_space<hbm>>) target(%dma_start3A_644 : memref<32x128xf32, #tpu.memory_space<vmem>>) offsets(%dma_start3A_647 : memref<32xi32, #tpu.memory_space<vmem>>) semaphore(%arg10 : memref<!tpu.dma_semaphore, #tpu.memory_space<semaphore_mem>>) {add = true}
    %dma_wait3A_651 = arith.constant 0 : i32
    %dma_wait3A_652 = arith.constant 0 : i32
    %dma_wait3A_653 = arith.constant 0 : i32
    %dma_wait3A_654 = arith.constant 0 : i32
    %dma_wait3A_655 = tpu.memref_slice %arg7[%dma_wait3A_652, %dma_wait3A_653, %dma_wait3A_654] : memref<16x32x128xf32, #tpu.memory_space<vmem>> -> memref<1x32x128xf32, #tpu.memory_space<vmem>>
    %dma_wait3A_656 = tpu.memref_squeeze %dma_wait3A_655 : memref<1x32x128xf32, #tpu.memory_space<vmem>> -> memref<32x128xf32, #tpu.memory_space<vmem>>
    %dma_wait3A_657 = arith.constant 0 : i32
    %dma_wait3A_658 = tpu.memref_slice %arg6[%dma_wait3A_651, %dma_wait3A_657] : memref<16x32xi32, #tpu.memory_space<vmem>> -> memref<1x32xi32, #tpu.memory_space<vmem>>
    %dma_wait3A_659 = tpu.memref_squeeze %dma_wait3A_658 : memref<1x32xi32, #tpu.memory_space<vmem>> -> memref<32xi32, #tpu.memory_space<vmem>>
    %dma_wait3A_660 = arith.constant 0 : i32
    %dma_wait3A_661 = arith.constant 0 : i32
    %dma_wait3A_662 = tpu.memref_slice %arg4[%dma_wait3A_660, %dma_wait3A_661] : memref<8192x128xf32, #tpu.memory_space<hbm>> -> memref<8192x128xf32, #tpu.memory_space<hbm>>
    tpu.wait_indirect_dma semaphore(%arg10 : memref<!tpu.dma_semaphore, #tpu.memory_space<semaphore_mem>>) src(%dma_wait3A_662 : memref<8192x128xf32, #tpu.memory_space<hbm>>) dst(%dma_wait3A_656 : memref<32x128xf32, #tpu.memory_space<vmem>>)
    %add3A_663 = arith.constant 0 : i32
    %add3A_664 = arith.addi %mul3A_2, %add3A_663 : i32
    %dma_start3A_665 = arith.constant 0 : i32
    %dma_start3A_666 = arith.constant 0 : i32
    %dma_start3A_667 = arith.constant 0 : i32
    %dma_start3A_668 = tpu.memref_slice %arg7[%dma_start3A_665, %dma_start3A_666, %dma_start3A_667] : memref<16x32x128xf32, #tpu.memory_space<vmem>> -> memref<1x32x128xf32, #tpu.memory_space<vmem>>
    %dma_start3A_669 = tpu.memref_squeeze %dma_start3A_668 : memref<1x32x128xf32, #tpu.memory_space<vmem>> -> memref<32x128xf32, #tpu.memory_space<vmem>>
    %dma_start3A_670 = arith.constant 0 : i32
    %dma_start3A_671 = tpu.memref_slice %arg5[%add3A_664, %dma_start3A_670] : memref<16384x128xf32, #tpu.memory_space<hbm>> -> memref<32x128xf32, #tpu.memory_space<hbm>>
    %dma_start3A_672 = arith.constant 0 : i32
    %dma_start3A_673 = tpu.memref_slice %arg5[%add3A_664, %dma_start3A_672] : memref<16384x128xf32, #tpu.memory_space<hbm>> -> memref<32x128xf32, #tpu.memory_space<hbm>>
    %dma_start3A_674 = arith.constant 0 : i32
    %dma_start3A_675 = arith.constant 0 : i32
    %dma_start3A_676 = tpu.memref_slice %arg7[%dma_start3A_665, %dma_start3A_674, %dma_start3A_675] : memref<16x32x128xf32, #tpu.memory_space<vmem>> -> memref<1x32x128xf32, #tpu.memory_space<vmem>>
    %dma_start3A_677 = tpu.memref_squeeze %dma_start3A_676 : memref<1x32x128xf32, #tpu.memory_space<vmem>> -> memref<32x128xf32, #tpu.memory_space<vmem>>
    tpu.enqueue_dma source(%dma_start3A_677 : memref<32x128xf32, #tpu.memory_space<vmem>>) target(%dma_start3A_673 : memref<32x128xf32, #tpu.memory_space<hbm>>) target_semaphore(%arg11 : memref<!tpu.dma_semaphore, #tpu.memory_space<semaphore_mem>>)
    %dma_wait3A_678 = arith.constant 1 : i32
    %dma_wait3A_679 = arith.constant 1 : i32
    %dma_wait3A_680 = arith.constant 0 : i32
    %dma_wait3A_681 = arith.constant 0 : i32
    %dma_wait3A_682 = tpu.memref_slice %arg7[%dma_wait3A_679, %dma_wait3A_680, %dma_wait3A_681] : memref<16x32x128xf32, #tpu.memory_space<vmem>> -> memref<1x32x128xf32, #tpu.memory_space<vmem>>
    %dma_wait3A_683 = tpu.memref_squeeze %dma_wait3A_682 : memref<1x32x128xf32, #tpu.memory_space<vmem>> -> memref<32x128xf32, #tpu.memory_space<vmem>>
    %dma_wait3A_684 = arith.constant 0 : i32
    %dma_wait3A_685 = tpu.memref_slice %arg6[%dma_wait3A_678, %dma_wait3A_684] : memref<16x32xi32, #tpu.memory_space<vmem>> -> memref<1x32xi32, #tpu.memory_space<vmem>>
    %dma_wait3A_686 = tpu.memref_squeeze %dma_wait3A_685 : memref<1x32xi32, #tpu.memory_space<vmem>> -> memref<32xi32, #tpu.memory_space<vmem>>
    %dma_wait3A_687 = arith.constant 0 : i32
    %dma_wait3A_688 = arith.constant 0 : i32
    %dma_wait3A_689 = tpu.memref_slice %arg4[%dma_wait3A_687, %dma_wait3A_688] : memref<8192x128xf32, #tpu.memory_space<hbm>> -> memref<8192x128xf32, #tpu.memory_space<hbm>>
    tpu.wait_indirect_dma semaphore(%arg10 : memref<!tpu.dma_semaphore, #tpu.memory_space<semaphore_mem>>) src(%dma_wait3A_689 : memref<8192x128xf32, #tpu.memory_space<hbm>>) dst(%dma_wait3A_683 : memref<32x128xf32, #tpu.memory_space<vmem>>)
    %add3A_690 = arith.constant 32 : i32
    %add3A_691 = arith.addi %mul3A_2, %add3A_690 : i32
    %dma_start3A_692 = arith.constant 1 : i32
    %dma_start3A_693 = arith.constant 0 : i32
    %dma_start3A_694 = arith.constant 0 : i32
    %dma_start3A_695 = tpu.memref_slice %arg7[%dma_start3A_692, %dma_start3A_693, %dma_start3A_694] : memref<16x32x128xf32, #tpu.memory_space<vmem>> -> memref<1x32x128xf32, #tpu.memory_space<vmem>>
    %dma_start3A_696 = tpu.memref_squeeze %dma_start3A_695 : memref<1x32x128xf32, #tpu.memory_space<vmem>> -> memref<32x128xf32, #tpu.memory_space<vmem>>
    %dma_start3A_697 = arith.constant 0 : i32
    %dma_start3A_698 = tpu.memref_slice %arg5[%add3A_691, %dma_start3A_697] : memref<16384x128xf32, #tpu.memory_space<hbm>> -> memref<32x128xf32, #tpu.memory_space<hbm>>
    %dma_start3A_699 = arith.constant 0 : i32
    %dma_start3A_700 = tpu.memref_slice %arg5[%add3A_691, %dma_start3A_699] : memref<16384x128xf32, #tpu.memory_space<hbm>> -> memref<32x128xf32, #tpu.memory_space<hbm>>
    %dma_start3A_701 = arith.constant 0 : i32
    %dma_start3A_702 = arith.constant 0 : i32
    %dma_start3A_703 = tpu.memref_slice %arg7[%dma_start3A_692, %dma_start3A_701, %dma_start3A_702] : memref<16x32x128xf32, #tpu.memory_space<vmem>> -> memref<1x32x128xf32, #tpu.memory_space<vmem>>
    %dma_start3A_704 = tpu.memref_squeeze %dma_start3A_703 : memref<1x32x128xf32, #tpu.memory_space<vmem>> -> memref<32x128xf32, #tpu.memory_space<vmem>>
    tpu.enqueue_dma source(%dma_start3A_704 : memref<32x128xf32, #tpu.memory_space<vmem>>) target(%dma_start3A_700 : memref<32x128xf32, #tpu.memory_space<hbm>>) target_semaphore(%arg11 : memref<!tpu.dma_semaphore, #tpu.memory_space<semaphore_mem>>)
    %dma_wait3A_705 = arith.constant 2 : i32
    %dma_wait3A_706 = arith.constant 2 : i32
    %dma_wait3A_707 = arith.constant 0 : i32
    %dma_wait3A_708 = arith.constant 0 : i32
    %dma_wait3A_709 = tpu.memref_slice %arg7[%dma_wait3A_706, %dma_wait3A_707, %dma_wait3A_708] : memref<16x32x128xf32, #tpu.memory_space<vmem>> -> memref<1x32x128xf32, #tpu.memory_space<vmem>>
    %dma_wait3A_710 = tpu.memref_squeeze %dma_wait3A_709 : memref<1x32x128xf32, #tpu.memory_space<vmem>> -> memref<32x128xf32, #tpu.memory_space<vmem>>
    %dma_wait3A_711 = arith.constant 0 : i32
    %dma_wait3A_712 = tpu.memref_slice %arg6[%dma_wait3A_705, %dma_wait3A_711] : memref<16x32xi32, #tpu.memory_space<vmem>> -> memref<1x32xi32, #tpu.memory_space<vmem>>
    %dma_wait3A_713 = tpu.memref_squeeze %dma_wait3A_712 : memref<1x32xi32, #tpu.memory_space<vmem>> -> memref<32xi32, #tpu.memory_space<vmem>>
    %dma_wait3A_714 = arith.constant 0 : i32
    %dma_wait3A_715 = arith.constant 0 : i32
    %dma_wait3A_716 = tpu.memref_slice %arg4[%dma_wait3A_714, %dma_wait3A_715] : memref<8192x128xf32, #tpu.memory_space<hbm>> -> memref<8192x128xf32, #tpu.memory_space<hbm>>
    tpu.wait_indirect_dma semaphore(%arg10 : memref<!tpu.dma_semaphore, #tpu.memory_space<semaphore_mem>>) src(%dma_wait3A_716 : memref<8192x128xf32, #tpu.memory_space<hbm>>) dst(%dma_wait3A_710 : memref<32x128xf32, #tpu.memory_space<vmem>>)
    %add3A_717 = arith.constant 64 : i32
    %add3A_718 = arith.addi %mul3A_2, %add3A_717 : i32
    %dma_start3A_719 = arith.constant 2 : i32
    %dma_start3A_720 = arith.constant 0 : i32
    %dma_start3A_721 = arith.constant 0 : i32
    %dma_start3A_722 = tpu.memref_slice %arg7[%dma_start3A_719, %dma_start3A_720, %dma_start3A_721] : memref<16x32x128xf32, #tpu.memory_space<vmem>> -> memref<1x32x128xf32, #tpu.memory_space<vmem>>
    %dma_start3A_723 = tpu.memref_squeeze %dma_start3A_722 : memref<1x32x128xf32, #tpu.memory_space<vmem>> -> memref<32x128xf32, #tpu.memory_space<vmem>>
    %dma_start3A_724 = arith.constant 0 : i32
    %dma_start3A_725 = tpu.memref_slice %arg5[%add3A_718, %dma_start3A_724] : memref<16384x128xf32, #tpu.memory_space<hbm>> -> memref<32x128xf32, #tpu.memory_space<hbm>>
    %dma_start3A_726 = arith.constant 0 : i32
    %dma_start3A_727 = tpu.memref_slice %arg5[%add3A_718, %dma_start3A_726] : memref<16384x128xf32, #tpu.memory_space<hbm>> -> memref<32x128xf32, #tpu.memory_space<hbm>>
    %dma_start3A_728 = arith.constant 0 : i32
    %dma_start3A_729 = arith.constant 0 : i32
    %dma_start3A_730 = tpu.memref_slice %arg7[%dma_start3A_719, %dma_start3A_728, %dma_start3A_729] : memref<16x32x128xf32, #tpu.memory_space<vmem>> -> memref<1x32x128xf32, #tpu.memory_space<vmem>>
    %dma_start3A_731 = tpu.memref_squeeze %dma_start3A_730 : memref<1x32x128xf32, #tpu.memory_space<vmem>> -> memref<32x128xf32, #tpu.memory_space<vmem>>
    tpu.enqueue_dma source(%dma_start3A_731 : memref<32x128xf32, #tpu.memory_space<vmem>>) target(%dma_start3A_727 : memref<32x128xf32, #tpu.memory_space<hbm>>) target_semaphore(%arg11 : memref<!tpu.dma_semaphore, #tpu.memory_space<semaphore_mem>>)
    %dma_wait3A_732 = arith.constant 3 : i32
    %dma_wait3A_733 = arith.constant 3 : i32
    %dma_wait3A_734 = arith.constant 0 : i32
    %dma_wait3A_735 = arith.constant 0 : i32
    %dma_wait3A_736 = tpu.memref_slice %arg7[%dma_wait3A_733, %dma_wait3A_734, %dma_wait3A_735] : memref<16x32x128xf32, #tpu.memory_space<vmem>> -> memref<1x32x128xf32, #tpu.memory_space<vmem>>
    %dma_wait3A_737 = tpu.memref_squeeze %dma_wait3A_736 : memref<1x32x128xf32, #tpu.memory_space<vmem>> -> memref<32x128xf32, #tpu.memory_space<vmem>>
    %dma_wait3A_738 = arith.constant 0 : i32
    %dma_wait3A_739 = tpu.memref_slice %arg6[%dma_wait3A_732, %dma_wait3A_738] : memref<16x32xi32, #tpu.memory_space<vmem>> -> memref<1x32xi32, #tpu.memory_space<vmem>>
    %dma_wait3A_740 = tpu.memref_squeeze %dma_wait3A_739 : memref<1x32xi32, #tpu.memory_space<vmem>> -> memref<32xi32, #tpu.memory_space<vmem>>
    %dma_wait3A_741 = arith.constant 0 : i32
    %dma_wait3A_742 = arith.constant 0 : i32
    %dma_wait3A_743 = tpu.memref_slice %arg4[%dma_wait3A_741, %dma_wait3A_742] : memref<8192x128xf32, #tpu.memory_space<hbm>> -> memref<8192x128xf32, #tpu.memory_space<hbm>>
    tpu.wait_indirect_dma semaphore(%arg10 : memref<!tpu.dma_semaphore, #tpu.memory_space<semaphore_mem>>) src(%dma_wait3A_743 : memref<8192x128xf32, #tpu.memory_space<hbm>>) dst(%dma_wait3A_737 : memref<32x128xf32, #tpu.memory_space<vmem>>)
    %add3A_744 = arith.constant 96 : i32
    %add3A_745 = arith.addi %mul3A_2, %add3A_744 : i32
    %dma_start3A_746 = arith.constant 3 : i32
    %dma_start3A_747 = arith.constant 0 : i32
    %dma_start3A_748 = arith.constant 0 : i32
    %dma_start3A_749 = tpu.memref_slice %arg7[%dma_start3A_746, %dma_start3A_747, %dma_start3A_748] : memref<16x32x128xf32, #tpu.memory_space<vmem>> -> memref<1x32x128xf32, #tpu.memory_space<vmem>>
    %dma_start3A_750 = tpu.memref_squeeze %dma_start3A_749 : memref<1x32x128xf32, #tpu.memory_space<vmem>> -> memref<32x128xf32, #tpu.memory_space<vmem>>
    %dma_start3A_751 = arith.constant 0 : i32
    %dma_start3A_752 = tpu.memref_slice %arg5[%add3A_745, %dma_start3A_751] : memref<16384x128xf32, #tpu.memory_space<hbm>> -> memref<32x128xf32, #tpu.memory_space<hbm>>
    %dma_start3A_753 = arith.constant 0 : i32
    %dma_start3A_754 = tpu.memref_slice %arg5[%add3A_745, %dma_start3A_753] : memref<16384x128xf32, #tpu.memory_space<hbm>> -> memref<32x128xf32, #tpu.memory_space<hbm>>
    %dma_start3A_755 = arith.constant 0 : i32
    %dma_start3A_756 = arith.constant 0 : i32
    %dma_start3A_757 = tpu.memref_slice %arg7[%dma_start3A_746, %dma_start3A_755, %dma_start3A_756] : memref<16x32x128xf32, #tpu.memory_space<vmem>> -> memref<1x32x128xf32, #tpu.memory_space<vmem>>
    %dma_start3A_758 = tpu.memref_squeeze %dma_start3A_757 : memref<1x32x128xf32, #tpu.memory_space<vmem>> -> memref<32x128xf32, #tpu.memory_space<vmem>>
    tpu.enqueue_dma source(%dma_start3A_758 : memref<32x128xf32, #tpu.memory_space<vmem>>) target(%dma_start3A_754 : memref<32x128xf32, #tpu.memory_space<hbm>>) target_semaphore(%arg11 : memref<!tpu.dma_semaphore, #tpu.memory_space<semaphore_mem>>)
    %dma_wait3A_759 = arith.constant 4 : i32
    %dma_wait3A_760 = arith.constant 4 : i32
    %dma_wait3A_761 = arith.constant 0 : i32
    %dma_wait3A_762 = arith.constant 0 : i32
    %dma_wait3A_763 = tpu.memref_slice %arg7[%dma_wait3A_760, %dma_wait3A_761, %dma_wait3A_762] : memref<16x32x128xf32, #tpu.memory_space<vmem>> -> memref<1x32x128xf32, #tpu.memory_space<vmem>>
    %dma_wait3A_764 = tpu.memref_squeeze %dma_wait3A_763 : memref<1x32x128xf32, #tpu.memory_space<vmem>> -> memref<32x128xf32, #tpu.memory_space<vmem>>
    %dma_wait3A_765 = arith.constant 0 : i32
    %dma_wait3A_766 = tpu.memref_slice %arg6[%dma_wait3A_759, %dma_wait3A_765] : memref<16x32xi32, #tpu.memory_space<vmem>> -> memref<1x32xi32, #tpu.memory_space<vmem>>
    %dma_wait3A_767 = tpu.memref_squeeze %dma_wait3A_766 : memref<1x32xi32, #tpu.memory_space<vmem>> -> memref<32xi32, #tpu.memory_space<vmem>>
    %dma_wait3A_768 = arith.constant 0 : i32
    %dma_wait3A_769 = arith.constant 0 : i32
    %dma_wait3A_770 = tpu.memref_slice %arg4[%dma_wait3A_768, %dma_wait3A_769] : memref<8192x128xf32, #tpu.memory_space<hbm>> -> memref<8192x128xf32, #tpu.memory_space<hbm>>
    tpu.wait_indirect_dma semaphore(%arg10 : memref<!tpu.dma_semaphore, #tpu.memory_space<semaphore_mem>>) src(%dma_wait3A_770 : memref<8192x128xf32, #tpu.memory_space<hbm>>) dst(%dma_wait3A_764 : memref<32x128xf32, #tpu.memory_space<vmem>>)
    %add3A_771 = arith.constant 128 : i32
    %add3A_772 = arith.addi %mul3A_2, %add3A_771 : i32
    %dma_start3A_773 = arith.constant 4 : i32
    %dma_start3A_774 = arith.constant 0 : i32
    %dma_start3A_775 = arith.constant 0 : i32
    %dma_start3A_776 = tpu.memref_slice %arg7[%dma_start3A_773, %dma_start3A_774, %dma_start3A_775] : memref<16x32x128xf32, #tpu.memory_space<vmem>> -> memref<1x32x128xf32, #tpu.memory_space<vmem>>
    %dma_start3A_777 = tpu.memref_squeeze %dma_start3A_776 : memref<1x32x128xf32, #tpu.memory_space<vmem>> -> memref<32x128xf32, #tpu.memory_space<vmem>>
    %dma_start3A_778 = arith.constant 0 : i32
    %dma_start3A_779 = tpu.memref_slice %arg5[%add3A_772, %dma_start3A_778] : memref<16384x128xf32, #tpu.memory_space<hbm>> -> memref<32x128xf32, #tpu.memory_space<hbm>>
    %dma_start3A_780 = arith.constant 0 : i32
    %dma_start3A_781 = tpu.memref_slice %arg5[%add3A_772, %dma_start3A_780] : memref<16384x128xf32, #tpu.memory_space<hbm>> -> memref<32x128xf32, #tpu.memory_space<hbm>>
    %dma_start3A_782 = arith.constant 0 : i32
    %dma_start3A_783 = arith.constant 0 : i32
    %dma_start3A_784 = tpu.memref_slice %arg7[%dma_start3A_773, %dma_start3A_782, %dma_start3A_783] : memref<16x32x128xf32, #tpu.memory_space<vmem>> -> memref<1x32x128xf32, #tpu.memory_space<vmem>>
    %dma_start3A_785 = tpu.memref_squeeze %dma_start3A_784 : memref<1x32x128xf32, #tpu.memory_space<vmem>> -> memref<32x128xf32, #tpu.memory_space<vmem>>
    tpu.enqueue_dma source(%dma_start3A_785 : memref<32x128xf32, #tpu.memory_space<vmem>>) target(%dma_start3A_781 : memref<32x128xf32, #tpu.memory_space<hbm>>) target_semaphore(%arg11 : memref<!tpu.dma_semaphore, #tpu.memory_space<semaphore_mem>>)
    %dma_wait3A_786 = arith.constant 5 : i32
    %dma_wait3A_787 = arith.constant 5 : i32
    %dma_wait3A_788 = arith.constant 0 : i32
    %dma_wait3A_789 = arith.constant 0 : i32
    %dma_wait3A_790 = tpu.memref_slice %arg7[%dma_wait3A_787, %dma_wait3A_788, %dma_wait3A_789] : memref<16x32x128xf32, #tpu.memory_space<vmem>> -> memref<1x32x128xf32, #tpu.memory_space<vmem>>
    %dma_wait3A_791 = tpu.memref_squeeze %dma_wait3A_790 : memref<1x32x128xf32, #tpu.memory_space<vmem>> -> memref<32x128xf32, #tpu.memory_space<vmem>>
    %dma_wait3A_792 = arith.constant 0 : i32
    %dma_wait3A_793 = tpu.memref_slice %arg6[%dma_wait3A_786, %dma_wait3A_792] : memref<16x32xi32, #tpu.memory_space<vmem>> -> memref<1x32xi32, #tpu.memory_space<vmem>>
    %dma_wait3A_794 = tpu.memref_squeeze %dma_wait3A_793 : memref<1x32xi32, #tpu.memory_space<vmem>> -> memref<32xi32, #tpu.memory_space<vmem>>
    %dma_wait3A_795 = arith.constant 0 : i32
    %dma_wait3A_796 = arith.constant 0 : i32
    %dma_wait3A_797 = tpu.memref_slice %arg4[%dma_wait3A_795, %dma_wait3A_796] : memref<8192x128xf32, #tpu.memory_space<hbm>> -> memref<8192x128xf32, #tpu.memory_space<hbm>>
    tpu.wait_indirect_dma semaphore(%arg10 : memref<!tpu.dma_semaphore, #tpu.memory_space<semaphore_mem>>) src(%dma_wait3A_797 : memref<8192x128xf32, #tpu.memory_space<hbm>>) dst(%dma_wait3A_791 : memref<32x128xf32, #tpu.memory_space<vmem>>)
    %add3A_798 = arith.constant 160 : i32
    %add3A_799 = arith.addi %mul3A_2, %add3A_798 : i32
    %dma_start3A_800 = arith.constant 5 : i32
    %dma_start3A_801 = arith.constant 0 : i32
    %dma_start3A_802 = arith.constant 0 : i32
    %dma_start3A_803 = tpu.memref_slice %arg7[%dma_start3A_800, %dma_start3A_801, %dma_start3A_802] : memref<16x32x128xf32, #tpu.memory_space<vmem>> -> memref<1x32x128xf32, #tpu.memory_space<vmem>>
    %dma_start3A_804 = tpu.memref_squeeze %dma_start3A_803 : memref<1x32x128xf32, #tpu.memory_space<vmem>> -> memref<32x128xf32, #tpu.memory_space<vmem>>
    %dma_start3A_805 = arith.constant 0 : i32
    %dma_start3A_806 = tpu.memref_slice %arg5[%add3A_799, %dma_start3A_805] : memref<16384x128xf32, #tpu.memory_space<hbm>> -> memref<32x128xf32, #tpu.memory_space<hbm>>
    %dma_start3A_807 = arith.constant 0 : i32
    %dma_start3A_808 = tpu.memref_slice %arg5[%add3A_799, %dma_start3A_807] : memref<16384x128xf32, #tpu.memory_space<hbm>> -> memref<32x128xf32, #tpu.memory_space<hbm>>
    %dma_start3A_809 = arith.constant 0 : i32
    %dma_start3A_810 = arith.constant 0 : i32
    %dma_start3A_811 = tpu.memref_slice %arg7[%dma_start3A_800, %dma_start3A_809, %dma_start3A_810] : memref<16x32x128xf32, #tpu.memory_space<vmem>> -> memref<1x32x128xf32, #tpu.memory_space<vmem>>
    %dma_start3A_812 = tpu.memref_squeeze %dma_start3A_811 : memref<1x32x128xf32, #tpu.memory_space<vmem>> -> memref<32x128xf32, #tpu.memory_space<vmem>>
    tpu.enqueue_dma source(%dma_start3A_812 : memref<32x128xf32, #tpu.memory_space<vmem>>) target(%dma_start3A_808 : memref<32x128xf32, #tpu.memory_space<hbm>>) target_semaphore(%arg11 : memref<!tpu.dma_semaphore, #tpu.memory_space<semaphore_mem>>)
    %dma_wait3A_813 = arith.constant 6 : i32
    %dma_wait3A_814 = arith.constant 6 : i32
    %dma_wait3A_815 = arith.constant 0 : i32
    %dma_wait3A_816 = arith.constant 0 : i32
    %dma_wait3A_817 = tpu.memref_slice %arg7[%dma_wait3A_814, %dma_wait3A_815, %dma_wait3A_816] : memref<16x32x128xf32, #tpu.memory_space<vmem>> -> memref<1x32x128xf32, #tpu.memory_space<vmem>>
    %dma_wait3A_818 = tpu.memref_squeeze %dma_wait3A_817 : memref<1x32x128xf32, #tpu.memory_space<vmem>> -> memref<32x128xf32, #tpu.memory_space<vmem>>
    %dma_wait3A_819 = arith.constant 0 : i32
    %dma_wait3A_820 = tpu.memref_slice %arg6[%dma_wait3A_813, %dma_wait3A_819] : memref<16x32xi32, #tpu.memory_space<vmem>> -> memref<1x32xi32, #tpu.memory_space<vmem>>
    %dma_wait3A_821 = tpu.memref_squeeze %dma_wait3A_820 : memref<1x32xi32, #tpu.memory_space<vmem>> -> memref<32xi32, #tpu.memory_space<vmem>>
    %dma_wait3A_822 = arith.constant 0 : i32
    %dma_wait3A_823 = arith.constant 0 : i32
    %dma_wait3A_824 = tpu.memref_slice %arg4[%dma_wait3A_822, %dma_wait3A_823] : memref<8192x128xf32, #tpu.memory_space<hbm>> -> memref<8192x128xf32, #tpu.memory_space<hbm>>
    tpu.wait_indirect_dma semaphore(%arg10 : memref<!tpu.dma_semaphore, #tpu.memory_space<semaphore_mem>>) src(%dma_wait3A_824 : memref<8192x128xf32, #tpu.memory_space<hbm>>) dst(%dma_wait3A_818 : memref<32x128xf32, #tpu.memory_space<vmem>>)
    %add3A_825 = arith.constant 192 : i32
    %add3A_826 = arith.addi %mul3A_2, %add3A_825 : i32
    %dma_start3A_827 = arith.constant 6 : i32
    %dma_start3A_828 = arith.constant 0 : i32
    %dma_start3A_829 = arith.constant 0 : i32
    %dma_start3A_830 = tpu.memref_slice %arg7[%dma_start3A_827, %dma_start3A_828, %dma_start3A_829] : memref<16x32x128xf32, #tpu.memory_space<vmem>> -> memref<1x32x128xf32, #tpu.memory_space<vmem>>
    %dma_start3A_831 = tpu.memref_squeeze %dma_start3A_830 : memref<1x32x128xf32, #tpu.memory_space<vmem>> -> memref<32x128xf32, #tpu.memory_space<vmem>>
    %dma_start3A_832 = arith.constant 0 : i32
    %dma_start3A_833 = tpu.memref_slice %arg5[%add3A_826, %dma_start3A_832] : memref<16384x128xf32, #tpu.memory_space<hbm>> -> memref<32x128xf32, #tpu.memory_space<hbm>>
    %dma_start3A_834 = arith.constant 0 : i32
    %dma_start3A_835 = tpu.memref_slice %arg5[%add3A_826, %dma_start3A_834] : memref<16384x128xf32, #tpu.memory_space<hbm>> -> memref<32x128xf32, #tpu.memory_space<hbm>>
    %dma_start3A_836 = arith.constant 0 : i32
    %dma_start3A_837 = arith.constant 0 : i32
    %dma_start3A_838 = tpu.memref_slice %arg7[%dma_start3A_827, %dma_start3A_836, %dma_start3A_837] : memref<16x32x128xf32, #tpu.memory_space<vmem>> -> memref<1x32x128xf32, #tpu.memory_space<vmem>>
    %dma_start3A_839 = tpu.memref_squeeze %dma_start3A_838 : memref<1x32x128xf32, #tpu.memory_space<vmem>> -> memref<32x128xf32, #tpu.memory_space<vmem>>
    tpu.enqueue_dma source(%dma_start3A_839 : memref<32x128xf32, #tpu.memory_space<vmem>>) target(%dma_start3A_835 : memref<32x128xf32, #tpu.memory_space<hbm>>) target_semaphore(%arg11 : memref<!tpu.dma_semaphore, #tpu.memory_space<semaphore_mem>>)
    %dma_wait3A_840 = arith.constant 7 : i32
    %dma_wait3A_841 = arith.constant 7 : i32
    %dma_wait3A_842 = arith.constant 0 : i32
    %dma_wait3A_843 = arith.constant 0 : i32
    %dma_wait3A_844 = tpu.memref_slice %arg7[%dma_wait3A_841, %dma_wait3A_842, %dma_wait3A_843] : memref<16x32x128xf32, #tpu.memory_space<vmem>> -> memref<1x32x128xf32, #tpu.memory_space<vmem>>
    %dma_wait3A_845 = tpu.memref_squeeze %dma_wait3A_844 : memref<1x32x128xf32, #tpu.memory_space<vmem>> -> memref<32x128xf32, #tpu.memory_space<vmem>>
    %dma_wait3A_846 = arith.constant 0 : i32
    %dma_wait3A_847 = tpu.memref_slice %arg6[%dma_wait3A_840, %dma_wait3A_846] : memref<16x32xi32, #tpu.memory_space<vmem>> -> memref<1x32xi32, #tpu.memory_space<vmem>>
    %dma_wait3A_848 = tpu.memref_squeeze %dma_wait3A_847 : memref<1x32xi32, #tpu.memory_space<vmem>> -> memref<32xi32, #tpu.memory_space<vmem>>
    %dma_wait3A_849 = arith.constant 0 : i32
    %dma_wait3A_850 = arith.constant 0 : i32
    %dma_wait3A_851 = tpu.memref_slice %arg4[%dma_wait3A_849, %dma_wait3A_850] : memref<8192x128xf32, #tpu.memory_space<hbm>> -> memref<8192x128xf32, #tpu.memory_space<hbm>>
    tpu.wait_indirect_dma semaphore(%arg10 : memref<!tpu.dma_semaphore, #tpu.memory_space<semaphore_mem>>) src(%dma_wait3A_851 : memref<8192x128xf32, #tpu.memory_space<hbm>>) dst(%dma_wait3A_845 : memref<32x128xf32, #tpu.memory_space<vmem>>)
    %add3A_852 = arith.constant 224 : i32
    %add3A_853 = arith.addi %mul3A_2, %add3A_852 : i32
    %dma_start3A_854 = arith.constant 7 : i32
    %dma_start3A_855 = arith.constant 0 : i32
    %dma_start3A_856 = arith.constant 0 : i32
    %dma_start3A_857 = tpu.memref_slice %arg7[%dma_start3A_854, %dma_start3A_855, %dma_start3A_856] : memref<16x32x128xf32, #tpu.memory_space<vmem>> -> memref<1x32x128xf32, #tpu.memory_space<vmem>>
    %dma_start3A_858 = tpu.memref_squeeze %dma_start3A_857 : memref<1x32x128xf32, #tpu.memory_space<vmem>> -> memref<32x128xf32, #tpu.memory_space<vmem>>
    %dma_start3A_859 = arith.constant 0 : i32
    %dma_start3A_860 = tpu.memref_slice %arg5[%add3A_853, %dma_start3A_859] : memref<16384x128xf32, #tpu.memory_space<hbm>> -> memref<32x128xf32, #tpu.memory_space<hbm>>
    %dma_start3A_861 = arith.constant 0 : i32
    %dma_start3A_862 = tpu.memref_slice %arg5[%add3A_853, %dma_start3A_861] : memref<16384x128xf32, #tpu.memory_space<hbm>> -> memref<32x128xf32, #tpu.memory_space<hbm>>
    %dma_start3A_863 = arith.constant 0 : i32
    %dma_start3A_864 = arith.constant 0 : i32
    %dma_start3A_865 = tpu.memref_slice %arg7[%dma_start3A_854, %dma_start3A_863, %dma_start3A_864] : memref<16x32x128xf32, #tpu.memory_space<vmem>> -> memref<1x32x128xf32, #tpu.memory_space<vmem>>
    %dma_start3A_866 = tpu.memref_squeeze %dma_start3A_865 : memref<1x32x128xf32, #tpu.memory_space<vmem>> -> memref<32x128xf32, #tpu.memory_space<vmem>>
    tpu.enqueue_dma source(%dma_start3A_866 : memref<32x128xf32, #tpu.memory_space<vmem>>) target(%dma_start3A_862 : memref<32x128xf32, #tpu.memory_space<hbm>>) target_semaphore(%arg11 : memref<!tpu.dma_semaphore, #tpu.memory_space<semaphore_mem>>)
    %dma_wait3A_867 = arith.constant 8 : i32
    %dma_wait3A_868 = arith.constant 8 : i32
    %dma_wait3A_869 = arith.constant 0 : i32
    %dma_wait3A_870 = arith.constant 0 : i32
    %dma_wait3A_871 = tpu.memref_slice %arg7[%dma_wait3A_868, %dma_wait3A_869, %dma_wait3A_870] : memref<16x32x128xf32, #tpu.memory_space<vmem>> -> memref<1x32x128xf32, #tpu.memory_space<vmem>>
    %dma_wait3A_872 = tpu.memref_squeeze %dma_wait3A_871 : memref<1x32x128xf32, #tpu.memory_space<vmem>> -> memref<32x128xf32, #tpu.memory_space<vmem>>
    %dma_wait3A_873 = arith.constant 0 : i32
    %dma_wait3A_874 = tpu.memref_slice %arg6[%dma_wait3A_867, %dma_wait3A_873] : memref<16x32xi32, #tpu.memory_space<vmem>> -> memref<1x32xi32, #tpu.memory_space<vmem>>
    %dma_wait3A_875 = tpu.memref_squeeze %dma_wait3A_874 : memref<1x32xi32, #tpu.memory_space<vmem>> -> memref<32xi32, #tpu.memory_space<vmem>>
    %dma_wait3A_876 = arith.constant 0 : i32
    %dma_wait3A_877 = arith.constant 0 : i32
    %dma_wait3A_878 = tpu.memref_slice %arg4[%dma_wait3A_876, %dma_wait3A_877] : memref<8192x128xf32, #tpu.memory_space<hbm>> -> memref<8192x128xf32, #tpu.memory_space<hbm>>
    tpu.wait_indirect_dma semaphore(%arg10 : memref<!tpu.dma_semaphore, #tpu.memory_space<semaphore_mem>>) src(%dma_wait3A_878 : memref<8192x128xf32, #tpu.memory_space<hbm>>) dst(%dma_wait3A_872 : memref<32x128xf32, #tpu.memory_space<vmem>>)
    %add3A_879 = arith.constant 256 : i32
    %add3A_880 = arith.addi %mul3A_2, %add3A_879 : i32
    %dma_start3A_881 = arith.constant 8 : i32
    %dma_start3A_882 = arith.constant 0 : i32
    %dma_start3A_883 = arith.constant 0 : i32
    %dma_start3A_884 = tpu.memref_slice %arg7[%dma_start3A_881, %dma_start3A_882, %dma_start3A_883] : memref<16x32x128xf32, #tpu.memory_space<vmem>> -> memref<1x32x128xf32, #tpu.memory_space<vmem>>
    %dma_start3A_885 = tpu.memref_squeeze %dma_start3A_884 : memref<1x32x128xf32, #tpu.memory_space<vmem>> -> memref<32x128xf32, #tpu.memory_space<vmem>>
    %dma_start3A_886 = arith.constant 0 : i32
    %dma_start3A_887 = tpu.memref_slice %arg5[%add3A_880, %dma_start3A_886] : memref<16384x128xf32, #tpu.memory_space<hbm>> -> memref<32x128xf32, #tpu.memory_space<hbm>>
    %dma_start3A_888 = arith.constant 0 : i32
    %dma_start3A_889 = tpu.memref_slice %arg5[%add3A_880, %dma_start3A_888] : memref<16384x128xf32, #tpu.memory_space<hbm>> -> memref<32x128xf32, #tpu.memory_space<hbm>>
    %dma_start3A_890 = arith.constant 0 : i32
    %dma_start3A_891 = arith.constant 0 : i32
    %dma_start3A_892 = tpu.memref_slice %arg7[%dma_start3A_881, %dma_start3A_890, %dma_start3A_891] : memref<16x32x128xf32, #tpu.memory_space<vmem>> -> memref<1x32x128xf32, #tpu.memory_space<vmem>>
    %dma_start3A_893 = tpu.memref_squeeze %dma_start3A_892 : memref<1x32x128xf32, #tpu.memory_space<vmem>> -> memref<32x128xf32, #tpu.memory_space<vmem>>
    tpu.enqueue_dma source(%dma_start3A_893 : memref<32x128xf32, #tpu.memory_space<vmem>>) target(%dma_start3A_889 : memref<32x128xf32, #tpu.memory_space<hbm>>) target_semaphore(%arg11 : memref<!tpu.dma_semaphore, #tpu.memory_space<semaphore_mem>>)
    %dma_wait3A_894 = arith.constant 9 : i32
    %dma_wait3A_895 = arith.constant 9 : i32
    %dma_wait3A_896 = arith.constant 0 : i32
    %dma_wait3A_897 = arith.constant 0 : i32
    %dma_wait3A_898 = tpu.memref_slice %arg7[%dma_wait3A_895, %dma_wait3A_896, %dma_wait3A_897] : memref<16x32x128xf32, #tpu.memory_space<vmem>> -> memref<1x32x128xf32, #tpu.memory_space<vmem>>
    %dma_wait3A_899 = tpu.memref_squeeze %dma_wait3A_898 : memref<1x32x128xf32, #tpu.memory_space<vmem>> -> memref<32x128xf32, #tpu.memory_space<vmem>>
    %dma_wait3A_900 = arith.constant 0 : i32
    %dma_wait3A_901 = tpu.memref_slice %arg6[%dma_wait3A_894, %dma_wait3A_900] : memref<16x32xi32, #tpu.memory_space<vmem>> -> memref<1x32xi32, #tpu.memory_space<vmem>>
    %dma_wait3A_902 = tpu.memref_squeeze %dma_wait3A_901 : memref<1x32xi32, #tpu.memory_space<vmem>> -> memref<32xi32, #tpu.memory_space<vmem>>
    %dma_wait3A_903 = arith.constant 0 : i32
    %dma_wait3A_904 = arith.constant 0 : i32
    %dma_wait3A_905 = tpu.memref_slice %arg4[%dma_wait3A_903, %dma_wait3A_904] : memref<8192x128xf32, #tpu.memory_space<hbm>> -> memref<8192x128xf32, #tpu.memory_space<hbm>>
    tpu.wait_indirect_dma semaphore(%arg10 : memref<!tpu.dma_semaphore, #tpu.memory_space<semaphore_mem>>) src(%dma_wait3A_905 : memref<8192x128xf32, #tpu.memory_space<hbm>>) dst(%dma_wait3A_899 : memref<32x128xf32, #tpu.memory_space<vmem>>)
    %add3A_906 = arith.constant 288 : i32
    %add3A_907 = arith.addi %mul3A_2, %add3A_906 : i32
    %dma_start3A_908 = arith.constant 9 : i32
    %dma_start3A_909 = arith.constant 0 : i32
    %dma_start3A_910 = arith.constant 0 : i32
    %dma_start3A_911 = tpu.memref_slice %arg7[%dma_start3A_908, %dma_start3A_909, %dma_start3A_910] : memref<16x32x128xf32, #tpu.memory_space<vmem>> -> memref<1x32x128xf32, #tpu.memory_space<vmem>>
    %dma_start3A_912 = tpu.memref_squeeze %dma_start3A_911 : memref<1x32x128xf32, #tpu.memory_space<vmem>> -> memref<32x128xf32, #tpu.memory_space<vmem>>
    %dma_start3A_913 = arith.constant 0 : i32
    %dma_start3A_914 = tpu.memref_slice %arg5[%add3A_907, %dma_start3A_913] : memref<16384x128xf32, #tpu.memory_space<hbm>> -> memref<32x128xf32, #tpu.memory_space<hbm>>
    %dma_start3A_915 = arith.constant 0 : i32
    %dma_start3A_916 = tpu.memref_slice %arg5[%add3A_907, %dma_start3A_915] : memref<16384x128xf32, #tpu.memory_space<hbm>> -> memref<32x128xf32, #tpu.memory_space<hbm>>
    %dma_start3A_917 = arith.constant 0 : i32
    %dma_start3A_918 = arith.constant 0 : i32
    %dma_start3A_919 = tpu.memref_slice %arg7[%dma_start3A_908, %dma_start3A_917, %dma_start3A_918] : memref<16x32x128xf32, #tpu.memory_space<vmem>> -> memref<1x32x128xf32, #tpu.memory_space<vmem>>
    %dma_start3A_920 = tpu.memref_squeeze %dma_start3A_919 : memref<1x32x128xf32, #tpu.memory_space<vmem>> -> memref<32x128xf32, #tpu.memory_space<vmem>>
    tpu.enqueue_dma source(%dma_start3A_920 : memref<32x128xf32, #tpu.memory_space<vmem>>) target(%dma_start3A_916 : memref<32x128xf32, #tpu.memory_space<hbm>>) target_semaphore(%arg11 : memref<!tpu.dma_semaphore, #tpu.memory_space<semaphore_mem>>)
    %dma_wait3A_921 = arith.constant 10 : i32
    %dma_wait3A_922 = arith.constant 10 : i32
    %dma_wait3A_923 = arith.constant 0 : i32
    %dma_wait3A_924 = arith.constant 0 : i32
    %dma_wait3A_925 = tpu.memref_slice %arg7[%dma_wait3A_922, %dma_wait3A_923, %dma_wait3A_924] : memref<16x32x128xf32, #tpu.memory_space<vmem>> -> memref<1x32x128xf32, #tpu.memory_space<vmem>>
    %dma_wait3A_926 = tpu.memref_squeeze %dma_wait3A_925 : memref<1x32x128xf32, #tpu.memory_space<vmem>> -> memref<32x128xf32, #tpu.memory_space<vmem>>
    %dma_wait3A_927 = arith.constant 0 : i32
    %dma_wait3A_928 = tpu.memref_slice %arg6[%dma_wait3A_921, %dma_wait3A_927] : memref<16x32xi32, #tpu.memory_space<vmem>> -> memref<1x32xi32, #tpu.memory_space<vmem>>
    %dma_wait3A_929 = tpu.memref_squeeze %dma_wait3A_928 : memref<1x32xi32, #tpu.memory_space<vmem>> -> memref<32xi32, #tpu.memory_space<vmem>>
    %dma_wait3A_930 = arith.constant 0 : i32
    %dma_wait3A_931 = arith.constant 0 : i32
    %dma_wait3A_932 = tpu.memref_slice %arg4[%dma_wait3A_930, %dma_wait3A_931] : memref<8192x128xf32, #tpu.memory_space<hbm>> -> memref<8192x128xf32, #tpu.memory_space<hbm>>
    tpu.wait_indirect_dma semaphore(%arg10 : memref<!tpu.dma_semaphore, #tpu.memory_space<semaphore_mem>>) src(%dma_wait3A_932 : memref<8192x128xf32, #tpu.memory_space<hbm>>) dst(%dma_wait3A_926 : memref<32x128xf32, #tpu.memory_space<vmem>>)
    %add3A_933 = arith.constant 320 : i32
    %add3A_934 = arith.addi %mul3A_2, %add3A_933 : i32
    %dma_start3A_935 = arith.constant 10 : i32
    %dma_start3A_936 = arith.constant 0 : i32
    %dma_start3A_937 = arith.constant 0 : i32
    %dma_start3A_938 = tpu.memref_slice %arg7[%dma_start3A_935, %dma_start3A_936, %dma_start3A_937] : memref<16x32x128xf32, #tpu.memory_space<vmem>> -> memref<1x32x128xf32, #tpu.memory_space<vmem>>
    %dma_start3A_939 = tpu.memref_squeeze %dma_start3A_938 : memref<1x32x128xf32, #tpu.memory_space<vmem>> -> memref<32x128xf32, #tpu.memory_space<vmem>>
    %dma_start3A_940 = arith.constant 0 : i32
    %dma_start3A_941 = tpu.memref_slice %arg5[%add3A_934, %dma_start3A_940] : memref<16384x128xf32, #tpu.memory_space<hbm>> -> memref<32x128xf32, #tpu.memory_space<hbm>>
    %dma_start3A_942 = arith.constant 0 : i32
    %dma_start3A_943 = tpu.memref_slice %arg5[%add3A_934, %dma_start3A_942] : memref<16384x128xf32, #tpu.memory_space<hbm>> -> memref<32x128xf32, #tpu.memory_space<hbm>>
    %dma_start3A_944 = arith.constant 0 : i32
    %dma_start3A_945 = arith.constant 0 : i32
    %dma_start3A_946 = tpu.memref_slice %arg7[%dma_start3A_935, %dma_start3A_944, %dma_start3A_945] : memref<16x32x128xf32, #tpu.memory_space<vmem>> -> memref<1x32x128xf32, #tpu.memory_space<vmem>>
    %dma_start3A_947 = tpu.memref_squeeze %dma_start3A_946 : memref<1x32x128xf32, #tpu.memory_space<vmem>> -> memref<32x128xf32, #tpu.memory_space<vmem>>
    tpu.enqueue_dma source(%dma_start3A_947 : memref<32x128xf32, #tpu.memory_space<vmem>>) target(%dma_start3A_943 : memref<32x128xf32, #tpu.memory_space<hbm>>) target_semaphore(%arg11 : memref<!tpu.dma_semaphore, #tpu.memory_space<semaphore_mem>>)
    %dma_wait3A_948 = arith.constant 11 : i32
    %dma_wait3A_949 = arith.constant 11 : i32
    %dma_wait3A_950 = arith.constant 0 : i32
    %dma_wait3A_951 = arith.constant 0 : i32
    %dma_wait3A_952 = tpu.memref_slice %arg7[%dma_wait3A_949, %dma_wait3A_950, %dma_wait3A_951] : memref<16x32x128xf32, #tpu.memory_space<vmem>> -> memref<1x32x128xf32, #tpu.memory_space<vmem>>
    %dma_wait3A_953 = tpu.memref_squeeze %dma_wait3A_952 : memref<1x32x128xf32, #tpu.memory_space<vmem>> -> memref<32x128xf32, #tpu.memory_space<vmem>>
    %dma_wait3A_954 = arith.constant 0 : i32
    %dma_wait3A_955 = tpu.memref_slice %arg6[%dma_wait3A_948, %dma_wait3A_954] : memref<16x32xi32, #tpu.memory_space<vmem>> -> memref<1x32xi32, #tpu.memory_space<vmem>>
    %dma_wait3A_956 = tpu.memref_squeeze %dma_wait3A_955 : memref<1x32xi32, #tpu.memory_space<vmem>> -> memref<32xi32, #tpu.memory_space<vmem>>
    %dma_wait3A_957 = arith.constant 0 : i32
    %dma_wait3A_958 = arith.constant 0 : i32
    %dma_wait3A_959 = tpu.memref_slice %arg4[%dma_wait3A_957, %dma_wait3A_958] : memref<8192x128xf32, #tpu.memory_space<hbm>> -> memref<8192x128xf32, #tpu.memory_space<hbm>>
    tpu.wait_indirect_dma semaphore(%arg10 : memref<!tpu.dma_semaphore, #tpu.memory_space<semaphore_mem>>) src(%dma_wait3A_959 : memref<8192x128xf32, #tpu.memory_space<hbm>>) dst(%dma_wait3A_953 : memref<32x128xf32, #tpu.memory_space<vmem>>)
    %add3A_960 = arith.constant 352 : i32
    %add3A_961 = arith.addi %mul3A_2, %add3A_960 : i32
    %dma_start3A_962 = arith.constant 11 : i32
    %dma_start3A_963 = arith.constant 0 : i32
    %dma_start3A_964 = arith.constant 0 : i32
    %dma_start3A_965 = tpu.memref_slice %arg7[%dma_start3A_962, %dma_start3A_963, %dma_start3A_964] : memref<16x32x128xf32, #tpu.memory_space<vmem>> -> memref<1x32x128xf32, #tpu.memory_space<vmem>>
    %dma_start3A_966 = tpu.memref_squeeze %dma_start3A_965 : memref<1x32x128xf32, #tpu.memory_space<vmem>> -> memref<32x128xf32, #tpu.memory_space<vmem>>
    %dma_start3A_967 = arith.constant 0 : i32
    %dma_start3A_968 = tpu.memref_slice %arg5[%add3A_961, %dma_start3A_967] : memref<16384x128xf32, #tpu.memory_space<hbm>> -> memref<32x128xf32, #tpu.memory_space<hbm>>
    %dma_start3A_969 = arith.constant 0 : i32
    %dma_start3A_970 = tpu.memref_slice %arg5[%add3A_961, %dma_start3A_969] : memref<16384x128xf32, #tpu.memory_space<hbm>> -> memref<32x128xf32, #tpu.memory_space<hbm>>
    %dma_start3A_971 = arith.constant 0 : i32
    %dma_start3A_972 = arith.constant 0 : i32
    %dma_start3A_973 = tpu.memref_slice %arg7[%dma_start3A_962, %dma_start3A_971, %dma_start3A_972] : memref<16x32x128xf32, #tpu.memory_space<vmem>> -> memref<1x32x128xf32, #tpu.memory_space<vmem>>
    %dma_start3A_974 = tpu.memref_squeeze %dma_start3A_973 : memref<1x32x128xf32, #tpu.memory_space<vmem>> -> memref<32x128xf32, #tpu.memory_space<vmem>>
    tpu.enqueue_dma source(%dma_start3A_974 : memref<32x128xf32, #tpu.memory_space<vmem>>) target(%dma_start3A_970 : memref<32x128xf32, #tpu.memory_space<hbm>>) target_semaphore(%arg11 : memref<!tpu.dma_semaphore, #tpu.memory_space<semaphore_mem>>)
    %dma_wait3A_975 = arith.constant 12 : i32
    %dma_wait3A_976 = arith.constant 12 : i32
    %dma_wait3A_977 = arith.constant 0 : i32
    %dma_wait3A_978 = arith.constant 0 : i32
    %dma_wait3A_979 = tpu.memref_slice %arg7[%dma_wait3A_976, %dma_wait3A_977, %dma_wait3A_978] : memref<16x32x128xf32, #tpu.memory_space<vmem>> -> memref<1x32x128xf32, #tpu.memory_space<vmem>>
    %dma_wait3A_980 = tpu.memref_squeeze %dma_wait3A_979 : memref<1x32x128xf32, #tpu.memory_space<vmem>> -> memref<32x128xf32, #tpu.memory_space<vmem>>
    %dma_wait3A_981 = arith.constant 0 : i32
    %dma_wait3A_982 = tpu.memref_slice %arg6[%dma_wait3A_975, %dma_wait3A_981] : memref<16x32xi32, #tpu.memory_space<vmem>> -> memref<1x32xi32, #tpu.memory_space<vmem>>
    %dma_wait3A_983 = tpu.memref_squeeze %dma_wait3A_982 : memref<1x32xi32, #tpu.memory_space<vmem>> -> memref<32xi32, #tpu.memory_space<vmem>>
    %dma_wait3A_984 = arith.constant 0 : i32
    %dma_wait3A_985 = arith.constant 0 : i32
    %dma_wait3A_986 = tpu.memref_slice %arg4[%dma_wait3A_984, %dma_wait3A_985] : memref<8192x128xf32, #tpu.memory_space<hbm>> -> memref<8192x128xf32, #tpu.memory_space<hbm>>
    tpu.wait_indirect_dma semaphore(%arg10 : memref<!tpu.dma_semaphore, #tpu.memory_space<semaphore_mem>>) src(%dma_wait3A_986 : memref<8192x128xf32, #tpu.memory_space<hbm>>) dst(%dma_wait3A_980 : memref<32x128xf32, #tpu.memory_space<vmem>>)
    %add3A_987 = arith.constant 384 : i32
    %add3A_988 = arith.addi %mul3A_2, %add3A_987 : i32
    %dma_start3A_989 = arith.constant 12 : i32
    %dma_start3A_990 = arith.constant 0 : i32
    %dma_start3A_991 = arith.constant 0 : i32
    %dma_start3A_992 = tpu.memref_slice %arg7[%dma_start3A_989, %dma_start3A_990, %dma_start3A_991] : memref<16x32x128xf32, #tpu.memory_space<vmem>> -> memref<1x32x128xf32, #tpu.memory_space<vmem>>
    %dma_start3A_993 = tpu.memref_squeeze %dma_start3A_992 : memref<1x32x128xf32, #tpu.memory_space<vmem>> -> memref<32x128xf32, #tpu.memory_space<vmem>>
    %dma_start3A_994 = arith.constant 0 : i32
    %dma_start3A_995 = tpu.memref_slice %arg5[%add3A_988, %dma_start3A_994] : memref<16384x128xf32, #tpu.memory_space<hbm>> -> memref<32x128xf32, #tpu.memory_space<hbm>>
    %dma_start3A_996 = arith.constant 0 : i32
    %dma_start3A_997 = tpu.memref_slice %arg5[%add3A_988, %dma_start3A_996] : memref<16384x128xf32, #tpu.memory_space<hbm>> -> memref<32x128xf32, #tpu.memory_space<hbm>>
    %dma_start3A_998 = arith.constant 0 : i32
    %dma_start3A_999 = arith.constant 0 : i32
    %dma_start3A_1000 = tpu.memref_slice %arg7[%dma_start3A_989, %dma_start3A_998, %dma_start3A_999] : memref<16x32x128xf32, #tpu.memory_space<vmem>> -> memref<1x32x128xf32, #tpu.memory_space<vmem>>
    %dma_start3A_1001 = tpu.memref_squeeze %dma_start3A_1000 : memref<1x32x128xf32, #tpu.memory_space<vmem>> -> memref<32x128xf32, #tpu.memory_space<vmem>>
    tpu.enqueue_dma source(%dma_start3A_1001 : memref<32x128xf32, #tpu.memory_space<vmem>>) target(%dma_start3A_997 : memref<32x128xf32, #tpu.memory_space<hbm>>) target_semaphore(%arg11 : memref<!tpu.dma_semaphore, #tpu.memory_space<semaphore_mem>>)
    %dma_wait3A_1002 = arith.constant 13 : i32
    %dma_wait3A_1003 = arith.constant 13 : i32
    %dma_wait3A_1004 = arith.constant 0 : i32
    %dma_wait3A_1005 = arith.constant 0 : i32
    %dma_wait3A_1006 = tpu.memref_slice %arg7[%dma_wait3A_1003, %dma_wait3A_1004, %dma_wait3A_1005] : memref<16x32x128xf32, #tpu.memory_space<vmem>> -> memref<1x32x128xf32, #tpu.memory_space<vmem>>
    %dma_wait3A_1007 = tpu.memref_squeeze %dma_wait3A_1006 : memref<1x32x128xf32, #tpu.memory_space<vmem>> -> memref<32x128xf32, #tpu.memory_space<vmem>>
    %dma_wait3A_1008 = arith.constant 0 : i32
    %dma_wait3A_1009 = tpu.memref_slice %arg6[%dma_wait3A_1002, %dma_wait3A_1008] : memref<16x32xi32, #tpu.memory_space<vmem>> -> memref<1x32xi32, #tpu.memory_space<vmem>>
    %dma_wait3A_1010 = tpu.memref_squeeze %dma_wait3A_1009 : memref<1x32xi32, #tpu.memory_space<vmem>> -> memref<32xi32, #tpu.memory_space<vmem>>
    %dma_wait3A_1011 = arith.constant 0 : i32
    %dma_wait3A_1012 = arith.constant 0 : i32
    %dma_wait3A_1013 = tpu.memref_slice %arg4[%dma_wait3A_1011, %dma_wait3A_1012] : memref<8192x128xf32, #tpu.memory_space<hbm>> -> memref<8192x128xf32, #tpu.memory_space<hbm>>
    tpu.wait_indirect_dma semaphore(%arg10 : memref<!tpu.dma_semaphore, #tpu.memory_space<semaphore_mem>>) src(%dma_wait3A_1013 : memref<8192x128xf32, #tpu.memory_space<hbm>>) dst(%dma_wait3A_1007 : memref<32x128xf32, #tpu.memory_space<vmem>>)
    %add3A_1014 = arith.constant 416 : i32
    %add3A_1015 = arith.addi %mul3A_2, %add3A_1014 : i32
    %dma_start3A_1016 = arith.constant 13 : i32
    %dma_start3A_1017 = arith.constant 0 : i32
    %dma_start3A_1018 = arith.constant 0 : i32
    %dma_start3A_1019 = tpu.memref_slice %arg7[%dma_start3A_1016, %dma_start3A_1017, %dma_start3A_1018] : memref<16x32x128xf32, #tpu.memory_space<vmem>> -> memref<1x32x128xf32, #tpu.memory_space<vmem>>
    %dma_start3A_1020 = tpu.memref_squeeze %dma_start3A_1019 : memref<1x32x128xf32, #tpu.memory_space<vmem>> -> memref<32x128xf32, #tpu.memory_space<vmem>>
    %dma_start3A_1021 = arith.constant 0 : i32
    %dma_start3A_1022 = tpu.memref_slice %arg5[%add3A_1015, %dma_start3A_1021] : memref<16384x128xf32, #tpu.memory_space<hbm>> -> memref<32x128xf32, #tpu.memory_space<hbm>>
    %dma_start3A_1023 = arith.constant 0 : i32
    %dma_start3A_1024 = tpu.memref_slice %arg5[%add3A_1015, %dma_start3A_1023] : memref<16384x128xf32, #tpu.memory_space<hbm>> -> memref<32x128xf32, #tpu.memory_space<hbm>>
    %dma_start3A_1025 = arith.constant 0 : i32
    %dma_start3A_1026 = arith.constant 0 : i32
    %dma_start3A_1027 = tpu.memref_slice %arg7[%dma_start3A_1016, %dma_start3A_1025, %dma_start3A_1026] : memref<16x32x128xf32, #tpu.memory_space<vmem>> -> memref<1x32x128xf32, #tpu.memory_space<vmem>>
    %dma_start3A_1028 = tpu.memref_squeeze %dma_start3A_1027 : memref<1x32x128xf32, #tpu.memory_space<vmem>> -> memref<32x128xf32, #tpu.memory_space<vmem>>
    tpu.enqueue_dma source(%dma_start3A_1028 : memref<32x128xf32, #tpu.memory_space<vmem>>) target(%dma_start3A_1024 : memref<32x128xf32, #tpu.memory_space<hbm>>) target_semaphore(%arg11 : memref<!tpu.dma_semaphore, #tpu.memory_space<semaphore_mem>>)
    %dma_wait3A_1029 = arith.constant 14 : i32
    %dma_wait3A_1030 = arith.constant 14 : i32
    %dma_wait3A_1031 = arith.constant 0 : i32
    %dma_wait3A_1032 = arith.constant 0 : i32
    %dma_wait3A_1033 = tpu.memref_slice %arg7[%dma_wait3A_1030, %dma_wait3A_1031, %dma_wait3A_1032] : memref<16x32x128xf32, #tpu.memory_space<vmem>> -> memref<1x32x128xf32, #tpu.memory_space<vmem>>
    %dma_wait3A_1034 = tpu.memref_squeeze %dma_wait3A_1033 : memref<1x32x128xf32, #tpu.memory_space<vmem>> -> memref<32x128xf32, #tpu.memory_space<vmem>>
    %dma_wait3A_1035 = arith.constant 0 : i32
    %dma_wait3A_1036 = tpu.memref_slice %arg6[%dma_wait3A_1029, %dma_wait3A_1035] : memref<16x32xi32, #tpu.memory_space<vmem>> -> memref<1x32xi32, #tpu.memory_space<vmem>>
    %dma_wait3A_1037 = tpu.memref_squeeze %dma_wait3A_1036 : memref<1x32xi32, #tpu.memory_space<vmem>> -> memref<32xi32, #tpu.memory_space<vmem>>
    %dma_wait3A_1038 = arith.constant 0 : i32
    %dma_wait3A_1039 = arith.constant 0 : i32
    %dma_wait3A_1040 = tpu.memref_slice %arg4[%dma_wait3A_1038, %dma_wait3A_1039] : memref<8192x128xf32, #tpu.memory_space<hbm>> -> memref<8192x128xf32, #tpu.memory_space<hbm>>
    tpu.wait_indirect_dma semaphore(%arg10 : memref<!tpu.dma_semaphore, #tpu.memory_space<semaphore_mem>>) src(%dma_wait3A_1040 : memref<8192x128xf32, #tpu.memory_space<hbm>>) dst(%dma_wait3A_1034 : memref<32x128xf32, #tpu.memory_space<vmem>>)
    %add3A_1041 = arith.constant 448 : i32
    %add3A_1042 = arith.addi %mul3A_2, %add3A_1041 : i32
    %dma_start3A_1043 = arith.constant 14 : i32
    %dma_start3A_1044 = arith.constant 0 : i32
    %dma_start3A_1045 = arith.constant 0 : i32
    %dma_start3A_1046 = tpu.memref_slice %arg7[%dma_start3A_1043, %dma_start3A_1044, %dma_start3A_1045] : memref<16x32x128xf32, #tpu.memory_space<vmem>> -> memref<1x32x128xf32, #tpu.memory_space<vmem>>
    %dma_start3A_1047 = tpu.memref_squeeze %dma_start3A_1046 : memref<1x32x128xf32, #tpu.memory_space<vmem>> -> memref<32x128xf32, #tpu.memory_space<vmem>>
    %dma_start3A_1048 = arith.constant 0 : i32
    %dma_start3A_1049 = tpu.memref_slice %arg5[%add3A_1042, %dma_start3A_1048] : memref<16384x128xf32, #tpu.memory_space<hbm>> -> memref<32x128xf32, #tpu.memory_space<hbm>>
    %dma_start3A_1050 = arith.constant 0 : i32
    %dma_start3A_1051 = tpu.memref_slice %arg5[%add3A_1042, %dma_start3A_1050] : memref<16384x128xf32, #tpu.memory_space<hbm>> -> memref<32x128xf32, #tpu.memory_space<hbm>>
    %dma_start3A_1052 = arith.constant 0 : i32
    %dma_start3A_1053 = arith.constant 0 : i32
    %dma_start3A_1054 = tpu.memref_slice %arg7[%dma_start3A_1043, %dma_start3A_1052, %dma_start3A_1053] : memref<16x32x128xf32, #tpu.memory_space<vmem>> -> memref<1x32x128xf32, #tpu.memory_space<vmem>>
    %dma_start3A_1055 = tpu.memref_squeeze %dma_start3A_1054 : memref<1x32x128xf32, #tpu.memory_space<vmem>> -> memref<32x128xf32, #tpu.memory_space<vmem>>
    tpu.enqueue_dma source(%dma_start3A_1055 : memref<32x128xf32, #tpu.memory_space<vmem>>) target(%dma_start3A_1051 : memref<32x128xf32, #tpu.memory_space<hbm>>) target_semaphore(%arg11 : memref<!tpu.dma_semaphore, #tpu.memory_space<semaphore_mem>>)
    %dma_wait3A_1056 = arith.constant 15 : i32
    %dma_wait3A_1057 = arith.constant 15 : i32
    %dma_wait3A_1058 = arith.constant 0 : i32
    %dma_wait3A_1059 = arith.constant 0 : i32
    %dma_wait3A_1060 = tpu.memref_slice %arg7[%dma_wait3A_1057, %dma_wait3A_1058, %dma_wait3A_1059] : memref<16x32x128xf32, #tpu.memory_space<vmem>> -> memref<1x32x128xf32, #tpu.memory_space<vmem>>
    %dma_wait3A_1061 = tpu.memref_squeeze %dma_wait3A_1060 : memref<1x32x128xf32, #tpu.memory_space<vmem>> -> memref<32x128xf32, #tpu.memory_space<vmem>>
    %dma_wait3A_1062 = arith.constant 0 : i32
    %dma_wait3A_1063 = tpu.memref_slice %arg6[%dma_wait3A_1056, %dma_wait3A_1062] : memref<16x32xi32, #tpu.memory_space<vmem>> -> memref<1x32xi32, #tpu.memory_space<vmem>>
    %dma_wait3A_1064 = tpu.memref_squeeze %dma_wait3A_1063 : memref<1x32xi32, #tpu.memory_space<vmem>> -> memref<32xi32, #tpu.memory_space<vmem>>
    %dma_wait3A_1065 = arith.constant 0 : i32
    %dma_wait3A_1066 = arith.constant 0 : i32
    %dma_wait3A_1067 = tpu.memref_slice %arg4[%dma_wait3A_1065, %dma_wait3A_1066] : memref<8192x128xf32, #tpu.memory_space<hbm>> -> memref<8192x128xf32, #tpu.memory_space<hbm>>
    tpu.wait_indirect_dma semaphore(%arg10 : memref<!tpu.dma_semaphore, #tpu.memory_space<semaphore_mem>>) src(%dma_wait3A_1067 : memref<8192x128xf32, #tpu.memory_space<hbm>>) dst(%dma_wait3A_1061 : memref<32x128xf32, #tpu.memory_space<vmem>>)
    %add3A_1068 = arith.constant 480 : i32
    %add3A_1069 = arith.addi %mul3A_2, %add3A_1068 : i32
    %dma_start3A_1070 = arith.constant 15 : i32
    %dma_start3A_1071 = arith.constant 0 : i32
    %dma_start3A_1072 = arith.constant 0 : i32
    %dma_start3A_1073 = tpu.memref_slice %arg7[%dma_start3A_1070, %dma_start3A_1071, %dma_start3A_1072] : memref<16x32x128xf32, #tpu.memory_space<vmem>> -> memref<1x32x128xf32, #tpu.memory_space<vmem>>
    %dma_start3A_1074 = tpu.memref_squeeze %dma_start3A_1073 : memref<1x32x128xf32, #tpu.memory_space<vmem>> -> memref<32x128xf32, #tpu.memory_space<vmem>>
    %dma_start3A_1075 = arith.constant 0 : i32
    %dma_start3A_1076 = tpu.memref_slice %arg5[%add3A_1069, %dma_start3A_1075] : memref<16384x128xf32, #tpu.memory_space<hbm>> -> memref<32x128xf32, #tpu.memory_space<hbm>>
    %dma_start3A_1077 = arith.constant 0 : i32
    %dma_start3A_1078 = tpu.memref_slice %arg5[%add3A_1069, %dma_start3A_1077] : memref<16384x128xf32, #tpu.memory_space<hbm>> -> memref<32x128xf32, #tpu.memory_space<hbm>>
    %dma_start3A_1079 = arith.constant 0 : i32
    %dma_start3A_1080 = arith.constant 0 : i32
    %dma_start3A_1081 = tpu.memref_slice %arg7[%dma_start3A_1070, %dma_start3A_1079, %dma_start3A_1080] : memref<16x32x128xf32, #tpu.memory_space<vmem>> -> memref<1x32x128xf32, #tpu.memory_space<vmem>>
    %dma_start3A_1082 = tpu.memref_squeeze %dma_start3A_1081 : memref<1x32x128xf32, #tpu.memory_space<vmem>> -> memref<32x128xf32, #tpu.memory_space<vmem>>
    tpu.enqueue_dma source(%dma_start3A_1082 : memref<32x128xf32, #tpu.memory_space<vmem>>) target(%dma_start3A_1078 : memref<32x128xf32, #tpu.memory_space<hbm>>) target_semaphore(%arg11 : memref<!tpu.dma_semaphore, #tpu.memory_space<semaphore_mem>>)
    %dma_wait3A_1083 = arith.constant 0 : i32
    %dma_wait3A_1084 = arith.constant 0 : i32
    %dma_wait3A_1085 = arith.constant 0 : i32
    %dma_wait3A_1086 = tpu.memref_slice %arg7[%dma_wait3A_1083, %dma_wait3A_1084, %dma_wait3A_1085] : memref<16x32x128xf32, #tpu.memory_space<vmem>> -> memref<1x32x128xf32, #tpu.memory_space<vmem>>
    %dma_wait3A_1087 = tpu.memref_squeeze %dma_wait3A_1086 : memref<1x32x128xf32, #tpu.memory_space<vmem>> -> memref<32x128xf32, #tpu.memory_space<vmem>>
    %dma_wait3A_1088 = arith.constant 0 : i32
    %dma_wait3A_1089 = tpu.memref_slice %arg5[%add3A_664, %dma_wait3A_1088] : memref<16384x128xf32, #tpu.memory_space<hbm>> -> memref<32x128xf32, #tpu.memory_space<hbm>>
    %dma_wait3A_1090 = arith.constant 0 : i32
    %dma_wait3A_1091 = tpu.memref_slice %arg5[%add3A_664, %dma_wait3A_1090] : memref<16384x128xf32, #tpu.memory_space<hbm>> -> memref<32x128xf32, #tpu.memory_space<hbm>>
    %dma_wait3A_1092 = arith.constant 0 : i32
    %dma_wait3A_1093 = arith.constant 0 : i32
    %dma_wait3A_1094 = tpu.memref_slice %arg7[%dma_wait3A_1083, %dma_wait3A_1092, %dma_wait3A_1093] : memref<16x32x128xf32, #tpu.memory_space<vmem>> -> memref<1x32x128xf32, #tpu.memory_space<vmem>>
    %dma_wait3A_1095 = tpu.memref_squeeze %dma_wait3A_1094 : memref<1x32x128xf32, #tpu.memory_space<vmem>> -> memref<32x128xf32, #tpu.memory_space<vmem>>
    tpu.wait_dma2 semaphore(%arg11 : memref<!tpu.dma_semaphore, #tpu.memory_space<semaphore_mem>>) src(%dma_wait3A_1095 : memref<32x128xf32, #tpu.memory_space<vmem>>) dst(%dma_wait3A_1091 : memref<32x128xf32, #tpu.memory_space<hbm>>)
    %dma_wait3A_1096 = arith.constant 1 : i32
    %dma_wait3A_1097 = arith.constant 0 : i32
    %dma_wait3A_1098 = arith.constant 0 : i32
    %dma_wait3A_1099 = tpu.memref_slice %arg7[%dma_wait3A_1096, %dma_wait3A_1097, %dma_wait3A_1098] : memref<16x32x128xf32, #tpu.memory_space<vmem>> -> memref<1x32x128xf32, #tpu.memory_space<vmem>>
    %dma_wait3A_1100 = tpu.memref_squeeze %dma_wait3A_1099 : memref<1x32x128xf32, #tpu.memory_space<vmem>> -> memref<32x128xf32, #tpu.memory_space<vmem>>
    %dma_wait3A_1101 = arith.constant 0 : i32
    %dma_wait3A_1102 = tpu.memref_slice %arg5[%add3A_691, %dma_wait3A_1101] : memref<16384x128xf32, #tpu.memory_space<hbm>> -> memref<32x128xf32, #tpu.memory_space<hbm>>
    %dma_wait3A_1103 = arith.constant 0 : i32
    %dma_wait3A_1104 = tpu.memref_slice %arg5[%add3A_691, %dma_wait3A_1103] : memref<16384x128xf32, #tpu.memory_space<hbm>> -> memref<32x128xf32, #tpu.memory_space<hbm>>
    %dma_wait3A_1105 = arith.constant 0 : i32
    %dma_wait3A_1106 = arith.constant 0 : i32
    %dma_wait3A_1107 = tpu.memref_slice %arg7[%dma_wait3A_1096, %dma_wait3A_1105, %dma_wait3A_1106] : memref<16x32x128xf32, #tpu.memory_space<vmem>> -> memref<1x32x128xf32, #tpu.memory_space<vmem>>
    %dma_wait3A_1108 = tpu.memref_squeeze %dma_wait3A_1107 : memref<1x32x128xf32, #tpu.memory_space<vmem>> -> memref<32x128xf32, #tpu.memory_space<vmem>>
    tpu.wait_dma2 semaphore(%arg11 : memref<!tpu.dma_semaphore, #tpu.memory_space<semaphore_mem>>) src(%dma_wait3A_1108 : memref<32x128xf32, #tpu.memory_space<vmem>>) dst(%dma_wait3A_1104 : memref<32x128xf32, #tpu.memory_space<hbm>>)
    %dma_wait3A_1109 = arith.constant 2 : i32
    %dma_wait3A_1110 = arith.constant 0 : i32
    %dma_wait3A_1111 = arith.constant 0 : i32
    %dma_wait3A_1112 = tpu.memref_slice %arg7[%dma_wait3A_1109, %dma_wait3A_1110, %dma_wait3A_1111] : memref<16x32x128xf32, #tpu.memory_space<vmem>> -> memref<1x32x128xf32, #tpu.memory_space<vmem>>
    %dma_wait3A_1113 = tpu.memref_squeeze %dma_wait3A_1112 : memref<1x32x128xf32, #tpu.memory_space<vmem>> -> memref<32x128xf32, #tpu.memory_space<vmem>>
    %dma_wait3A_1114 = arith.constant 0 : i32
    %dma_wait3A_1115 = tpu.memref_slice %arg5[%add3A_718, %dma_wait3A_1114] : memref<16384x128xf32, #tpu.memory_space<hbm>> -> memref<32x128xf32, #tpu.memory_space<hbm>>
    %dma_wait3A_1116 = arith.constant 0 : i32
    %dma_wait3A_1117 = tpu.memref_slice %arg5[%add3A_718, %dma_wait3A_1116] : memref<16384x128xf32, #tpu.memory_space<hbm>> -> memref<32x128xf32, #tpu.memory_space<hbm>>
    %dma_wait3A_1118 = arith.constant 0 : i32
    %dma_wait3A_1119 = arith.constant 0 : i32
    %dma_wait3A_1120 = tpu.memref_slice %arg7[%dma_wait3A_1109, %dma_wait3A_1118, %dma_wait3A_1119] : memref<16x32x128xf32, #tpu.memory_space<vmem>> -> memref<1x32x128xf32, #tpu.memory_space<vmem>>
    %dma_wait3A_1121 = tpu.memref_squeeze %dma_wait3A_1120 : memref<1x32x128xf32, #tpu.memory_space<vmem>> -> memref<32x128xf32, #tpu.memory_space<vmem>>
    tpu.wait_dma2 semaphore(%arg11 : memref<!tpu.dma_semaphore, #tpu.memory_space<semaphore_mem>>) src(%dma_wait3A_1121 : memref<32x128xf32, #tpu.memory_space<vmem>>) dst(%dma_wait3A_1117 : memref<32x128xf32, #tpu.memory_space<hbm>>)
    %dma_wait3A_1122 = arith.constant 3 : i32
    %dma_wait3A_1123 = arith.constant 0 : i32
    %dma_wait3A_1124 = arith.constant 0 : i32
    %dma_wait3A_1125 = tpu.memref_slice %arg7[%dma_wait3A_1122, %dma_wait3A_1123, %dma_wait3A_1124] : memref<16x32x128xf32, #tpu.memory_space<vmem>> -> memref<1x32x128xf32, #tpu.memory_space<vmem>>
    %dma_wait3A_1126 = tpu.memref_squeeze %dma_wait3A_1125 : memref<1x32x128xf32, #tpu.memory_space<vmem>> -> memref<32x128xf32, #tpu.memory_space<vmem>>
    %dma_wait3A_1127 = arith.constant 0 : i32
    %dma_wait3A_1128 = tpu.memref_slice %arg5[%add3A_745, %dma_wait3A_1127] : memref<16384x128xf32, #tpu.memory_space<hbm>> -> memref<32x128xf32, #tpu.memory_space<hbm>>
    %dma_wait3A_1129 = arith.constant 0 : i32
    %dma_wait3A_1130 = tpu.memref_slice %arg5[%add3A_745, %dma_wait3A_1129] : memref<16384x128xf32, #tpu.memory_space<hbm>> -> memref<32x128xf32, #tpu.memory_space<hbm>>
    %dma_wait3A_1131 = arith.constant 0 : i32
    %dma_wait3A_1132 = arith.constant 0 : i32
    %dma_wait3A_1133 = tpu.memref_slice %arg7[%dma_wait3A_1122, %dma_wait3A_1131, %dma_wait3A_1132] : memref<16x32x128xf32, #tpu.memory_space<vmem>> -> memref<1x32x128xf32, #tpu.memory_space<vmem>>
    %dma_wait3A_1134 = tpu.memref_squeeze %dma_wait3A_1133 : memref<1x32x128xf32, #tpu.memory_space<vmem>> -> memref<32x128xf32, #tpu.memory_space<vmem>>
    tpu.wait_dma2 semaphore(%arg11 : memref<!tpu.dma_semaphore, #tpu.memory_space<semaphore_mem>>) src(%dma_wait3A_1134 : memref<32x128xf32, #tpu.memory_space<vmem>>) dst(%dma_wait3A_1130 : memref<32x128xf32, #tpu.memory_space<hbm>>)
    %dma_wait3A_1135 = arith.constant 4 : i32
    %dma_wait3A_1136 = arith.constant 0 : i32
    %dma_wait3A_1137 = arith.constant 0 : i32
    %dma_wait3A_1138 = tpu.memref_slice %arg7[%dma_wait3A_1135, %dma_wait3A_1136, %dma_wait3A_1137] : memref<16x32x128xf32, #tpu.memory_space<vmem>> -> memref<1x32x128xf32, #tpu.memory_space<vmem>>
    %dma_wait3A_1139 = tpu.memref_squeeze %dma_wait3A_1138 : memref<1x32x128xf32, #tpu.memory_space<vmem>> -> memref<32x128xf32, #tpu.memory_space<vmem>>
    %dma_wait3A_1140 = arith.constant 0 : i32
    %dma_wait3A_1141 = tpu.memref_slice %arg5[%add3A_772, %dma_wait3A_1140] : memref<16384x128xf32, #tpu.memory_space<hbm>> -> memref<32x128xf32, #tpu.memory_space<hbm>>
    %dma_wait3A_1142 = arith.constant 0 : i32
    %dma_wait3A_1143 = tpu.memref_slice %arg5[%add3A_772, %dma_wait3A_1142] : memref<16384x128xf32, #tpu.memory_space<hbm>> -> memref<32x128xf32, #tpu.memory_space<hbm>>
    %dma_wait3A_1144 = arith.constant 0 : i32
    %dma_wait3A_1145 = arith.constant 0 : i32
    %dma_wait3A_1146 = tpu.memref_slice %arg7[%dma_wait3A_1135, %dma_wait3A_1144, %dma_wait3A_1145] : memref<16x32x128xf32, #tpu.memory_space<vmem>> -> memref<1x32x128xf32, #tpu.memory_space<vmem>>
    %dma_wait3A_1147 = tpu.memref_squeeze %dma_wait3A_1146 : memref<1x32x128xf32, #tpu.memory_space<vmem>> -> memref<32x128xf32, #tpu.memory_space<vmem>>
    tpu.wait_dma2 semaphore(%arg11 : memref<!tpu.dma_semaphore, #tpu.memory_space<semaphore_mem>>) src(%dma_wait3A_1147 : memref<32x128xf32, #tpu.memory_space<vmem>>) dst(%dma_wait3A_1143 : memref<32x128xf32, #tpu.memory_space<hbm>>)
    %dma_wait3A_1148 = arith.constant 5 : i32
    %dma_wait3A_1149 = arith.constant 0 : i32
    %dma_wait3A_1150 = arith.constant 0 : i32
    %dma_wait3A_1151 = tpu.memref_slice %arg7[%dma_wait3A_1148, %dma_wait3A_1149, %dma_wait3A_1150] : memref<16x32x128xf32, #tpu.memory_space<vmem>> -> memref<1x32x128xf32, #tpu.memory_space<vmem>>
    %dma_wait3A_1152 = tpu.memref_squeeze %dma_wait3A_1151 : memref<1x32x128xf32, #tpu.memory_space<vmem>> -> memref<32x128xf32, #tpu.memory_space<vmem>>
    %dma_wait3A_1153 = arith.constant 0 : i32
    %dma_wait3A_1154 = tpu.memref_slice %arg5[%add3A_799, %dma_wait3A_1153] : memref<16384x128xf32, #tpu.memory_space<hbm>> -> memref<32x128xf32, #tpu.memory_space<hbm>>
    %dma_wait3A_1155 = arith.constant 0 : i32
    %dma_wait3A_1156 = tpu.memref_slice %arg5[%add3A_799, %dma_wait3A_1155] : memref<16384x128xf32, #tpu.memory_space<hbm>> -> memref<32x128xf32, #tpu.memory_space<hbm>>
    %dma_wait3A_1157 = arith.constant 0 : i32
    %dma_wait3A_1158 = arith.constant 0 : i32
    %dma_wait3A_1159 = tpu.memref_slice %arg7[%dma_wait3A_1148, %dma_wait3A_1157, %dma_wait3A_1158] : memref<16x32x128xf32, #tpu.memory_space<vmem>> -> memref<1x32x128xf32, #tpu.memory_space<vmem>>
    %dma_wait3A_1160 = tpu.memref_squeeze %dma_wait3A_1159 : memref<1x32x128xf32, #tpu.memory_space<vmem>> -> memref<32x128xf32, #tpu.memory_space<vmem>>
    tpu.wait_dma2 semaphore(%arg11 : memref<!tpu.dma_semaphore, #tpu.memory_space<semaphore_mem>>) src(%dma_wait3A_1160 : memref<32x128xf32, #tpu.memory_space<vmem>>) dst(%dma_wait3A_1156 : memref<32x128xf32, #tpu.memory_space<hbm>>)
    %dma_wait3A_1161 = arith.constant 6 : i32
    %dma_wait3A_1162 = arith.constant 0 : i32
    %dma_wait3A_1163 = arith.constant 0 : i32
    %dma_wait3A_1164 = tpu.memref_slice %arg7[%dma_wait3A_1161, %dma_wait3A_1162, %dma_wait3A_1163] : memref<16x32x128xf32, #tpu.memory_space<vmem>> -> memref<1x32x128xf32, #tpu.memory_space<vmem>>
    %dma_wait3A_1165 = tpu.memref_squeeze %dma_wait3A_1164 : memref<1x32x128xf32, #tpu.memory_space<vmem>> -> memref<32x128xf32, #tpu.memory_space<vmem>>
    %dma_wait3A_1166 = arith.constant 0 : i32
    %dma_wait3A_1167 = tpu.memref_slice %arg5[%add3A_826, %dma_wait3A_1166] : memref<16384x128xf32, #tpu.memory_space<hbm>> -> memref<32x128xf32, #tpu.memory_space<hbm>>
    %dma_wait3A_1168 = arith.constant 0 : i32
    %dma_wait3A_1169 = tpu.memref_slice %arg5[%add3A_826, %dma_wait3A_1168] : memref<16384x128xf32, #tpu.memory_space<hbm>> -> memref<32x128xf32, #tpu.memory_space<hbm>>
    %dma_wait3A_1170 = arith.constant 0 : i32
    %dma_wait3A_1171 = arith.constant 0 : i32
    %dma_wait3A_1172 = tpu.memref_slice %arg7[%dma_wait3A_1161, %dma_wait3A_1170, %dma_wait3A_1171] : memref<16x32x128xf32, #tpu.memory_space<vmem>> -> memref<1x32x128xf32, #tpu.memory_space<vmem>>
    %dma_wait3A_1173 = tpu.memref_squeeze %dma_wait3A_1172 : memref<1x32x128xf32, #tpu.memory_space<vmem>> -> memref<32x128xf32, #tpu.memory_space<vmem>>
    tpu.wait_dma2 semaphore(%arg11 : memref<!tpu.dma_semaphore, #tpu.memory_space<semaphore_mem>>) src(%dma_wait3A_1173 : memref<32x128xf32, #tpu.memory_space<vmem>>) dst(%dma_wait3A_1169 : memref<32x128xf32, #tpu.memory_space<hbm>>)
    %dma_wait3A_1174 = arith.constant 7 : i32
    %dma_wait3A_1175 = arith.constant 0 : i32
    %dma_wait3A_1176 = arith.constant 0 : i32
    %dma_wait3A_1177 = tpu.memref_slice %arg7[%dma_wait3A_1174, %dma_wait3A_1175, %dma_wait3A_1176] : memref<16x32x128xf32, #tpu.memory_space<vmem>> -> memref<1x32x128xf32, #tpu.memory_space<vmem>>
    %dma_wait3A_1178 = tpu.memref_squeeze %dma_wait3A_1177 : memref<1x32x128xf32, #tpu.memory_space<vmem>> -> memref<32x128xf32, #tpu.memory_space<vmem>>
    %dma_wait3A_1179 = arith.constant 0 : i32
    %dma_wait3A_1180 = tpu.memref_slice %arg5[%add3A_853, %dma_wait3A_1179] : memref<16384x128xf32, #tpu.memory_space<hbm>> -> memref<32x128xf32, #tpu.memory_space<hbm>>
    %dma_wait3A_1181 = arith.constant 0 : i32
    %dma_wait3A_1182 = tpu.memref_slice %arg5[%add3A_853, %dma_wait3A_1181] : memref<16384x128xf32, #tpu.memory_space<hbm>> -> memref<32x128xf32, #tpu.memory_space<hbm>>
    %dma_wait3A_1183 = arith.constant 0 : i32
    %dma_wait3A_1184 = arith.constant 0 : i32
    %dma_wait3A_1185 = tpu.memref_slice %arg7[%dma_wait3A_1174, %dma_wait3A_1183, %dma_wait3A_1184] : memref<16x32x128xf32, #tpu.memory_space<vmem>> -> memref<1x32x128xf32, #tpu.memory_space<vmem>>
    %dma_wait3A_1186 = tpu.memref_squeeze %dma_wait3A_1185 : memref<1x32x128xf32, #tpu.memory_space<vmem>> -> memref<32x128xf32, #tpu.memory_space<vmem>>
    tpu.wait_dma2 semaphore(%arg11 : memref<!tpu.dma_semaphore, #tpu.memory_space<semaphore_mem>>) src(%dma_wait3A_1186 : memref<32x128xf32, #tpu.memory_space<vmem>>) dst(%dma_wait3A_1182 : memref<32x128xf32, #tpu.memory_space<hbm>>)
    %dma_wait3A_1187 = arith.constant 8 : i32
    %dma_wait3A_1188 = arith.constant 0 : i32
    %dma_wait3A_1189 = arith.constant 0 : i32
    %dma_wait3A_1190 = tpu.memref_slice %arg7[%dma_wait3A_1187, %dma_wait3A_1188, %dma_wait3A_1189] : memref<16x32x128xf32, #tpu.memory_space<vmem>> -> memref<1x32x128xf32, #tpu.memory_space<vmem>>
    %dma_wait3A_1191 = tpu.memref_squeeze %dma_wait3A_1190 : memref<1x32x128xf32, #tpu.memory_space<vmem>> -> memref<32x128xf32, #tpu.memory_space<vmem>>
    %dma_wait3A_1192 = arith.constant 0 : i32
    %dma_wait3A_1193 = tpu.memref_slice %arg5[%add3A_880, %dma_wait3A_1192] : memref<16384x128xf32, #tpu.memory_space<hbm>> -> memref<32x128xf32, #tpu.memory_space<hbm>>
    %dma_wait3A_1194 = arith.constant 0 : i32
    %dma_wait3A_1195 = tpu.memref_slice %arg5[%add3A_880, %dma_wait3A_1194] : memref<16384x128xf32, #tpu.memory_space<hbm>> -> memref<32x128xf32, #tpu.memory_space<hbm>>
    %dma_wait3A_1196 = arith.constant 0 : i32
    %dma_wait3A_1197 = arith.constant 0 : i32
    %dma_wait3A_1198 = tpu.memref_slice %arg7[%dma_wait3A_1187, %dma_wait3A_1196, %dma_wait3A_1197] : memref<16x32x128xf32, #tpu.memory_space<vmem>> -> memref<1x32x128xf32, #tpu.memory_space<vmem>>
    %dma_wait3A_1199 = tpu.memref_squeeze %dma_wait3A_1198 : memref<1x32x128xf32, #tpu.memory_space<vmem>> -> memref<32x128xf32, #tpu.memory_space<vmem>>
    tpu.wait_dma2 semaphore(%arg11 : memref<!tpu.dma_semaphore, #tpu.memory_space<semaphore_mem>>) src(%dma_wait3A_1199 : memref<32x128xf32, #tpu.memory_space<vmem>>) dst(%dma_wait3A_1195 : memref<32x128xf32, #tpu.memory_space<hbm>>)
    %dma_wait3A_1200 = arith.constant 9 : i32
    %dma_wait3A_1201 = arith.constant 0 : i32
    %dma_wait3A_1202 = arith.constant 0 : i32
    %dma_wait3A_1203 = tpu.memref_slice %arg7[%dma_wait3A_1200, %dma_wait3A_1201, %dma_wait3A_1202] : memref<16x32x128xf32, #tpu.memory_space<vmem>> -> memref<1x32x128xf32, #tpu.memory_space<vmem>>
    %dma_wait3A_1204 = tpu.memref_squeeze %dma_wait3A_1203 : memref<1x32x128xf32, #tpu.memory_space<vmem>> -> memref<32x128xf32, #tpu.memory_space<vmem>>
    %dma_wait3A_1205 = arith.constant 0 : i32
    %dma_wait3A_1206 = tpu.memref_slice %arg5[%add3A_907, %dma_wait3A_1205] : memref<16384x128xf32, #tpu.memory_space<hbm>> -> memref<32x128xf32, #tpu.memory_space<hbm>>
    %dma_wait3A_1207 = arith.constant 0 : i32
    %dma_wait3A_1208 = tpu.memref_slice %arg5[%add3A_907, %dma_wait3A_1207] : memref<16384x128xf32, #tpu.memory_space<hbm>> -> memref<32x128xf32, #tpu.memory_space<hbm>>
    %dma_wait3A_1209 = arith.constant 0 : i32
    %dma_wait3A_1210 = arith.constant 0 : i32
    %dma_wait3A_1211 = tpu.memref_slice %arg7[%dma_wait3A_1200, %dma_wait3A_1209, %dma_wait3A_1210] : memref<16x32x128xf32, #tpu.memory_space<vmem>> -> memref<1x32x128xf32, #tpu.memory_space<vmem>>
    %dma_wait3A_1212 = tpu.memref_squeeze %dma_wait3A_1211 : memref<1x32x128xf32, #tpu.memory_space<vmem>> -> memref<32x128xf32, #tpu.memory_space<vmem>>
    tpu.wait_dma2 semaphore(%arg11 : memref<!tpu.dma_semaphore, #tpu.memory_space<semaphore_mem>>) src(%dma_wait3A_1212 : memref<32x128xf32, #tpu.memory_space<vmem>>) dst(%dma_wait3A_1208 : memref<32x128xf32, #tpu.memory_space<hbm>>)
    %dma_wait3A_1213 = arith.constant 10 : i32
    %dma_wait3A_1214 = arith.constant 0 : i32
    %dma_wait3A_1215 = arith.constant 0 : i32
    %dma_wait3A_1216 = tpu.memref_slice %arg7[%dma_wait3A_1213, %dma_wait3A_1214, %dma_wait3A_1215] : memref<16x32x128xf32, #tpu.memory_space<vmem>> -> memref<1x32x128xf32, #tpu.memory_space<vmem>>
    %dma_wait3A_1217 = tpu.memref_squeeze %dma_wait3A_1216 : memref<1x32x128xf32, #tpu.memory_space<vmem>> -> memref<32x128xf32, #tpu.memory_space<vmem>>
    %dma_wait3A_1218 = arith.constant 0 : i32
    %dma_wait3A_1219 = tpu.memref_slice %arg5[%add3A_934, %dma_wait3A_1218] : memref<16384x128xf32, #tpu.memory_space<hbm>> -> memref<32x128xf32, #tpu.memory_space<hbm>>
    %dma_wait3A_1220 = arith.constant 0 : i32
    %dma_wait3A_1221 = tpu.memref_slice %arg5[%add3A_934, %dma_wait3A_1220] : memref<16384x128xf32, #tpu.memory_space<hbm>> -> memref<32x128xf32, #tpu.memory_space<hbm>>
    %dma_wait3A_1222 = arith.constant 0 : i32
    %dma_wait3A_1223 = arith.constant 0 : i32
    %dma_wait3A_1224 = tpu.memref_slice %arg7[%dma_wait3A_1213, %dma_wait3A_1222, %dma_wait3A_1223] : memref<16x32x128xf32, #tpu.memory_space<vmem>> -> memref<1x32x128xf32, #tpu.memory_space<vmem>>
    %dma_wait3A_1225 = tpu.memref_squeeze %dma_wait3A_1224 : memref<1x32x128xf32, #tpu.memory_space<vmem>> -> memref<32x128xf32, #tpu.memory_space<vmem>>
    tpu.wait_dma2 semaphore(%arg11 : memref<!tpu.dma_semaphore, #tpu.memory_space<semaphore_mem>>) src(%dma_wait3A_1225 : memref<32x128xf32, #tpu.memory_space<vmem>>) dst(%dma_wait3A_1221 : memref<32x128xf32, #tpu.memory_space<hbm>>)
    %dma_wait3A_1226 = arith.constant 11 : i32
    %dma_wait3A_1227 = arith.constant 0 : i32
    %dma_wait3A_1228 = arith.constant 0 : i32
    %dma_wait3A_1229 = tpu.memref_slice %arg7[%dma_wait3A_1226, %dma_wait3A_1227, %dma_wait3A_1228] : memref<16x32x128xf32, #tpu.memory_space<vmem>> -> memref<1x32x128xf32, #tpu.memory_space<vmem>>
    %dma_wait3A_1230 = tpu.memref_squeeze %dma_wait3A_1229 : memref<1x32x128xf32, #tpu.memory_space<vmem>> -> memref<32x128xf32, #tpu.memory_space<vmem>>
    %dma_wait3A_1231 = arith.constant 0 : i32
    %dma_wait3A_1232 = tpu.memref_slice %arg5[%add3A_961, %dma_wait3A_1231] : memref<16384x128xf32, #tpu.memory_space<hbm>> -> memref<32x128xf32, #tpu.memory_space<hbm>>
    %dma_wait3A_1233 = arith.constant 0 : i32
    %dma_wait3A_1234 = tpu.memref_slice %arg5[%add3A_961, %dma_wait3A_1233] : memref<16384x128xf32, #tpu.memory_space<hbm>> -> memref<32x128xf32, #tpu.memory_space<hbm>>
    %dma_wait3A_1235 = arith.constant 0 : i32
    %dma_wait3A_1236 = arith.constant 0 : i32
    %dma_wait3A_1237 = tpu.memref_slice %arg7[%dma_wait3A_1226, %dma_wait3A_1235, %dma_wait3A_1236] : memref<16x32x128xf32, #tpu.memory_space<vmem>> -> memref<1x32x128xf32, #tpu.memory_space<vmem>>
    %dma_wait3A_1238 = tpu.memref_squeeze %dma_wait3A_1237 : memref<1x32x128xf32, #tpu.memory_space<vmem>> -> memref<32x128xf32, #tpu.memory_space<vmem>>
    tpu.wait_dma2 semaphore(%arg11 : memref<!tpu.dma_semaphore, #tpu.memory_space<semaphore_mem>>) src(%dma_wait3A_1238 : memref<32x128xf32, #tpu.memory_space<vmem>>) dst(%dma_wait3A_1234 : memref<32x128xf32, #tpu.memory_space<hbm>>)
    %dma_wait3A_1239 = arith.constant 12 : i32
    %dma_wait3A_1240 = arith.constant 0 : i32
    %dma_wait3A_1241 = arith.constant 0 : i32
    %dma_wait3A_1242 = tpu.memref_slice %arg7[%dma_wait3A_1239, %dma_wait3A_1240, %dma_wait3A_1241] : memref<16x32x128xf32, #tpu.memory_space<vmem>> -> memref<1x32x128xf32, #tpu.memory_space<vmem>>
    %dma_wait3A_1243 = tpu.memref_squeeze %dma_wait3A_1242 : memref<1x32x128xf32, #tpu.memory_space<vmem>> -> memref<32x128xf32, #tpu.memory_space<vmem>>
    %dma_wait3A_1244 = arith.constant 0 : i32
    %dma_wait3A_1245 = tpu.memref_slice %arg5[%add3A_988, %dma_wait3A_1244] : memref<16384x128xf32, #tpu.memory_space<hbm>> -> memref<32x128xf32, #tpu.memory_space<hbm>>
    %dma_wait3A_1246 = arith.constant 0 : i32
    %dma_wait3A_1247 = tpu.memref_slice %arg5[%add3A_988, %dma_wait3A_1246] : memref<16384x128xf32, #tpu.memory_space<hbm>> -> memref<32x128xf32, #tpu.memory_space<hbm>>
    %dma_wait3A_1248 = arith.constant 0 : i32
    %dma_wait3A_1249 = arith.constant 0 : i32
    %dma_wait3A_1250 = tpu.memref_slice %arg7[%dma_wait3A_1239, %dma_wait3A_1248, %dma_wait3A_1249] : memref<16x32x128xf32, #tpu.memory_space<vmem>> -> memref<1x32x128xf32, #tpu.memory_space<vmem>>
    %dma_wait3A_1251 = tpu.memref_squeeze %dma_wait3A_1250 : memref<1x32x128xf32, #tpu.memory_space<vmem>> -> memref<32x128xf32, #tpu.memory_space<vmem>>
    tpu.wait_dma2 semaphore(%arg11 : memref<!tpu.dma_semaphore, #tpu.memory_space<semaphore_mem>>) src(%dma_wait3A_1251 : memref<32x128xf32, #tpu.memory_space<vmem>>) dst(%dma_wait3A_1247 : memref<32x128xf32, #tpu.memory_space<hbm>>)
    %dma_wait3A_1252 = arith.constant 13 : i32
    %dma_wait3A_1253 = arith.constant 0 : i32
    %dma_wait3A_1254 = arith.constant 0 : i32
    %dma_wait3A_1255 = tpu.memref_slice %arg7[%dma_wait3A_1252, %dma_wait3A_1253, %dma_wait3A_1254] : memref<16x32x128xf32, #tpu.memory_space<vmem>> -> memref<1x32x128xf32, #tpu.memory_space<vmem>>
    %dma_wait3A_1256 = tpu.memref_squeeze %dma_wait3A_1255 : memref<1x32x128xf32, #tpu.memory_space<vmem>> -> memref<32x128xf32, #tpu.memory_space<vmem>>
    %dma_wait3A_1257 = arith.constant 0 : i32
    %dma_wait3A_1258 = tpu.memref_slice %arg5[%add3A_1015, %dma_wait3A_1257] : memref<16384x128xf32, #tpu.memory_space<hbm>> -> memref<32x128xf32, #tpu.memory_space<hbm>>
    %dma_wait3A_1259 = arith.constant 0 : i32
    %dma_wait3A_1260 = tpu.memref_slice %arg5[%add3A_1015, %dma_wait3A_1259] : memref<16384x128xf32, #tpu.memory_space<hbm>> -> memref<32x128xf32, #tpu.memory_space<hbm>>
    %dma_wait3A_1261 = arith.constant 0 : i32
    %dma_wait3A_1262 = arith.constant 0 : i32
    %dma_wait3A_1263 = tpu.memref_slice %arg7[%dma_wait3A_1252, %dma_wait3A_1261, %dma_wait3A_1262] : memref<16x32x128xf32, #tpu.memory_space<vmem>> -> memref<1x32x128xf32, #tpu.memory_space<vmem>>
    %dma_wait3A_1264 = tpu.memref_squeeze %dma_wait3A_1263 : memref<1x32x128xf32, #tpu.memory_space<vmem>> -> memref<32x128xf32, #tpu.memory_space<vmem>>
    tpu.wait_dma2 semaphore(%arg11 : memref<!tpu.dma_semaphore, #tpu.memory_space<semaphore_mem>>) src(%dma_wait3A_1264 : memref<32x128xf32, #tpu.memory_space<vmem>>) dst(%dma_wait3A_1260 : memref<32x128xf32, #tpu.memory_space<hbm>>)
    %dma_wait3A_1265 = arith.constant 14 : i32
    %dma_wait3A_1266 = arith.constant 0 : i32
    %dma_wait3A_1267 = arith.constant 0 : i32
    %dma_wait3A_1268 = tpu.memref_slice %arg7[%dma_wait3A_1265, %dma_wait3A_1266, %dma_wait3A_1267] : memref<16x32x128xf32, #tpu.memory_space<vmem>> -> memref<1x32x128xf32, #tpu.memory_space<vmem>>
    %dma_wait3A_1269 = tpu.memref_squeeze %dma_wait3A_1268 : memref<1x32x128xf32, #tpu.memory_space<vmem>> -> memref<32x128xf32, #tpu.memory_space<vmem>>
    %dma_wait3A_1270 = arith.constant 0 : i32
    %dma_wait3A_1271 = tpu.memref_slice %arg5[%add3A_1042, %dma_wait3A_1270] : memref<16384x128xf32, #tpu.memory_space<hbm>> -> memref<32x128xf32, #tpu.memory_space<hbm>>
    %dma_wait3A_1272 = arith.constant 0 : i32
    %dma_wait3A_1273 = tpu.memref_slice %arg5[%add3A_1042, %dma_wait3A_1272] : memref<16384x128xf32, #tpu.memory_space<hbm>> -> memref<32x128xf32, #tpu.memory_space<hbm>>
    %dma_wait3A_1274 = arith.constant 0 : i32
    %dma_wait3A_1275 = arith.constant 0 : i32
    %dma_wait3A_1276 = tpu.memref_slice %arg7[%dma_wait3A_1265, %dma_wait3A_1274, %dma_wait3A_1275] : memref<16x32x128xf32, #tpu.memory_space<vmem>> -> memref<1x32x128xf32, #tpu.memory_space<vmem>>
    %dma_wait3A_1277 = tpu.memref_squeeze %dma_wait3A_1276 : memref<1x32x128xf32, #tpu.memory_space<vmem>> -> memref<32x128xf32, #tpu.memory_space<vmem>>
    tpu.wait_dma2 semaphore(%arg11 : memref<!tpu.dma_semaphore, #tpu.memory_space<semaphore_mem>>) src(%dma_wait3A_1277 : memref<32x128xf32, #tpu.memory_space<vmem>>) dst(%dma_wait3A_1273 : memref<32x128xf32, #tpu.memory_space<hbm>>)
    %dma_wait3A_1278 = arith.constant 15 : i32
    %dma_wait3A_1279 = arith.constant 0 : i32
    %dma_wait3A_1280 = arith.constant 0 : i32
    %dma_wait3A_1281 = tpu.memref_slice %arg7[%dma_wait3A_1278, %dma_wait3A_1279, %dma_wait3A_1280] : memref<16x32x128xf32, #tpu.memory_space<vmem>> -> memref<1x32x128xf32, #tpu.memory_space<vmem>>
    %dma_wait3A_1282 = tpu.memref_squeeze %dma_wait3A_1281 : memref<1x32x128xf32, #tpu.memory_space<vmem>> -> memref<32x128xf32, #tpu.memory_space<vmem>>
    %dma_wait3A_1283 = arith.constant 0 : i32
    %dma_wait3A_1284 = tpu.memref_slice %arg5[%add3A_1069, %dma_wait3A_1283] : memref<16384x128xf32, #tpu.memory_space<hbm>> -> memref<32x128xf32, #tpu.memory_space<hbm>>
    %dma_wait3A_1285 = arith.constant 0 : i32
    %dma_wait3A_1286 = tpu.memref_slice %arg5[%add3A_1069, %dma_wait3A_1285] : memref<16384x128xf32, #tpu.memory_space<hbm>> -> memref<32x128xf32, #tpu.memory_space<hbm>>
    %dma_wait3A_1287 = arith.constant 0 : i32
    %dma_wait3A_1288 = arith.constant 0 : i32
    %dma_wait3A_1289 = tpu.memref_slice %arg7[%dma_wait3A_1278, %dma_wait3A_1287, %dma_wait3A_1288] : memref<16x32x128xf32, #tpu.memory_space<vmem>> -> memref<1x32x128xf32, #tpu.memory_space<vmem>>
    %dma_wait3A_1290 = tpu.memref_squeeze %dma_wait3A_1289 : memref<1x32x128xf32, #tpu.memory_space<vmem>> -> memref<32x128xf32, #tpu.memory_space<vmem>>
    tpu.wait_dma2 semaphore(%arg11 : memref<!tpu.dma_semaphore, #tpu.memory_space<semaphore_mem>>) src(%dma_wait3A_1290 : memref<32x128xf32, #tpu.memory_space<vmem>>) dst(%dma_wait3A_1286 : memref<32x128xf32, #tpu.memory_space<hbm>>)
    return
  }
}

module attributes {stable_mosaic.version = 14 : i64} {
  func.func @_prep_body(%arg0: memref<8x16x128xf32, #tpu.memory_space<vmem>>, %arg1: memref<512x32xi32, #tpu.memory_space<vmem>>, %arg2: memref<8192x128xf32, #tpu.memory_space<vmem>>, %arg3: memref<512x32xi32, #tpu.memory_space<vmem>>) attributes {dimension_semantics = [], scalar_prefetch = 0 : i64, scratch_operands = 0 : i64, tpu.core_type = #tpu.core_type<tc>} {
    %get3A = arith.constant 0 : index
    %get3A_0 = arith.constant 0 : index
    %get3A_1 = arith.constant 0 : index
    %get3A_2 = vector.load %arg0[%get3A, %get3A_0, %get3A_1] : memref<8x16x128xf32, #tpu.memory_space<vmem>>, vector<8x16x128xf32>
    %reduce_sum3A = arith.constant dense<0.000000e+00> : vector<8x128xf32>
    %reduce_sum3A_3 = vector.multi_reduction <add>, %get3A_2, %reduce_sum3A [1] : vector<8x16x128xf32> to vector<8x128xf32>
    %mul3A = arith.constant 3.125000e-02 : f32
    %mul3A_4 = vector.broadcast %mul3A : f32 to vector<8x128xf32>
    %mul3A_5 = arith.mulf %reduce_sum3A_3, %mul3A_4 : vector<8x128xf32>
    %tile3A = tpu.concatenate %mul3A_5, %mul3A_5, %mul3A_5, %mul3A_5, %mul3A_5, %mul3A_5, %mul3A_5, %mul3A_5, %mul3A_5, %mul3A_5, %mul3A_5, %mul3A_5, %mul3A_5, %mul3A_5, %mul3A_5, %mul3A_5, %mul3A_5, %mul3A_5, %mul3A_5, %mul3A_5, %mul3A_5, %mul3A_5, %mul3A_5, %mul3A_5, %mul3A_5, %mul3A_5, %mul3A_5, %mul3A_5, %mul3A_5, %mul3A_5, %mul3A_5, %mul3A_5, %mul3A_5, %mul3A_5, %mul3A_5, %mul3A_5, %mul3A_5, %mul3A_5, %mul3A_5, %mul3A_5, %mul3A_5, %mul3A_5, %mul3A_5, %mul3A_5, %mul3A_5, %mul3A_5, %mul3A_5, %mul3A_5, %mul3A_5, %mul3A_5, %mul3A_5, %mul3A_5, %mul3A_5, %mul3A_5, %mul3A_5, %mul3A_5, %mul3A_5, %mul3A_5, %mul3A_5, %mul3A_5, %mul3A_5, %mul3A_5, %mul3A_5, %mul3A_5, %mul3A_5, %mul3A_5, %mul3A_5, %mul3A_5, %mul3A_5, %mul3A_5, %mul3A_5, %mul3A_5, %mul3A_5, %mul3A_5, %mul3A_5, %mul3A_5, %mul3A_5, %mul3A_5, %mul3A_5, %mul3A_5, %mul3A_5, %mul3A_5, %mul3A_5, %mul3A_5, %mul3A_5, %mul3A_5, %mul3A_5, %mul3A_5, %mul3A_5, %mul3A_5, %mul3A_5, %mul3A_5, %mul3A_5, %mul3A_5, %mul3A_5, %mul3A_5, %mul3A_5, %mul3A_5, %mul3A_5, %mul3A_5, %mul3A_5, %mul3A_5, %mul3A_5, %mul3A_5, %mul3A_5, %mul3A_5, %mul3A_5, %mul3A_5, %mul3A_5, %mul3A_5, %mul3A_5, %mul3A_5, %mul3A_5, %mul3A_5, %mul3A_5, %mul3A_5, %mul3A_5, %mul3A_5, %mul3A_5, %mul3A_5, %mul3A_5, %mul3A_5, %mul3A_5, %mul3A_5, %mul3A_5, %mul3A_5, %mul3A_5, %mul3A_5, %mul3A_5, %mul3A_5, %mul3A_5, %mul3A_5, %mul3A_5, %mul3A_5, %mul3A_5, %mul3A_5, %mul3A_5, %mul3A_5, %mul3A_5, %mul3A_5, %mul3A_5, %mul3A_5, %mul3A_5, %mul3A_5, %mul3A_5, %mul3A_5, %mul3A_5, %mul3A_5, %mul3A_5, %mul3A_5, %mul3A_5, %mul3A_5, %mul3A_5, %mul3A_5, %mul3A_5, %mul3A_5, %mul3A_5, %mul3A_5, %mul3A_5, %mul3A_5, %mul3A_5, %mul3A_5, %mul3A_5, %mul3A_5, %mul3A_5, %mul3A_5, %mul3A_5, %mul3A_5, %mul3A_5, %mul3A_5, %mul3A_5, %mul3A_5, %mul3A_5, %mul3A_5, %mul3A_5, %mul3A_5, %mul3A_5, %mul3A_5, %mul3A_5, %mul3A_5, %mul3A_5, %mul3A_5, %mul3A_5, %mul3A_5, %mul3A_5, %mul3A_5, %mul3A_5, %mul3A_5, %mul3A_5, %mul3A_5, %mul3A_5, %mul3A_5, %mul3A_5, %mul3A_5, %mul3A_5, %mul3A_5, %mul3A_5, %mul3A_5, %mul3A_5, %mul3A_5, %mul3A_5, %mul3A_5, %mul3A_5, %mul3A_5, %mul3A_5, %mul3A_5, %mul3A_5, %mul3A_5, %mul3A_5, %mul3A_5, %mul3A_5, %mul3A_5, %mul3A_5, %mul3A_5, %mul3A_5, %mul3A_5, %mul3A_5, %mul3A_5, %mul3A_5, %mul3A_5, %mul3A_5, %mul3A_5, %mul3A_5, %mul3A_5, %mul3A_5, %mul3A_5, %mul3A_5, %mul3A_5, %mul3A_5, %mul3A_5, %mul3A_5, %mul3A_5, %mul3A_5, %mul3A_5, %mul3A_5, %mul3A_5, %mul3A_5, %mul3A_5, %mul3A_5, %mul3A_5, %mul3A_5, %mul3A_5, %mul3A_5, %mul3A_5, %mul3A_5, %mul3A_5, %mul3A_5, %mul3A_5, %mul3A_5, %mul3A_5, %mul3A_5, %mul3A_5, %mul3A_5, %mul3A_5, %mul3A_5, %mul3A_5, %mul3A_5, %mul3A_5, %mul3A_5, %mul3A_5, %mul3A_5, %mul3A_5, %mul3A_5, %mul3A_5, %mul3A_5, %mul3A_5, %mul3A_5, %mul3A_5, %mul3A_5, %mul3A_5, %mul3A_5, %mul3A_5, %mul3A_5, %mul3A_5, %mul3A_5, %mul3A_5, %mul3A_5, %mul3A_5, %mul3A_5, %mul3A_5, %mul3A_5, %mul3A_5, %mul3A_5, %mul3A_5, %mul3A_5, %mul3A_5, %mul3A_5, %mul3A_5, %mul3A_5, %mul3A_5, %mul3A_5, %mul3A_5, %mul3A_5, %mul3A_5, %mul3A_5, %mul3A_5, %mul3A_5, %mul3A_5, %mul3A_5, %mul3A_5, %mul3A_5, %mul3A_5, %mul3A_5, %mul3A_5, %mul3A_5, %mul3A_5, %mul3A_5, %mul3A_5, %mul3A_5, %mul3A_5, %mul3A_5, %mul3A_5, %mul3A_5, %mul3A_5, %mul3A_5, %mul3A_5, %mul3A_5, %mul3A_5, %mul3A_5, %mul3A_5, %mul3A_5, %mul3A_5, %mul3A_5, %mul3A_5, %mul3A_5, %mul3A_5, %mul3A_5, %mul3A_5, %mul3A_5, %mul3A_5, %mul3A_5, %mul3A_5, %mul3A_5, %mul3A_5, %mul3A_5, %mul3A_5, %mul3A_5, %mul3A_5, %mul3A_5, %mul3A_5, %mul3A_5, %mul3A_5, %mul3A_5, %mul3A_5, %mul3A_5, %mul3A_5, %mul3A_5, %mul3A_5, %mul3A_5, %mul3A_5, %mul3A_5, %mul3A_5, %mul3A_5, %mul3A_5, %mul3A_5, %mul3A_5, %mul3A_5, %mul3A_5, %mul3A_5, %mul3A_5, %mul3A_5, %mul3A_5, %mul3A_5, %mul3A_5, %mul3A_5, %mul3A_5, %mul3A_5, %mul3A_5, %mul3A_5, %mul3A_5, %mul3A_5, %mul3A_5, %mul3A_5, %mul3A_5, %mul3A_5, %mul3A_5, %mul3A_5, %mul3A_5, %mul3A_5, %mul3A_5, %mul3A_5, %mul3A_5, %mul3A_5, %mul3A_5, %mul3A_5, %mul3A_5, %mul3A_5, %mul3A_5, %mul3A_5, %mul3A_5, %mul3A_5, %mul3A_5, %mul3A_5, %mul3A_5, %mul3A_5, %mul3A_5, %mul3A_5, %mul3A_5, %mul3A_5, %mul3A_5, %mul3A_5, %mul3A_5, %mul3A_5, %mul3A_5, %mul3A_5, %mul3A_5, %mul3A_5, %mul3A_5, %mul3A_5, %mul3A_5, %mul3A_5, %mul3A_5, %mul3A_5, %mul3A_5, %mul3A_5, %mul3A_5, %mul3A_5, %mul3A_5, %mul3A_5, %mul3A_5, %mul3A_5, %mul3A_5, %mul3A_5, %mul3A_5, %mul3A_5, %mul3A_5, %mul3A_5, %mul3A_5, %mul3A_5, %mul3A_5, %mul3A_5, %mul3A_5, %mul3A_5, %mul3A_5, %mul3A_5, %mul3A_5, %mul3A_5, %mul3A_5, %mul3A_5, %mul3A_5, %mul3A_5, %mul3A_5, %mul3A_5, %mul3A_5, %mul3A_5, %mul3A_5, %mul3A_5, %mul3A_5, %mul3A_5, %mul3A_5, %mul3A_5, %mul3A_5, %mul3A_5, %mul3A_5, %mul3A_5, %mul3A_5, %mul3A_5, %mul3A_5, %mul3A_5, %mul3A_5, %mul3A_5, %mul3A_5, %mul3A_5, %mul3A_5, %mul3A_5, %mul3A_5, %mul3A_5, %mul3A_5, %mul3A_5, %mul3A_5, %mul3A_5, %mul3A_5, %mul3A_5, %mul3A_5, %mul3A_5, %mul3A_5, %mul3A_5, %mul3A_5, %mul3A_5, %mul3A_5, %mul3A_5, %mul3A_5, %mul3A_5, %mul3A_5, %mul3A_5, %mul3A_5, %mul3A_5, %mul3A_5, %mul3A_5, %mul3A_5, %mul3A_5, %mul3A_5, %mul3A_5, %mul3A_5, %mul3A_5, %mul3A_5, %mul3A_5, %mul3A_5, %mul3A_5, %mul3A_5, %mul3A_5, %mul3A_5, %mul3A_5, %mul3A_5, %mul3A_5, %mul3A_5, %mul3A_5, %mul3A_5, %mul3A_5, %mul3A_5, %mul3A_5, %mul3A_5, %mul3A_5, %mul3A_5, %mul3A_5, %mul3A_5, %mul3A_5, %mul3A_5, %mul3A_5, %mul3A_5, %mul3A_5, %mul3A_5, %mul3A_5, %mul3A_5, %mul3A_5, %mul3A_5, %mul3A_5, %mul3A_5, %mul3A_5, %mul3A_5, %mul3A_5, %mul3A_5, %mul3A_5, %mul3A_5, %mul3A_5, %mul3A_5, %mul3A_5, %mul3A_5, %mul3A_5, %mul3A_5, %mul3A_5, %mul3A_5, %mul3A_5, %mul3A_5, %mul3A_5, %mul3A_5, %mul3A_5, %mul3A_5, %mul3A_5, %mul3A_5, %mul3A_5, %mul3A_5, %mul3A_5, %mul3A_5, %mul3A_5, %mul3A_5, %mul3A_5, %mul3A_5, %mul3A_5, %mul3A_5, %mul3A_5, %mul3A_5, %mul3A_5, %mul3A_5, %mul3A_5, %mul3A_5, %mul3A_5, %mul3A_5, %mul3A_5, %mul3A_5, %mul3A_5, %mul3A_5, %mul3A_5, %mul3A_5, %mul3A_5, %mul3A_5, %mul3A_5, %mul3A_5, %mul3A_5, %mul3A_5, %mul3A_5, %mul3A_5, %mul3A_5, %mul3A_5, %mul3A_5, %mul3A_5, %mul3A_5, %mul3A_5, %mul3A_5, %mul3A_5, %mul3A_5, %mul3A_5, %mul3A_5, %mul3A_5, %mul3A_5, %mul3A_5, %mul3A_5, %mul3A_5, %mul3A_5, %mul3A_5, %mul3A_5, %mul3A_5, %mul3A_5, %mul3A_5, %mul3A_5, %mul3A_5, %mul3A_5, %mul3A_5, %mul3A_5, %mul3A_5, %mul3A_5, %mul3A_5, %mul3A_5, %mul3A_5, %mul3A_5, %mul3A_5, %mul3A_5, %mul3A_5, %mul3A_5, %mul3A_5, %mul3A_5, %mul3A_5, %mul3A_5, %mul3A_5, %mul3A_5, %mul3A_5, %mul3A_5, %mul3A_5, %mul3A_5, %mul3A_5, %mul3A_5, %mul3A_5, %mul3A_5, %mul3A_5, %mul3A_5, %mul3A_5, %mul3A_5, %mul3A_5, %mul3A_5, %mul3A_5, %mul3A_5, %mul3A_5, %mul3A_5, %mul3A_5, %mul3A_5, %mul3A_5, %mul3A_5, %mul3A_5, %mul3A_5, %mul3A_5, %mul3A_5, %mul3A_5, %mul3A_5, %mul3A_5, %mul3A_5, %mul3A_5, %mul3A_5, %mul3A_5, %mul3A_5, %mul3A_5, %mul3A_5, %mul3A_5, %mul3A_5, %mul3A_5, %mul3A_5, %mul3A_5, %mul3A_5, %mul3A_5, %mul3A_5, %mul3A_5, %mul3A_5, %mul3A_5, %mul3A_5, %mul3A_5, %mul3A_5, %mul3A_5, %mul3A_5, %mul3A_5, %mul3A_5, %mul3A_5, %mul3A_5, %mul3A_5, %mul3A_5, %mul3A_5, %mul3A_5, %mul3A_5, %mul3A_5, %mul3A_5, %mul3A_5, %mul3A_5, %mul3A_5, %mul3A_5, %mul3A_5, %mul3A_5, %mul3A_5, %mul3A_5, %mul3A_5, %mul3A_5, %mul3A_5, %mul3A_5, %mul3A_5, %mul3A_5, %mul3A_5, %mul3A_5, %mul3A_5, %mul3A_5, %mul3A_5, %mul3A_5, %mul3A_5, %mul3A_5, %mul3A_5, %mul3A_5, %mul3A_5, %mul3A_5, %mul3A_5, %mul3A_5, %mul3A_5, %mul3A_5, %mul3A_5, %mul3A_5, %mul3A_5, %mul3A_5, %mul3A_5, %mul3A_5, %mul3A_5, %mul3A_5, %mul3A_5, %mul3A_5, %mul3A_5, %mul3A_5, %mul3A_5, %mul3A_5, %mul3A_5, %mul3A_5, %mul3A_5, %mul3A_5, %mul3A_5, %mul3A_5, %mul3A_5, %mul3A_5, %mul3A_5, %mul3A_5, %mul3A_5, %mul3A_5, %mul3A_5, %mul3A_5, %mul3A_5, %mul3A_5, %mul3A_5, %mul3A_5, %mul3A_5, %mul3A_5, %mul3A_5, %mul3A_5, %mul3A_5, %mul3A_5, %mul3A_5, %mul3A_5, %mul3A_5, %mul3A_5, %mul3A_5, %mul3A_5, %mul3A_5, %mul3A_5, %mul3A_5, %mul3A_5, %mul3A_5, %mul3A_5, %mul3A_5, %mul3A_5, %mul3A_5, %mul3A_5, %mul3A_5, %mul3A_5, %mul3A_5, %mul3A_5, %mul3A_5, %mul3A_5, %mul3A_5, %mul3A_5, %mul3A_5, %mul3A_5, %mul3A_5, %mul3A_5, %mul3A_5, %mul3A_5, %mul3A_5, %mul3A_5, %mul3A_5, %mul3A_5, %mul3A_5, %mul3A_5, %mul3A_5, %mul3A_5, %mul3A_5, %mul3A_5, %mul3A_5, %mul3A_5, %mul3A_5, %mul3A_5, %mul3A_5, %mul3A_5, %mul3A_5, %mul3A_5, %mul3A_5, %mul3A_5, %mul3A_5, %mul3A_5, %mul3A_5, %mul3A_5, %mul3A_5, %mul3A_5, %mul3A_5, %mul3A_5, %mul3A_5, %mul3A_5, %mul3A_5, %mul3A_5, %mul3A_5, %mul3A_5, %mul3A_5, %mul3A_5, %mul3A_5, %mul3A_5, %mul3A_5, %mul3A_5, %mul3A_5, %mul3A_5, %mul3A_5, %mul3A_5, %mul3A_5, %mul3A_5, %mul3A_5, %mul3A_5, %mul3A_5, %mul3A_5, %mul3A_5, %mul3A_5, %mul3A_5, %mul3A_5, %mul3A_5, %mul3A_5, %mul3A_5, %mul3A_5, %mul3A_5, %mul3A_5, %mul3A_5, %mul3A_5, %mul3A_5, %mul3A_5, %mul3A_5, %mul3A_5, %mul3A_5, %mul3A_5, %mul3A_5, %mul3A_5, %mul3A_5, %mul3A_5, %mul3A_5, %mul3A_5, %mul3A_5, %mul3A_5, %mul3A_5, %mul3A_5, %mul3A_5, %mul3A_5, %mul3A_5, %mul3A_5, %mul3A_5, %mul3A_5, %mul3A_5, %mul3A_5, %mul3A_5, %mul3A_5, %mul3A_5, %mul3A_5, %mul3A_5, %mul3A_5, %mul3A_5, %mul3A_5, %mul3A_5, %mul3A_5, %mul3A_5, %mul3A_5, %mul3A_5, %mul3A_5, %mul3A_5, %mul3A_5, %mul3A_5, %mul3A_5, %mul3A_5, %mul3A_5, %mul3A_5, %mul3A_5, %mul3A_5, %mul3A_5, %mul3A_5, %mul3A_5, %mul3A_5, %mul3A_5, %mul3A_5, %mul3A_5, %mul3A_5, %mul3A_5, %mul3A_5, %mul3A_5, %mul3A_5, %mul3A_5, %mul3A_5, %mul3A_5, %mul3A_5, %mul3A_5, %mul3A_5, %mul3A_5, %mul3A_5, %mul3A_5, %mul3A_5, %mul3A_5, %mul3A_5, %mul3A_5, %mul3A_5, %mul3A_5, %mul3A_5, %mul3A_5, %mul3A_5, %mul3A_5, %mul3A_5, %mul3A_5, %mul3A_5, %mul3A_5, %mul3A_5, %mul3A_5, %mul3A_5, %mul3A_5, %mul3A_5, %mul3A_5, %mul3A_5, %mul3A_5, %mul3A_5, %mul3A_5, %mul3A_5, %mul3A_5, %mul3A_5, %mul3A_5, %mul3A_5, %mul3A_5, %mul3A_5, %mul3A_5, %mul3A_5, %mul3A_5, %mul3A_5, %mul3A_5, %mul3A_5, %mul3A_5, %mul3A_5, %mul3A_5, %mul3A_5, %mul3A_5, %mul3A_5, %mul3A_5, %mul3A_5, %mul3A_5, %mul3A_5, %mul3A_5, %mul3A_5, %mul3A_5, %mul3A_5, %mul3A_5, %mul3A_5, %mul3A_5, %mul3A_5, %mul3A_5, %mul3A_5, %mul3A_5, %mul3A_5, %mul3A_5, %mul3A_5, %mul3A_5, %mul3A_5, %mul3A_5, %mul3A_5, %mul3A_5, %mul3A_5, %mul3A_5, %mul3A_5, %mul3A_5, %mul3A_5, %mul3A_5, %mul3A_5, %mul3A_5, %mul3A_5, %mul3A_5, %mul3A_5, %mul3A_5, %mul3A_5, %mul3A_5, %mul3A_5, %mul3A_5, %mul3A_5, %mul3A_5, %mul3A_5, %mul3A_5, %mul3A_5, %mul3A_5, %mul3A_5, %mul3A_5, %mul3A_5, %mul3A_5, %mul3A_5, %mul3A_5, %mul3A_5, %mul3A_5, %mul3A_5, %mul3A_5, %mul3A_5, %mul3A_5, %mul3A_5, %mul3A_5, %mul3A_5, %mul3A_5, %mul3A_5, %mul3A_5, %mul3A_5, %mul3A_5 in 0 : vector<8x128xf32>, vector<8x128xf32>, vector<8x128xf32>, vector<8x128xf32>, vector<8x128xf32>, vector<8x128xf32>, vector<8x128xf32>, vector<8x128xf32>, vector<8x128xf32>, vector<8x128xf32>, vector<8x128xf32>, vector<8x128xf32>, vector<8x128xf32>, vector<8x128xf32>, vector<8x128xf32>, vector<8x128xf32>, vector<8x128xf32>, vector<8x128xf32>, vector<8x128xf32>, vector<8x128xf32>, vector<8x128xf32>, vector<8x128xf32>, vector<8x128xf32>, vector<8x128xf32>, vector<8x128xf32>, vector<8x128xf32>, vector<8x128xf32>, vector<8x128xf32>, vector<8x128xf32>, vector<8x128xf32>, vector<8x128xf32>, vector<8x128xf32>, vector<8x128xf32>, vector<8x128xf32>, vector<8x128xf32>, vector<8x128xf32>, vector<8x128xf32>, vector<8x128xf32>, vector<8x128xf32>, vector<8x128xf32>, vector<8x128xf32>, vector<8x128xf32>, vector<8x128xf32>, vector<8x128xf32>, vector<8x128xf32>, vector<8x128xf32>, vector<8x128xf32>, vector<8x128xf32>, vector<8x128xf32>, vector<8x128xf32>, vector<8x128xf32>, vector<8x128xf32>, vector<8x128xf32>, vector<8x128xf32>, vector<8x128xf32>, vector<8x128xf32>, vector<8x128xf32>, vector<8x128xf32>, vector<8x128xf32>, vector<8x128xf32>, vector<8x128xf32>, vector<8x128xf32>, vector<8x128xf32>, vector<8x128xf32>, vector<8x128xf32>, vector<8x128xf32>, vector<8x128xf32>, vector<8x128xf32>, vector<8x128xf32>, vector<8x128xf32>, vector<8x128xf32>, vector<8x128xf32>, vector<8x128xf32>, vector<8x128xf32>, vector<8x128xf32>, vector<8x128xf32>, vector<8x128xf32>, vector<8x128xf32>, vector<8x128xf32>, vector<8x128xf32>, vector<8x128xf32>, vector<8x128xf32>, vector<8x128xf32>, vector<8x128xf32>, vector<8x128xf32>, vector<8x128xf32>, vector<8x128xf32>, vector<8x128xf32>, vector<8x128xf32>, vector<8x128xf32>, vector<8x128xf32>, vector<8x128xf32>, vector<8x128xf32>, vector<8x128xf32>, vector<8x128xf32>, vector<8x128xf32>, vector<8x128xf32>, vector<8x128xf32>, vector<8x128xf32>, vector<8x128xf32>, vector<8x128xf32>, vector<8x128xf32>, vector<8x128xf32>, vector<8x128xf32>, vector<8x128xf32>, vector<8x128xf32>, vector<8x128xf32>, vector<8x128xf32>, vector<8x128xf32>, vector<8x128xf32>, vector<8x128xf32>, vector<8x128xf32>, vector<8x128xf32>, vector<8x128xf32>, vector<8x128xf32>, vector<8x128xf32>, vector<8x128xf32>, vector<8x128xf32>, vector<8x128xf32>, vector<8x128xf32>, vector<8x128xf32>, vector<8x128xf32>, vector<8x128xf32>, vector<8x128xf32>, vector<8x128xf32>, vector<8x128xf32>, vector<8x128xf32>, vector<8x128xf32>, vector<8x128xf32>, vector<8x128xf32>, vector<8x128xf32>, vector<8x128xf32>, vector<8x128xf32>, vector<8x128xf32>, vector<8x128xf32>, vector<8x128xf32>, vector<8x128xf32>, vector<8x128xf32>, vector<8x128xf32>, vector<8x128xf32>, vector<8x128xf32>, vector<8x128xf32>, vector<8x128xf32>, vector<8x128xf32>, vector<8x128xf32>, vector<8x128xf32>, vector<8x128xf32>, vector<8x128xf32>, vector<8x128xf32>, vector<8x128xf32>, vector<8x128xf32>, vector<8x128xf32>, vector<8x128xf32>, vector<8x128xf32>, vector<8x128xf32>, vector<8x128xf32>, vector<8x128xf32>, vector<8x128xf32>, vector<8x128xf32>, vector<8x128xf32>, vector<8x128xf32>, vector<8x128xf32>, vector<8x128xf32>, vector<8x128xf32>, vector<8x128xf32>, vector<8x128xf32>, vector<8x128xf32>, vector<8x128xf32>, vector<8x128xf32>, vector<8x128xf32>, vector<8x128xf32>, vector<8x128xf32>, vector<8x128xf32>, vector<8x128xf32>, vector<8x128xf32>, vector<8x128xf32>, vector<8x128xf32>, vector<8x128xf32>, vector<8x128xf32>, vector<8x128xf32>, vector<8x128xf32>, vector<8x128xf32>, vector<8x128xf32>, vector<8x128xf32>, vector<8x128xf32>, vector<8x128xf32>, vector<8x128xf32>, vector<8x128xf32>, vector<8x128xf32>, vector<8x128xf32>, vector<8x128xf32>, vector<8x128xf32>, vector<8x128xf32>, vector<8x128xf32>, vector<8x128xf32>, vector<8x128xf32>, vector<8x128xf32>, vector<8x128xf32>, vector<8x128xf32>, vector<8x128xf32>, vector<8x128xf32>, vector<8x128xf32>, vector<8x128xf32>, vector<8x128xf32>, vector<8x128xf32>, vector<8x128xf32>, vector<8x128xf32>, vector<8x128xf32>, vector<8x128xf32>, vector<8x128xf32>, vector<8x128xf32>, vector<8x128xf32>, vector<8x128xf32>, vector<8x128xf32>, vector<8x128xf32>, vector<8x128xf32>, vector<8x128xf32>, vector<8x128xf32>, vector<8x128xf32>, vector<8x128xf32>, vector<8x128xf32>, vector<8x128xf32>, vector<8x128xf32>, vector<8x128xf32>, vector<8x128xf32>, vector<8x128xf32>, vector<8x128xf32>, vector<8x128xf32>, vector<8x128xf32>, vector<8x128xf32>, vector<8x128xf32>, vector<8x128xf32>, vector<8x128xf32>, vector<8x128xf32>, vector<8x128xf32>, vector<8x128xf32>, vector<8x128xf32>, vector<8x128xf32>, vector<8x128xf32>, vector<8x128xf32>, vector<8x128xf32>, vector<8x128xf32>, vector<8x128xf32>, vector<8x128xf32>, vector<8x128xf32>, vector<8x128xf32>, vector<8x128xf32>, vector<8x128xf32>, vector<8x128xf32>, vector<8x128xf32>, vector<8x128xf32>, vector<8x128xf32>, vector<8x128xf32>, vector<8x128xf32>, vector<8x128xf32>, vector<8x128xf32>, vector<8x128xf32>, vector<8x128xf32>, vector<8x128xf32>, vector<8x128xf32>, vector<8x128xf32>, vector<8x128xf32>, vector<8x128xf32>, vector<8x128xf32>, vector<8x128xf32>, vector<8x128xf32>, vector<8x128xf32>, vector<8x128xf32>, vector<8x128xf32>, vector<8x128xf32>, vector<8x128xf32>, vector<8x128xf32>, vector<8x128xf32>, vector<8x128xf32>, vector<8x128xf32>, vector<8x128xf32>, vector<8x128xf32>, vector<8x128xf32>, vector<8x128xf32>, vector<8x128xf32>, vector<8x128xf32>, vector<8x128xf32>, vector<8x128xf32>, vector<8x128xf32>, vector<8x128xf32>, vector<8x128xf32>, vector<8x128xf32>, vector<8x128xf32>, vector<8x128xf32>, vector<8x128xf32>, vector<8x128xf32>, vector<8x128xf32>, vector<8x128xf32>, vector<8x128xf32>, vector<8x128xf32>, vector<8x128xf32>, vector<8x128xf32>, vector<8x128xf32>, vector<8x128xf32>, vector<8x128xf32>, vector<8x128xf32>, vector<8x128xf32>, vector<8x128xf32>, vector<8x128xf32>, vector<8x128xf32>, vector<8x128xf32>, vector<8x128xf32>, vector<8x128xf32>, vector<8x128xf32>, vector<8x128xf32>, vector<8x128xf32>, vector<8x128xf32>, vector<8x128xf32>, vector<8x128xf32>, vector<8x128xf32>, vector<8x128xf32>, vector<8x128xf32>, vector<8x128xf32>, vector<8x128xf32>, vector<8x128xf32>, vector<8x128xf32>, vector<8x128xf32>, vector<8x128xf32>, vector<8x128xf32>, vector<8x128xf32>, vector<8x128xf32>, vector<8x128xf32>, vector<8x128xf32>, vector<8x128xf32>, vector<8x128xf32>, vector<8x128xf32>, vector<8x128xf32>, vector<8x128xf32>, vector<8x128xf32>, vector<8x128xf32>, vector<8x128xf32>, vector<8x128xf32>, vector<8x128xf32>, vector<8x128xf32>, vector<8x128xf32>, vector<8x128xf32>, vector<8x128xf32>, vector<8x128xf32>, vector<8x128xf32>, vector<8x128xf32>, vector<8x128xf32>, vector<8x128xf32>, vector<8x128xf32>, vector<8x128xf32>, vector<8x128xf32>, vector<8x128xf32>, vector<8x128xf32>, vector<8x128xf32>, vector<8x128xf32>, vector<8x128xf32>, vector<8x128xf32>, vector<8x128xf32>, vector<8x128xf32>, vector<8x128xf32>, vector<8x128xf32>, vector<8x128xf32>, vector<8x128xf32>, vector<8x128xf32>, vector<8x128xf32>, vector<8x128xf32>, vector<8x128xf32>, vector<8x128xf32>, vector<8x128xf32>, vector<8x128xf32>, vector<8x128xf32>, vector<8x128xf32>, vector<8x128xf32>, vector<8x128xf32>, vector<8x128xf32>, vector<8x128xf32>, vector<8x128xf32>, vector<8x128xf32>, vector<8x128xf32>, vector<8x128xf32>, vector<8x128xf32>, vector<8x128xf32>, vector<8x128xf32>, vector<8x128xf32>, vector<8x128xf32>, vector<8x128xf32>, vector<8x128xf32>, vector<8x128xf32>, vector<8x128xf32>, vector<8x128xf32>, vector<8x128xf32>, vector<8x128xf32>, vector<8x128xf32>, vector<8x128xf32>, vector<8x128xf32>, vector<8x128xf32>, vector<8x128xf32>, vector<8x128xf32>, vector<8x128xf32>, vector<8x128xf32>, vector<8x128xf32>, vector<8x128xf32>, vector<8x128xf32>, vector<8x128xf32>, vector<8x128xf32>, vector<8x128xf32>, vector<8x128xf32>, vector<8x128xf32>, vector<8x128xf32>, vector<8x128xf32>, vector<8x128xf32>, vector<8x128xf32>, vector<8x128xf32>, vector<8x128xf32>, vector<8x128xf32>, vector<8x128xf32>, vector<8x128xf32>, vector<8x128xf32>, vector<8x128xf32>, vector<8x128xf32>, vector<8x128xf32>, vector<8x128xf32>, vector<8x128xf32>, vector<8x128xf32>, vector<8x128xf32>, vector<8x128xf32>, vector<8x128xf32>, vector<8x128xf32>, vector<8x128xf32>, vector<8x128xf32>, vector<8x128xf32>, vector<8x128xf32>, vector<8x128xf32>, vector<8x128xf32>, vector<8x128xf32>, vector<8x128xf32>, vector<8x128xf32>, vector<8x128xf32>, vector<8x128xf32>, vector<8x128xf32>, vector<8x128xf32>, vector<8x128xf32>, vector<8x128xf32>, vector<8x128xf32>, vector<8x128xf32>, vector<8x128xf32>, vector<8x128xf32>, vector<8x128xf32>, vector<8x128xf32>, vector<8x128xf32>, vector<8x128xf32>, vector<8x128xf32>, vector<8x128xf32>, vector<8x128xf32>, vector<8x128xf32>, vector<8x128xf32>, vector<8x128xf32>, vector<8x128xf32>, vector<8x128xf32>, vector<8x128xf32>, vector<8x128xf32>, vector<8x128xf32>, vector<8x128xf32>, vector<8x128xf32>, vector<8x128xf32>, vector<8x128xf32>, vector<8x128xf32>, vector<8x128xf32>, vector<8x128xf32>, vector<8x128xf32>, vector<8x128xf32>, vector<8x128xf32>, vector<8x128xf32>, vector<8x128xf32>, vector<8x128xf32>, vector<8x128xf32>, vector<8x128xf32>, vector<8x128xf32>, vector<8x128xf32>, vector<8x128xf32>, vector<8x128xf32>, vector<8x128xf32>, vector<8x128xf32>, vector<8x128xf32>, vector<8x128xf32>, vector<8x128xf32>, vector<8x128xf32>, vector<8x128xf32>, vector<8x128xf32>, vector<8x128xf32>, vector<8x128xf32>, vector<8x128xf32>, vector<8x128xf32>, vector<8x128xf32>, vector<8x128xf32>, vector<8x128xf32>, vector<8x128xf32>, vector<8x128xf32>, vector<8x128xf32>, vector<8x128xf32>, vector<8x128xf32>, vector<8x128xf32>, vector<8x128xf32>, vector<8x128xf32>, vector<8x128xf32>, vector<8x128xf32>, vector<8x128xf32>, vector<8x128xf32>, vector<8x128xf32>, vector<8x128xf32>, vector<8x128xf32>, vector<8x128xf32>, vector<8x128xf32>, vector<8x128xf32>, vector<8x128xf32>, vector<8x128xf32>, vector<8x128xf32>, vector<8x128xf32>, vector<8x128xf32>, vector<8x128xf32>, vector<8x128xf32>, vector<8x128xf32>, vector<8x128xf32>, vector<8x128xf32>, vector<8x128xf32>, vector<8x128xf32>, vector<8x128xf32>, vector<8x128xf32>, vector<8x128xf32>, vector<8x128xf32>, vector<8x128xf32>, vector<8x128xf32>, vector<8x128xf32>, vector<8x128xf32>, vector<8x128xf32>, vector<8x128xf32>, vector<8x128xf32>, vector<8x128xf32>, vector<8x128xf32>, vector<8x128xf32>, vector<8x128xf32>, vector<8x128xf32>, vector<8x128xf32>, vector<8x128xf32>, vector<8x128xf32>, vector<8x128xf32>, vector<8x128xf32>, vector<8x128xf32>, vector<8x128xf32>, vector<8x128xf32>, vector<8x128xf32>, vector<8x128xf32>, vector<8x128xf32>, vector<8x128xf32>, vector<8x128xf32>, vector<8x128xf32>, vector<8x128xf32>, vector<8x128xf32>, vector<8x128xf32>, vector<8x128xf32>, vector<8x128xf32>, vector<8x128xf32>, vector<8x128xf32>, vector<8x128xf32>, vector<8x128xf32>, vector<8x128xf32>, vector<8x128xf32>, vector<8x128xf32>, vector<8x128xf32>, vector<8x128xf32>, vector<8x128xf32>, vector<8x128xf32>, vector<8x128xf32>, vector<8x128xf32>, vector<8x128xf32>, vector<8x128xf32>, vector<8x128xf32>, vector<8x128xf32>, vector<8x128xf32>, vector<8x128xf32>, vector<8x128xf32>, vector<8x128xf32>, vector<8x128xf32>, vector<8x128xf32>, vector<8x128xf32>, vector<8x128xf32>, vector<8x128xf32>, vector<8x128xf32>, vector<8x128xf32>, vector<8x128xf32>, vector<8x128xf32>, vector<8x128xf32>, vector<8x128xf32>, vector<8x128xf32>, vector<8x128xf32>, vector<8x128xf32>, vector<8x128xf32>, vector<8x128xf32>, vector<8x128xf32>, vector<8x128xf32>, vector<8x128xf32>, vector<8x128xf32>, vector<8x128xf32>, vector<8x128xf32>, vector<8x128xf32>, vector<8x128xf32>, vector<8x128xf32>, vector<8x128xf32>, vector<8x128xf32>, vector<8x128xf32>, vector<8x128xf32>, vector<8x128xf32>, vector<8x128xf32>, vector<8x128xf32>, vector<8x128xf32>, vector<8x128xf32>, vector<8x128xf32>, vector<8x128xf32>, vector<8x128xf32>, vector<8x128xf32>, vector<8x128xf32>, vector<8x128xf32>, vector<8x128xf32>, vector<8x128xf32>, vector<8x128xf32>, vector<8x128xf32>, vector<8x128xf32>, vector<8x128xf32>, vector<8x128xf32>, vector<8x128xf32>, vector<8x128xf32>, vector<8x128xf32>, vector<8x128xf32>, vector<8x128xf32>, vector<8x128xf32>, vector<8x128xf32>, vector<8x128xf32>, vector<8x128xf32>, vector<8x128xf32>, vector<8x128xf32>, vector<8x128xf32>, vector<8x128xf32>, vector<8x128xf32>, vector<8x128xf32>, vector<8x128xf32>, vector<8x128xf32>, vector<8x128xf32>, vector<8x128xf32>, vector<8x128xf32>, vector<8x128xf32>, vector<8x128xf32>, vector<8x128xf32>, vector<8x128xf32>, vector<8x128xf32>, vector<8x128xf32>, vector<8x128xf32>, vector<8x128xf32>, vector<8x128xf32>, vector<8x128xf32>, vector<8x128xf32>, vector<8x128xf32>, vector<8x128xf32>, vector<8x128xf32>, vector<8x128xf32>, vector<8x128xf32>, vector<8x128xf32>, vector<8x128xf32>, vector<8x128xf32>, vector<8x128xf32>, vector<8x128xf32>, vector<8x128xf32>, vector<8x128xf32>, vector<8x128xf32>, vector<8x128xf32>, vector<8x128xf32>, vector<8x128xf32>, vector<8x128xf32>, vector<8x128xf32>, vector<8x128xf32>, vector<8x128xf32>, vector<8x128xf32>, vector<8x128xf32>, vector<8x128xf32>, vector<8x128xf32>, vector<8x128xf32>, vector<8x128xf32>, vector<8x128xf32>, vector<8x128xf32>, vector<8x128xf32>, vector<8x128xf32>, vector<8x128xf32>, vector<8x128xf32>, vector<8x128xf32>, vector<8x128xf32>, vector<8x128xf32>, vector<8x128xf32>, vector<8x128xf32>, vector<8x128xf32>, vector<8x128xf32>, vector<8x128xf32>, vector<8x128xf32>, vector<8x128xf32>, vector<8x128xf32>, vector<8x128xf32>, vector<8x128xf32>, vector<8x128xf32>, vector<8x128xf32>, vector<8x128xf32>, vector<8x128xf32>, vector<8x128xf32>, vector<8x128xf32>, vector<8x128xf32>, vector<8x128xf32>, vector<8x128xf32>, vector<8x128xf32>, vector<8x128xf32>, vector<8x128xf32>, vector<8x128xf32>, vector<8x128xf32>, vector<8x128xf32>, vector<8x128xf32>, vector<8x128xf32>, vector<8x128xf32>, vector<8x128xf32>, vector<8x128xf32>, vector<8x128xf32>, vector<8x128xf32>, vector<8x128xf32>, vector<8x128xf32>, vector<8x128xf32>, vector<8x128xf32>, vector<8x128xf32>, vector<8x128xf32>, vector<8x128xf32>, vector<8x128xf32>, vector<8x128xf32>, vector<8x128xf32>, vector<8x128xf32>, vector<8x128xf32>, vector<8x128xf32>, vector<8x128xf32>, vector<8x128xf32>, vector<8x128xf32>, vector<8x128xf32>, vector<8x128xf32>, vector<8x128xf32>, vector<8x128xf32>, vector<8x128xf32>, vector<8x128xf32>, vector<8x128xf32>, vector<8x128xf32>, vector<8x128xf32>, vector<8x128xf32>, vector<8x128xf32>, vector<8x128xf32>, vector<8x128xf32>, vector<8x128xf32>, vector<8x128xf32>, vector<8x128xf32>, vector<8x128xf32>, vector<8x128xf32>, vector<8x128xf32>, vector<8x128xf32>, vector<8x128xf32>, vector<8x128xf32>, vector<8x128xf32>, vector<8x128xf32>, vector<8x128xf32>, vector<8x128xf32>, vector<8x128xf32>, vector<8x128xf32>, vector<8x128xf32>, vector<8x128xf32>, vector<8x128xf32>, vector<8x128xf32>, vector<8x128xf32>, vector<8x128xf32>, vector<8x128xf32>, vector<8x128xf32>, vector<8x128xf32>, vector<8x128xf32>, vector<8x128xf32>, vector<8x128xf32>, vector<8x128xf32>, vector<8x128xf32>, vector<8x128xf32>, vector<8x128xf32>, vector<8x128xf32>, vector<8x128xf32>, vector<8x128xf32>, vector<8x128xf32>, vector<8x128xf32>, vector<8x128xf32>, vector<8x128xf32>, vector<8x128xf32>, vector<8x128xf32>, vector<8x128xf32>, vector<8x128xf32>, vector<8x128xf32>, vector<8x128xf32>, vector<8x128xf32>, vector<8x128xf32>, vector<8x128xf32>, vector<8x128xf32>, vector<8x128xf32>, vector<8x128xf32>, vector<8x128xf32>, vector<8x128xf32>, vector<8x128xf32>, vector<8x128xf32>, vector<8x128xf32>, vector<8x128xf32>, vector<8x128xf32>, vector<8x128xf32>, vector<8x128xf32>, vector<8x128xf32>, vector<8x128xf32>, vector<8x128xf32>, vector<8x128xf32>, vector<8x128xf32>, vector<8x128xf32>, vector<8x128xf32>, vector<8x128xf32>, vector<8x128xf32>, vector<8x128xf32>, vector<8x128xf32>, vector<8x128xf32>, vector<8x128xf32>, vector<8x128xf32>, vector<8x128xf32>, vector<8x128xf32>, vector<8x128xf32>, vector<8x128xf32>, vector<8x128xf32>, vector<8x128xf32>, vector<8x128xf32>, vector<8x128xf32>, vector<8x128xf32>, vector<8x128xf32>, vector<8x128xf32>, vector<8x128xf32>, vector<8x128xf32>, vector<8x128xf32>, vector<8x128xf32>, vector<8x128xf32>, vector<8x128xf32>, vector<8x128xf32>, vector<8x128xf32>, vector<8x128xf32>, vector<8x128xf32>, vector<8x128xf32>, vector<8x128xf32>, vector<8x128xf32>, vector<8x128xf32>, vector<8x128xf32>, vector<8x128xf32>, vector<8x128xf32>, vector<8x128xf32>, vector<8x128xf32>, vector<8x128xf32>, vector<8x128xf32>, vector<8x128xf32>, vector<8x128xf32>, vector<8x128xf32>, vector<8x128xf32>, vector<8x128xf32>, vector<8x128xf32>, vector<8x128xf32>, vector<8x128xf32>, vector<8x128xf32>, vector<8x128xf32>, vector<8x128xf32>, vector<8x128xf32>, vector<8x128xf32>, vector<8x128xf32>, vector<8x128xf32>, vector<8x128xf32>, vector<8x128xf32>, vector<8x128xf32>, vector<8x128xf32>, vector<8x128xf32>, vector<8x128xf32>, vector<8x128xf32>, vector<8x128xf32>, vector<8x128xf32>, vector<8x128xf32>, vector<8x128xf32>, vector<8x128xf32>, vector<8x128xf32>, vector<8x128xf32>, vector<8x128xf32>, vector<8x128xf32>, vector<8x128xf32>, vector<8x128xf32>, vector<8x128xf32>, vector<8x128xf32>, vector<8x128xf32>, vector<8x128xf32>, vector<8x128xf32>, vector<8x128xf32>, vector<8x128xf32>, vector<8x128xf32>, vector<8x128xf32>, vector<8x128xf32>, vector<8x128xf32>, vector<8x128xf32>, vector<8x128xf32>, vector<8x128xf32>, vector<8x128xf32>, vector<8x128xf32>, vector<8x128xf32>, vector<8x128xf32>, vector<8x128xf32>, vector<8x128xf32>, vector<8x128xf32>, vector<8x128xf32>, vector<8x128xf32>, vector<8x128xf32>, vector<8x128xf32>, vector<8x128xf32>, vector<8x128xf32>, vector<8x128xf32>, vector<8x128xf32>, vector<8x128xf32>, vector<8x128xf32>, vector<8x128xf32>, vector<8x128xf32>, vector<8x128xf32>, vector<8x128xf32>, vector<8x128xf32>, vector<8x128xf32>, vector<8x128xf32>, vector<8x128xf32>, vector<8x128xf32>, vector<8x128xf32>, vector<8x128xf32>, vector<8x128xf32>, vector<8x128xf32>, vector<8x128xf32>, vector<8x128xf32>, vector<8x128xf32>, vector<8x128xf32>, vector<8x128xf32>, vector<8x128xf32>, vector<8x128xf32>, vector<8x128xf32>, vector<8x128xf32>, vector<8x128xf32>, vector<8x128xf32>, vector<8x128xf32>, vector<8x128xf32>, vector<8x128xf32>, vector<8x128xf32>, vector<8x128xf32>, vector<8x128xf32>, vector<8x128xf32>, vector<8x128xf32>, vector<8x128xf32>, vector<8x128xf32>, vector<8x128xf32>, vector<8x128xf32>, vector<8x128xf32>, vector<8x128xf32>, vector<8x128xf32>, vector<8x128xf32>, vector<8x128xf32>, vector<8x128xf32>, vector<8x128xf32>, vector<8x128xf32>, vector<8x128xf32>, vector<8x128xf32>, vector<8x128xf32>, vector<8x128xf32>, vector<8x128xf32>, vector<8x128xf32>, vector<8x128xf32>, vector<8x128xf32>, vector<8x128xf32>, vector<8x128xf32>, vector<8x128xf32>, vector<8x128xf32>, vector<8x128xf32>, vector<8x128xf32>, vector<8x128xf32>, vector<8x128xf32>, vector<8x128xf32>, vector<8x128xf32>, vector<8x128xf32>, vector<8x128xf32>, vector<8x128xf32>, vector<8x128xf32>, vector<8x128xf32>, vector<8x128xf32>, vector<8x128xf32>, vector<8x128xf32>, vector<8x128xf32>, vector<8x128xf32>, vector<8x128xf32>, vector<8x128xf32>, vector<8x128xf32>, vector<8x128xf32>, vector<8x128xf32>, vector<8x128xf32>, vector<8x128xf32>, vector<8x128xf32>, vector<8x128xf32>, vector<8x128xf32>, vector<8x128xf32>, vector<8x128xf32>, vector<8x128xf32>, vector<8x128xf32>, vector<8x128xf32>, vector<8x128xf32>, vector<8x128xf32>, vector<8x128xf32>, vector<8x128xf32>, vector<8x128xf32>, vector<8x128xf32>, vector<8x128xf32>, vector<8x128xf32>, vector<8x128xf32>, vector<8x128xf32>, vector<8x128xf32>, vector<8x128xf32>, vector<8x128xf32> -> vector<8192x128xf32>
    %swap3A = arith.constant 0 : index
    %swap3A_6 = arith.constant 0 : index
    %swap3A_7 = vector.load %arg2[%swap3A, %swap3A_6] : memref<8192x128xf32, #tpu.memory_space<vmem>>, vector<8192x128xf32>
    tpu.vector_store %arg2[%swap3A, %swap3A_6], %tile3A {strides = array<i32>} : memref<8192x128xf32, #tpu.memory_space<vmem>>, vector<8192x128xf32>,
    %iota3A = tpu.iota {dimensions = array<i32: 0>} : vector<512x32xi32>
    %iota3A_8 = tpu.iota {dimensions = array<i32: 1>} : vector<512x32xi32>
    %get3A_9 = arith.constant 0 : index
    %get3A_10 = arith.constant 0 : index
    %get3A_11 = vector.load %arg1[%get3A_9, %get3A_10] : memref<512x32xi32, #tpu.memory_space<vmem>>, vector<512x32xi32>
    %mul3A_12 = arith.constant 16 : i32
    %mul3A_13 = vector.broadcast %mul3A_12 : i32 to vector<512x32xi32>
    %mul3A_14 = arith.muli %iota3A, %mul3A_13 : vector<512x32xi32>
    %add3A = arith.addi %get3A_11, %mul3A_14 : vector<512x32xi32>
    %jit3A = arith.constant 2 : i32
    %eq3A = arith.constant 0 : i32
    %eq3A_15 = arith.cmpi eq, %jit3A, %eq3A : i32
    %jit3A_16 = arith.constant 1 : i32
    %select_n3A = arith.select %eq3A_15, %jit3A_16, %jit3A : i32
    %rem3A = vector.broadcast %select_n3A : i32 to vector<512x32xi32>
    %rem3A_17 = arith.remsi %iota3A_8, %rem3A : vector<512x32xi32>
    %ne3A = arith.constant 0 : i32
    %ne3A_18 = vector.broadcast %ne3A : i32 to vector<512x32xi32>
    %ne3A_19 = arith.cmpi ne, %rem3A_17, %ne3A_18 : vector<512x32xi32>
    %lt3A = arith.constant 0 : i32
    %lt3A_20 = vector.broadcast %lt3A : i32 to vector<512x32xi32>
    %lt3A_21 = arith.cmpi slt, %rem3A_17, %lt3A_20 : vector<512x32xi32>
    %lt3A_22 = arith.constant 0 : i32
    %lt3A_23 = arith.cmpi slt, %select_n3A, %lt3A_22 : i32
    %ne3A_24 = vector.broadcast %lt3A_23 : i1 to vector<512x32xi1>
    %ne3A_25 = vector.broadcast %ne3A_24 : vector<512x32xi1> to vector<512x32xi1>
    %ne3A_26 = arith.xori %lt3A_21, %ne3A_25 : vector<512x32xi1>
    %and3A = arith.andi %ne3A_26, %ne3A_19 : vector<512x32xi1>
    %add3A_27 = vector.broadcast %select_n3A : i32 to vector<512x32xi32>
    %add3A_28 = arith.addi %rem3A_17, %add3A_27 : vector<512x32xi32>
    %select_n3A_29 = arith.select %and3A, %add3A_28, %rem3A_17 : vector<512x32xi1>, vector<512x32xi32>
    %mul3A_30 = arith.constant 8 : i32
    %mul3A_31 = vector.broadcast %mul3A_30 : i32 to vector<512x32xi32>
    %mul3A_32 = arith.muli %select_n3A_29, %mul3A_31 : vector<512x32xi32>
    %add3A_33 = arith.addi %add3A, %mul3A_32 : vector<512x32xi32>
    %swap3A_34 = arith.constant 0 : index
    %swap3A_35 = arith.constant 0 : index
    %swap3A_36 = vector.load %arg3[%swap3A_34, %swap3A_35] : memref<512x32xi32, #tpu.memory_space<vmem>>, vector<512x32xi32>
    tpu.vector_store %arg3[%swap3A_34, %swap3A_35], %add3A_33 {strides = array<i32>} : memref<512x32xi32, #tpu.memory_space<vmem>>, vector<512x32xi32>,
    return
  }
}

</mosaic_0001>

<sc_bundles>
// kernel: kernel.4.cloned.1.call-start
scs
__scs_entry_jumppad:
0x0: {  	(pc) =	sbr.rel $0x88, $3  }
0x1: {  	(tag) =	ssettag $0x0;
	lr =	simm.s32 $0x1  }
0x2: {  	[smem:$0x3F9E] =	sst lr;
	_ =	strace $0xD0000000  }
0x3: {  	_ = 	snop  }
0x4: {  	_ = 	snop  }
0x5: {  	_ = 	snop  }
0x6: {  	_ = 	snop  }
0x7: {  	_ = 	snop  }
__scs_overlays_trampoline_lowered:
0x8: {  	[smem:$0x3FAD] =	sst s0  }
0x9: {  	[smem:$0x3FAE] =	sst s1  }
0xa: {  	[smem:$0x3FAF] =	sst s2  }
0xb: {  	[smem:$0x3FB0] =	sst s3  }
0xc: {  	[smem:$0x3FB1] =	sst s4  }
0xd: {  	[smem:$0x3FB2] =	sst s5  }
0xe: {  	[smem:$0x3FB3] =	sst s6  }
0xf: {  	[smem:$0x3FB4] =	sst s7  }
0x10: {  	[smem:$0x3FB5] =	sst s8  }
0x11: {  	[smem:$0x3FB6] =	sst s9;
	s0 =	simm.s32 @!p0 $0x0  }
0x12: {  	s1 =	sld [smem:$0x3F9C];
	s0 =	simm.s32 @p0 $0x1  }
0x13: {  	[smem:$0x3FB7] =	sst s0;
	s0 =	simm.s32 @!p1 $0x0  }
0x14: {  	s2 =	sld [smem:$0x3F9B];
	s0 =	simm.s32 @p1 $0x1  }
0x15: {  	[smem:$0x3FB8] =	sst s0;
	s0 =	simm.s32 @!p2 $0x0  }
0x16: {  	s3 =	sld [smem:$0x3FDB];
	s0 =	simm.s32 @p2 $0x1  }
0x17: {  	s4 =	simm.s32 $0x1BF5;
	[smem:$0x3FBA] =	sst s0  }
0x18: {  	s0 =	sld [smem:$0x3F9D];
	_ =	swait.ge [sflag:s4], $0x0  }
0x19: {  	s7 =	sld [smem:$0x3F9E]  }
0x1a: {  	s8 =	sadd.s32 $0xFFFFE003, lr  }
0x1b: {  	s9 =	sadd.s32 $0xFFFFFEF7, lr;
	s5 =	simm.s32 $0xFFFFFFFF;
	p2 =	slt.u32 s8, $0xFFFFF086  }
0x1c: {  	p1 =	slt.u32 s9, $0xF7A;
	s5 =	simm.s32 @!p2 $0x0  }
0x1d: {  	s5 =	simm.s32 @p1 $0x1;
	p0 =	seq.s32 s7, s2  }
0x1e: {  	s7 =	smul.u32 @!p0 $0xF7A, s2;
	p2 =	seq.s32 @!p0 s5, $0x0  }
0x1f: {  	s9 =	smul.u32 $0xF7A, s1;
	s8 =	simm.s32 @!p0 $0x1BF5;
	p2 =	por !p2, p0  }
0x20: {  	[sflag:s8] =	ssyncset.s32 @!p0 $0xFFFFF086;
	s6 =	sadd.s32 @!p0 s3, s7;
	s7 =	simm.s32 @!p0 $0x108  }
0x21: {  	s3 =	sadd.s32 s3, s9;
	s6 =	sadd.s32 @!p0 $0x88, s6;
	s7 =	simm.s32 @p2 $0x1082  }
0x22: {  	[simem:s7], [sflag:s8] =	dma.local @!p0 [hbm:s6], $0xF7A  }
0x23: {  	s9 =	sor.u32 $0xD0000000, s2;
	s6 =	simm.s32 $0x108;
	_ =	swait.ge @!p0 [sflag:s8], $0x0  }
0x24: {  	s3 =	sadd.s32 $0x88, s3;
	s6 =	simm.s32 @!p1 $0x1082;
	[sflag:s4] =	ssyncset.s32 $0xFFFFF086  }
0x25: {  	[simem:s6], [sflag:s4] =	dma.local [hbm:s3], $0xF7A  }
0x26: {  	[smem:$0x3F9E] =	sst s1;
	(tag) =	ssettag s2;
	_ =	strace s9  }
0x27: {  	s1 =	sld [smem:$0x3FAE]  }
0x28: {  	s2 =	sld [smem:$0x3FAF]  }
0x29: {  	s4 =	sld [smem:$0x3FB1]  }
0x2a: {  	p0 =	seq.s32 s5, $0x0;
	s5 =	sld [smem:$0x3FB2]  }
0x2b: {  	s6 =	sld [smem:$0x3FB3]  }
0x2c: {  	s7 =	sld [smem:$0x3FB4]  }
0x2d: {  	s3 =	simm.s32 $0x108;
	s8 =	sld [smem:$0x3FB5]  }
0x2e: {  	s3 =	simm.s32 @!p0 $0x1082;
	s9 =	sld [smem:$0x3FB6]  }
0x2f: {  	lr =	sadd.s32 s0, s3;
	s0 =	sld [smem:$0x3FAD]  }
0x30: {  	s3 =	sld [smem:$0x3FB0]  }
0x31: {  	[smem:$0x3FB9] =	sst s10  }
0x32: {  	s10 =	sld [smem:$0x3FB7];
	_ =	sdelay $0x3  }
0x33: {  	p0 =	seq.s32 s10, $0x1;
	s10 =	sld [smem:$0x3FB9];
	_ =	sdelay $0x3  }
0x34: {  	[smem:$0x3FB9] =	sst s10  }
0x35: {  	s10 =	sld [smem:$0x3FB8];
	_ =	sdelay $0x3  }
0x36: {  	p1 =	seq.s32 s10, $0x1;
	s10 =	sld [smem:$0x3FB9];
	_ =	sdelay $0x3  }
0x37: {  	[smem:$0x3FB9] =	sst s10  }
0x38: {  	s10 =	sld [smem:$0x3FBA]  }
0x39: {  	_ = 	snop;
	(pc) =	sbr.ind lr, $3  }
0x3a: {  	_ = 	snop  }
0x3b: {  	_ = 	snop  }
0x3c: {  	p2 =	seq.s32 s10, $0x1;
	s10 =	sld [smem:$0x3FB9]  }
0x3d: {  	_ =	shalt  }
0x3e: {  	_ =	shalt  }
0x3f: {  	_ =	shalt  }
0x40: {  	_ =	shalt  }
0x41: {  	_ =	shalt  }
0x42: {  	_ =	shalt  }
0x43: {  	_ =	shalt  }
0x44: {  	_ =	shalt  }
0x45: {  	_ =	shalt  }
0x46: {  	_ =	shalt  }
0x47: {  	_ =	shalt  }
0x48: {  	_ =	shalt  }
0x49: {  	_ =	shalt  }
0x4a: {  	_ =	shalt  }
0x4b: {  	_ =	shalt  }
0x4c: {  	_ =	shalt  }
0x4d: {  	_ =	shalt  }
0x4e: {  	_ =	shalt  }
0x4f: {  	_ =	shalt  }
0x50: {  	_ =	shalt  }
0x51: {  	_ =	shalt  }
0x52: {  	_ =	shalt  }
0x53: {  	_ =	shalt  }
0x54: {  	_ =	shalt  }
0x55: {  	_ =	shalt  }
0x56: {  	_ =	shalt  }
0x57: {  	_ =	shalt  }
0x58: {  	_ =	shalt  }
0x59: {  	_ =	shalt  }
0x5a: {  	_ =	shalt  }
0x5b: {  	_ =	shalt  }
0x5c: {  	_ =	shalt  }
0x5d: {  	_ =	shalt  }
0x5e: {  	_ =	shalt  }
0x5f: {  	_ =	shalt  }
0x60: {  	_ =	shalt  }
0x61: {  	_ =	shalt  }
0x62: {  	_ =	shalt  }
0x63: {  	_ =	shalt  }
0x64: {  	_ =	shalt  }
0x65: {  	_ =	shalt  }
0x66: {  	_ =	shalt  }
0x67: {  	_ =	shalt  }
0x68: {  	_ =	shalt  }
0x69: {  	_ =	shalt  }
0x6a: {  	_ =	shalt  }
0x6b: {  	_ =	shalt  }
0x6c: {  	_ =	shalt  }
0x6d: {  	_ =	shalt  }
0x6e: {  	_ =	shalt  }
0x6f: {  	_ =	shalt  }
0x70: {  	_ =	shalt  }
0x71: {  	_ =	shalt  }
0x72: {  	_ =	shalt  }
0x73: {  	_ =	shalt  }
0x74: {  	_ =	shalt  }
0x75: {  	_ =	shalt  }
0x76: {  	_ =	shalt  }
0x77: {  	_ =	shalt  }
0x78: {  	_ =	shalt  }
0x79: {  	_ =	shalt  }
0x7a: {  	_ =	shalt  }
0x7b: {  	_ =	shalt  }
0x7c: {  	_ =	shalt  }
0x7d: {  	_ =	shalt  }
0x7e: {  	_ =	shalt  }
0x7f: {  	_ =	shalt  }
0x80: {  	_ =	shalt  }
0x81: {  	_ =	shalt  }
0x82: {  	_ =	shalt  }
0x83: {  	_ =	shalt  }
0x84: {  	_ =	shalt  }
0x85: {  	_ =	shalt  }
0x86: {  	_ =	shalt  }
0x87: {  	_ =	shalt  }
.Lfunc_end0:
.L_simem_size_0:
called_computation_lowered:
.L_overlay_start_0:
0x88: {  	s2 =	sld [smem:$0x3FD9]  }
0x89: {  	s3 =	sld [smem:$0x3FFE];
	_ =	sdelay $0x1  }
0x8a: {  	s1 =	srdreg.scid  }
0x8b: {  	s0 =	sand.u32 $0x1, s1  }
0x8c: {  	s17 =	sshll.u32 s0, $0xA;
	s2 =	sadd.s32 s3, s2  }
0x8d: {  	s2 =	sadd.s32 s2, s17  }
0x8e: {  	[smem:$0x3FC5] =	sst s2  }
0x8f: {  	_ = 	snop  }
0x90: {  	s2 =	sld [smem:$0x3FC9]  }
0x91: {  	s18 =	sld [smem:$0x3FD0];
	(tm) =	ssettm $0x1  }
0x92: {  	s4 =	sld [smem:$0x3FFB];
	_ =	sdelay $0x3  }
0x93: {  	_ =	strace s4  }
0x94: {  	s4 =	sld [smem:$0x3FFC];
	_ =	sdelay $0x3  }
0x95: {  	_ =	strace s4  }
0x96: {  	s4 =	sld [smem:$0x3FFD];
	_ =	sdelay $0x3  }
0x97: {  	_ =	strace s4  }
0x98: {  	_ =	strace $0x8FFFFFFF  }
0x99: {  	s19 =	sld [smem:$0x3FDB];
	_ =	sdelay $0x1  }
0x9a: {  	s5 =	simm.s32 $_scs_section_size  }
0x9b: {  	s6 =	simm.s32 $_size__tile_overlayer_lowered;
	s7 =	simm.s32 $_tile_overlayer_lowered  }
0x9c: {  	s22 =	simm.s32 $0x1BFF;
	s21 =	sshll.u32 s7, $0x1;
	s4 =	sadd.s32 s5, s19  }
0x9d: {  	s8 =	simm.s32 $0x0;
	s20 =	sshll.u32 s6, $0x1;
	s6 =	sadd.s32 s21, s4  }
0x9e: {  	[timem:s8], [sflag:s22] =	dma.local [hbm:s6], s20  }
0x9f: {  	_ =	swait.ge [sflag:s22], s20  }
0xa0: {  	s5 =	ssub.s32 $0x0, s20;
	[sflag:s22] =	ssyncset.done $0x0  }
0xa1: {  	[sflag:s22] =	ssyncadd.s32 s5;
	_ =	sdelay $0x1  }
0xa2: {  	s23 =	simm.s32 $0x1B8B  }
0xa3: {  	_ =	swait.ge [sflag:s23], $0x1  }
0xa4: {  	[sflag:s23] =	ssyncset.done $0x0  }
0xa5: {  	s25 =	simm.s32 $0x1B8E;
	s24 =	sld [smem:$0x3FFE];
	[sflag:s23] =	ssyncadd.s32 $0xFFFFFFFF  }
0xa6: {  	s26 =	simm.s32 $execute0_lowered;
	[smem:$0x3FD2] =	sst s25  }
0xa7: {  	s6 =	sshll.u32 s26, $0x1;
	_ =	strace $0x80000046;
	[dreg:$0x1] =	wrdreg $0xFFFFFFFF  }
0xa8: {  	s28 =	simm.s32 $_size_execute0_lowered;
	s4 =	sadd.s32 s4, s6;
	[dreg:$0x0] =	wrdreg $0x0  }
0xa9: {  	s6 =	sshll.u32 s28, $0x1;
	[dreg:$0x2] =	wrdreg s4  }
0xaa: {  	[dreg:$0x3] =	wrdreg s6  }
0xab: {  	[dreg:$0x4] =	wrdreg $0xC0  }
0xac: {  	_ =	task [dreg:s8], $0x5FFFF  }
0xad: {  	[dreg:$0x1] =	wrdreg $0xFFFFFFFF  }
0xae: {  	[dreg:$0x0] =	wrdreg $0x60  }
0xaf: {  	[dreg:$0x2] =	wrdreg s2  }
0xb0: {  	[dreg:$0x3] =	wrdreg s24  }
0xb1: {  	[dreg:$0x4] =	wrdreg s18  }
0xb2: {  	[dreg:$0x5] =	wrdreg $0x9  }
0xb3: {  	_ =	task.clear_ibuf [dreg:s8], $0x6FFFF;
	_ =	strace $0x90000046  }
0xb4: {  	s29 =	simm.s32 $0x9;
	_ =	strace $0x80000048  }
0xb5: {  	_ =	swait.ge [sflag:s29], $0x1  }
0xb6: {  	[sflag:s29] =	ssyncadd.s32 $0xFFFFFFFF  }
0xb7: {  	_ =	strace $0x90000048  }
0xb8: {  	_ =	sfence  }
0xb9: {  	s30 =	sld [smem:$0x0];
	_ =	sdelay $0x2  }
0xba: {  	s31 =	sshll.u32 s1, $0xD;
	s1 =	sshrl.u32 s1, $0x2  }
0xbb: {  	s3 =	sand.u32 $0x4000, s31;
	s1 =	sadd.s32 s1, s30  }
0xbc: {  	s0 =	sor.u32 s3, s0;
	s1 =	sshll.u32 s1, $0x11  }
0xbd: {  	s0 =	sor.u32 s1, s0  }
0xbe: {  	s0 =	sadd.s32 $0x8F2B, s0  }
0xbf: {  	[sflag:s0] =	ssyncadd.remote.s32 $0x1  }
0xc0: {  	_ =	sfence.sel $0xFFFF  }
0xc1: {  	[dreg:$0x0] =	wrdreg $0xFFFFFFFF;
	(pc) =	sbr.abs _section_cstart, $3  }
0xc2: {  	[dreg:$0x1] =	wrdreg $0xFFFFFFFF  }
0xc3: {  	_ =	task.clear_ibuf [dreg:s8], $0x2FFFF;
	_ =	strace $0x9FFFFFFF  }
0xc4: {  	(tm) =	ssettm $0x7FFFFFFF  }
0xc5: {  	_ =	shalt  }
tec
execute0_lowered:
.L_overlay_start_1:
0x0: {  	(tag) =	ssettag $0x1  }
0x1: {  	s0 =	rddreg [dreg:$0x0];
	s1 =	srdreg.scid  }
0x2: {  	s2 =	stileid.u32;
	s4 =	rddreg [dreg:$0x1];
	s31 =	simm.s32 $0x1  }
0x3: {  	s29 =	simm.s32 $0x500;
	s3 =	sand.u32 $0x1, s1;
	s2 =	sshll.u32 s2, $0x1  }
0x4: {  	s1 =	rddreg [dreg:$0x2];
	s5 =	sor.u32 s3, s2;
	s2 =	simm.s32 $0x0  }
0x5: {  	s6 =	sshll.u32 s5, $0x8;
	[smem:$0x7FF] =	sst s2;
	s5 =	sshll.u32 s5, $0xD  }
0x6: {  	s6 =	sadd.s32 s6, s4;
	_ =	strace $0x80000047;
	s12 =	sadd.s32 s0, s5  }
0x7: {  	s7 =	sor.u32 $0x200, s5;
	s6 =	sadd.s32 $0x20C00, s6;
	[dreg:$0x5] =	wrdreg s12  }
0x8: {  	s8 =	sor.u32 $0x400, s5;
	s13 =	sadd.s32 s0, s7;
	[dreg:$0x4] =	wrdreg s6  }
0x9: {  	s9 =	sor.u32 $0x600, s5;
	s14 =	sadd.s32 s0, s8;
	[dreg:$0x6] =	wrdreg s13  }
0xa: {  	s10 =	sor.u32 $0x800, s5;
	s15 =	sadd.s32 s0, s9;
	[dreg:$0x7] =	wrdreg s14  }
0xb: {  	s11 =	sor.u32 $0xA00, s5;
	s16 =	sadd.s32 s0, s10;
	[dreg:$0x8] =	wrdreg s15  }
0xc: {  	p0 =	por $0x0, $0x0;
	s17 =	sadd.s32 s0, s11;
	[dreg:$0x9] =	wrdreg s16  }
0xd: {  	s30 =	simm.s32 $0x600;
	s7 =	sadd.s32 s1, s7;
	[dreg:$0xa] =	wrdreg s17  }
0xe: {  	s28 =	simm.s32 $0x680;
	s8 =	sadd.s32 s1, s8;
	[dreg:$0x16] =	wrdreg s7  }
0xf: {  	s3 =	ssub.s32 $0x2, s3;
	s9 =	sadd.s32 s1, s9;
	[dreg:$0x17] =	wrdreg s8  }
0x10: {  	s12 =	sor.u32 $0xC00, s5;
	s10 =	sadd.s32 s1, s10;
	[dreg:$0x18] =	wrdreg s9  }
0x11: {  	s11 =	sadd.s32 s1, s11;
	s18 =	sadd.s32 s0, s12;
	[dreg:$0x19] =	wrdreg s10  }
0x12: {  	s13 =	sor.u32 $0xE00, s5;
	s14 =	sor.u32 $0x1000, s5;
	[dreg:$0x1a] =	wrdreg s11  }
0x13: {  	s15 =	sor.u32 $0x1200, s5;
	s6 =	sadd.s32 s1, s5;
	[dreg:$0xb] =	wrdreg s18  }
0x14: {  	s16 =	sor.u32 $0x1400, s5;
	s12 =	sadd.s32 s1, s12;
	[dreg:$0x15] =	wrdreg s6  }
0x15: {  	s17 =	sor.u32 $0x1600, s5;
	s7 =	simm.s32 $0x180;
	[dreg:$0x1b] =	wrdreg s12  }
0x16: {  	s11 =	simm.s32 $0x8800;
	s19 =	sadd.s32 s0, s13;
	[smem:$0x7F7] =	sst s7  }
0x17: {  	s10 =	simm.s32 $0x9800;
	s20 =	sadd.s32 s0, s14;
	[dreg:$0xc] =	wrdreg s19  }
0x18: {  	s9 =	simm.s32 $0xA800;
	s21 =	sadd.s32 s0, s15;
	[dreg:$0xd] =	wrdreg s20  }
0x19: {  	s8 =	simm.s32 $0xB800;
	s22 =	sadd.s32 s0, s16;
	[dreg:$0xe] =	wrdreg s21  }
0x1a: {  	s23 =	sadd.s32 s0, s17;
	s13 =	sadd.s32 s1, s13;
	[dreg:$0xf] =	wrdreg s22  }
0x1b: {  	s14 =	sadd.s32 s1, s14;
	s15 =	sadd.s32 s1, s15;
	[dreg:$0x10] =	wrdreg s23  }
0x1c: {  	s16 =	sadd.s32 s1, s16;
	s17 =	sadd.s32 s1, s17;
	[dreg:$0x1c] =	wrdreg s13  }
0x1d: {  	s18 =	sadd.s32 $0xC00, s4;
	s12 =	simm.s32 $0x7800;
	[dreg:$0x1d] =	wrdreg s14  }
0x1e: {  	s6 =	simm.s32 $0x100;
	s7 =	simm.s32 $0xC800;
	[dreg:$0x1e] =	wrdreg s15  }
0x1f: {  	s4 =	simm.s32 $0xF800;
	s19 =	sor.u32 $0x1800, s5;
	[dreg:$0x1f] =	wrdreg s16  }
0x20: {  	s20 =	sor.u32 $0x1A00, s5;
	s21 =	sor.u32 $0x1C00, s5;
	[smem:$0x7F0] =	sst s17  }
0x21: {  	s22 =	sor.u32 $0x1E00, s5;
	s5 =	simm.s32 $0x80;
	[smem:$0x7F6] =	sst s6  }
0x22: {  	s17 =	simm.s32 $0x3800;
	s13 =	simm.s32 $0x200;
	[smem:$0x7F5] =	sst s5  }
0x23: {  	s16 =	simm.s32 $0x4800;
	s24 =	sadd.s32 s0, s19;
	[smem:$0x7F8] =	sst s13  }
0x24: {  	s15 =	simm.s32 $0x5800;
	s25 =	sadd.s32 s0, s20;
	[dreg:$0x11] =	wrdreg s24  }
0x25: {  	s14 =	simm.s32 $0x6800;
	s26 =	sadd.s32 s0, s21;
	[dreg:$0x12] =	wrdreg s25  }
0x26: {  	s6 =	simm.s32 $0xD800;
	s0 =	sadd.s32 s0, s22;
	[dreg:$0x13] =	wrdreg s26  }
0x27: {  	s23 =	sadd.s32 s1, s19;
	s19 =	simm.s32 $0x2800;
	[dreg:$0x14] =	wrdreg s0  }
0x28: {  	s5 =	simm.s32 $0xE800;
	s13 =	simm.s32 $0x3;
	[smem:$0x7F1] =	sst s23  }
0x29: {  	s24 =	sadd.s32 s1, s20;
	s25 =	sshrl.u32 s3, $0x1;
	s0 =	rddreg [dreg:$0x4]  }
0x2a: {  	s26 =	sadd.s32 s1, s21;
	s1 =	sadd.s32 s1, s22;
	[smem:$0x7F2] =	sst s24  }
0x2b: {  	s21 =	simm.s32 $0x800;
	s3 =	ssub.s32 s3, s25;
	[smem:$0x7F3] =	sst s26  }
0x2c: {  	s22 =	simm.s32 $0x280;
	[smem:$0x7F4] =	sst s1;
	s3 =	smax.u32 s3, $0x1  }
0x2d: {  	s23 =	simm.s32 $0x300;
	[smem:$0x7F9] =	sst s22;
	p1 =	sne.s32 s3, $0x1  }
.Ltmp0:
0x2e: {  	[smem:$0x7FA] =	sst s23;
	s24 =	simm.s32 $0x380;
	(pc) =	sbr.rel @!p1 .LBB2_1-.Ltmp0, $4  }
0x2f: {  	s20 =	simm.s32 $0x1800;
	s25 =	simm.s32 $0x400;
	[smem:$0x7FB] =	sst s24  }
0x30: {  	s26 =	simm.s32 $0x480;
	s22 =	simm.s32 $0x2;
	[smem:$0x7FC] =	sst s25  }
0x31: {  	s23 =	simm.s32 $0x20;
	[smem:$0x7FD] =	sst s26;
	s26 =	simm.s32 $0x700  }
0x32: {  	s25 =	simm.s32 $0x780;
	s24 =	sadd.s32 $0xFFFFFFFF, s3;
	s3 =	simm.s32 $0x4  }
0x33: {  	[tilespmem:s2], [sflag:$0x1] =	stream.linear.gather [hbm4b:s0+s2], $0x800, $0x38;
	[tilespmem:$0x10800] =	vst v63  }
0x34: {  	s1 =	rddreg [dreg:$0x5]  }
0x35: {  	[tilespmem:s21], [sflag:$0x2] =	stream.linear.gather [hbm4b:s1+s2], $0x1000, $0x38;
	[tilespmem:$0x10800] =	vst v63  }
0x36: {  	s0 =	rddreg [dreg:$0x6]  }
0x37: {  	[tilespmem:s20], [sflag:$0x2] =	stream.linear.gather [hbm4b:s0+s2], $0x1000, $0x38;
	[tilespmem:$0x10800] =	vst v63  }
0x38: {  	s1 =	rddreg [dreg:$0x7]  }
0x39: {  	[tilespmem:s19], [sflag:$0x2] =	stream.linear.gather [hbm4b:s1+s2], $0x1000, $0x38;
	[tilespmem:$0x10800] =	vst v63  }
0x3a: {  	s0 =	rddreg [dreg:$0x8]  }
0x3b: {  	[tilespmem:s17], [sflag:$0x2] =	stream.linear.gather [hbm4b:s0+s2], $0x1000, $0x38;
	[tilespmem:$0x10800] =	vst v63  }
0x3c: {  	s1 =	rddreg [dreg:$0x9]  }
0x3d: {  	[tilespmem:s16], [sflag:$0x2] =	stream.linear.gather [hbm4b:s1+s2], $0x1000, $0x38;
	[tilespmem:$0x10800] =	vst v63  }
0x3e: {  	s0 =	rddreg [dreg:$0xa]  }
0x3f: {  	[tilespmem:s15], [sflag:$0x2] =	stream.linear.gather [hbm4b:s0+s2], $0x1000, $0x38;
	[tilespmem:$0x10800] =	vst v63  }
0x40: {  	s1 =	rddreg [dreg:$0xb]  }
0x41: {  	[tilespmem:s14], [sflag:$0x2] =	stream.linear.gather [hbm4b:s1+s2], $0x1000, $0x38;
	[tilespmem:$0x10800] =	vst v63  }
0x42: {  	s0 =	rddreg [dreg:$0xc]  }
0x43: {  	[tilespmem:s12], [sflag:$0x2] =	stream.linear.gather [hbm4b:s0+s2], $0x1000, $0x38;
	[tilespmem:$0x10800] =	vst v63  }
0x44: {  	s1 =	rddreg [dreg:$0xd]  }
0x45: {  	[tilespmem:s11], [sflag:$0x2] =	stream.linear.gather [hbm4b:s1+s2], $0x1000, $0x38;
	[tilespmem:$0x10800] =	vst v63  }
0x46: {  	s0 =	rddreg [dreg:$0xe]  }
0x47: {  	[tilespmem:s10], [sflag:$0x2] =	stream.linear.gather [hbm4b:s0+s2], $0x1000, $0x38;
	[tilespmem:$0x10800] =	vst v63  }
0x48: {  	s1 =	rddreg [dreg:$0xf]  }
0x49: {  	[tilespmem:s9], [sflag:$0x2] =	stream.linear.gather [hbm4b:s1+s2], $0x1000, $0x38;
	[tilespmem:$0x10800] =	vst v63  }
0x4a: {  	s0 =	rddreg [dreg:$0x10]  }
0x4b: {  	[tilespmem:s8], [sflag:$0x2] =	stream.linear.gather [hbm4b:s0+s2], $0x1000, $0x38;
	[tilespmem:$0x10800] =	vst v63  }
0x4c: {  	s1 =	rddreg [dreg:$0x11]  }
0x4d: {  	[tilespmem:s7], [sflag:$0x2] =	stream.linear.gather [hbm4b:s1+s2], $0x1000, $0x38;
	[tilespmem:$0x10800] =	vst v63  }
0x4e: {  	s0 =	rddreg [dreg:$0x12]  }
0x4f: {  	[tilespmem:s6], [sflag:$0x2] =	stream.linear.gather [hbm4b:s0+s2], $0x1000, $0x38;
	[tilespmem:$0x10800] =	vst v63  }
0x50: {  	s1 =	rddreg [dreg:$0x13]  }
0x51: {  	[tilespmem:s5], [sflag:$0x2] =	stream.linear.gather [hbm4b:s1+s2], $0x1000, $0x38;
	[tilespmem:$0x10800] =	vst v63  }
0x52: {  	s0 =	rddreg [dreg:$0x14]  }
0x53: {  	[tilespmem:s4], [sflag:$0x2] =	stream.linear.gather [hbm4b:s0+s2], $0x1000, $0x38;
	[tilespmem:$0x10800] =	vst v63  }
0x54: {  	_ =	swait.ge [sflag:s31], $0x800  }
0x55: {  	[sflag:s31] =	ssyncset.done $0x0  }
0x56: {  	[sflag:s31] =	ssyncadd.s32 $0xFFFFF800  }
0x57: {  	_ =	swait.ge [sflag:s22], $0x1000  }
0x58: {  	[sflag:s22] =	ssyncset.done $0x0  }
0x59: {  	[sflag:s22] =	ssyncadd.s32 $0xFFFFF000  }
0x5a: {  	[tilespmem:s21], [sflag:$0x3] =	stream.indirect.gather.add.f32 [hbm:s18], $0x80, s2, s23, $0xb8;
	[tilespmem:$0x10800] =	vst v63  }
0x5b: {  	_ =	swait.ge [sflag:s22], $0x1000  }
0x5c: {  	s1 =	sld [smem:$0x7F5]  }
0x5d: {  	[sflag:s22] =	ssyncset.done $0x0  }
0x5e: {  	[sflag:s22] =	ssyncadd.s32 $0xFFFFF000  }
0x5f: {  	[tilespmem:s20], [sflag:$0x3] =	stream.indirect.gather.add.f32 [hbm:s18], $0x80, s1, s23, $0xb8;
	[tilespmem:$0x10800] =	vst v63  }
0x60: {  	_ =	swait.ge [sflag:s22], $0x1000  }
0x61: {  	s1 =	sld [smem:$0x7F6]  }
0x62: {  	[sflag:s22] =	ssyncset.done $0x0  }
0x63: {  	[sflag:s22] =	ssyncadd.s32 $0xFFFFF000  }
0x64: {  	[tilespmem:s19], [sflag:$0x3] =	stream.indirect.gather.add.f32 [hbm:s18], $0x80, s1, s23, $0xb8;
	[tilespmem:$0x10800] =	vst v63  }
0x65: {  	_ =	swait.ge [sflag:s22], $0x1000  }
0x66: {  	s1 =	sld [smem:$0x7F7]  }
0x67: {  	[sflag:s22] =	ssyncset.done $0x0  }
0x68: {  	[sflag:s22] =	ssyncadd.s32 $0xFFFFF000  }
0x69: {  	[tilespmem:s17], [sflag:$0x3] =	stream.indirect.gather.add.f32 [hbm:s18], $0x80, s1, s23, $0xb8;
	[tilespmem:$0x10800] =	vst v63  }
0x6a: {  	_ =	swait.ge [sflag:s22], $0x1000  }
0x6b: {  	s1 =	sld [smem:$0x7F8]  }
0x6c: {  	[sflag:s22] =	ssyncset.done $0x0  }
0x6d: {  	[sflag:s22] =	ssyncadd.s32 $0xFFFFF000  }
0x6e: {  	[tilespmem:s16], [sflag:$0x3] =	stream.indirect.gather.add.f32 [hbm:s18], $0x80, s1, s23, $0xb8;
	[tilespmem:$0x10800] =	vst v63  }
0x6f: {  	_ =	swait.ge [sflag:s22], $0x1000  }
0x70: {  	s1 =	sld [smem:$0x7F9]  }
0x71: {  	[sflag:s22] =	ssyncset.done $0x0  }
0x72: {  	[sflag:s22] =	ssyncadd.s32 $0xFFFFF000  }
0x73: {  	[tilespmem:s15], [sflag:$0x3] =	stream.indirect.gather.add.f32 [hbm:s18], $0x80, s1, s23, $0xb8;
	[tilespmem:$0x10800] =	vst v63  }
0x74: {  	_ =	swait.ge [sflag:s22], $0x1000  }
0x75: {  	s1 =	sld [smem:$0x7FA]  }
0x76: {  	[sflag:s22] =	ssyncset.done $0x0  }
0x77: {  	[sflag:s22] =	ssyncadd.s32 $0xFFFFF000  }
0x78: {  	[tilespmem:s14], [sflag:$0x3] =	stream.indirect.gather.add.f32 [hbm:s18], $0x80, s1, s23, $0xb8;
	[tilespmem:$0x10800] =	vst v63  }
0x79: {  	_ =	swait.ge [sflag:s22], $0x1000  }
0x7a: {  	s1 =	sld [smem:$0x7FB]  }
0x7b: {  	[sflag:s22] =	ssyncset.done $0x0  }
0x7c: {  	[sflag:s22] =	ssyncadd.s32 $0xFFFFF000  }
0x7d: {  	[tilespmem:s12], [sflag:$0x3] =	stream.indirect.gather.add.f32 [hbm:s18], $0x80, s1, s23, $0xb8;
	[tilespmem:$0x10800] =	vst v63  }
0x7e: {  	_ =	swait.ge [sflag:s22], $0x1000  }
0x7f: {  	s1 =	sld [smem:$0x7FC]  }
0x80: {  	[sflag:s22] =	ssyncset.done $0x0  }
0x81: {  	[sflag:s22] =	ssyncadd.s32 $0xFFFFF000  }
0x82: {  	[tilespmem:s11], [sflag:$0x3] =	stream.indirect.gather.add.f32 [hbm:s18], $0x80, s1, s23, $0xb8;
	[tilespmem:$0x10800] =	vst v63  }
0x83: {  	_ =	swait.ge [sflag:s22], $0x1000  }
0x84: {  	s1 =	sld [smem:$0x7FD]  }
0x85: {  	[sflag:s22] =	ssyncset.done $0x0  }
0x86: {  	[sflag:s22] =	ssyncadd.s32 $0xFFFFF000  }
0x87: {  	[tilespmem:s10], [sflag:$0x3] =	stream.indirect.gather.add.f32 [hbm:s18], $0x80, s1, s23, $0xb8;
	[tilespmem:$0x10800] =	vst v63  }
0x88: {  	_ =	swait.ge [sflag:s22], $0x1000  }
0x89: {  	[sflag:s22] =	ssyncset.done $0x0  }
0x8a: {  	[sflag:s22] =	ssyncadd.s32 $0xFFFFF000  }
0x8b: {  	[tilespmem:s9], [sflag:$0x3] =	stream.indirect.gather.add.f32 [hbm:s18], $0x80, s29, s23, $0xb8;
	[tilespmem:$0x10800] =	vst v63  }
0x8c: {  	_ =	swait.ge [sflag:s22], $0x1000  }
0x8d: {  	[sflag:s22] =	ssyncset.done $0x0  }
0x8e: {  	s1 =	simm.s32 $0x580;
	[sflag:s22] =	ssyncadd.s32 $0xFFFFF000  }
0x8f: {  	[tilespmem:s8], [sflag:$0x3] =	stream.indirect.gather.add.f32 [hbm:s18], $0x80, s1, s23, $0xb8;
	[tilespmem:$0x10800] =	vst v63  }
0x90: {  	_ =	swait.ge [sflag:s22], $0x1000  }
0x91: {  	[sflag:s22] =	ssyncset.done $0x0  }
0x92: {  	[sflag:s22] =	ssyncadd.s32 $0xFFFFF000  }
0x93: {  	[tilespmem:s7], [sflag:$0x3] =	stream.indirect.gather.add.f32 [hbm:s18], $0x80, s30, s23, $0xb8;
	[tilespmem:$0x10800] =	vst v63  }
0x94: {  	_ =	swait.ge [sflag:s22], $0x1000  }
0x95: {  	[sflag:s22] =	ssyncset.done $0x0  }
0x96: {  	[sflag:s22] =	ssyncadd.s32 $0xFFFFF000  }
0x97: {  	[tilespmem:s6], [sflag:$0x3] =	stream.indirect.gather.add.f32 [hbm:s18], $0x80, s28, s23, $0xb8;
	[tilespmem:$0x10800] =	vst v63  }
0x98: {  	_ =	swait.ge [sflag:s22], $0x1000  }
0x99: {  	[sflag:s22] =	ssyncset.done $0x0  }
0x9a: {  	[sflag:s22] =	ssyncadd.s32 $0xFFFFF000  }
0x9b: {  	[tilespmem:s5], [sflag:$0x3] =	stream.indirect.gather.add.f32 [hbm:s18], $0x80, s26, s23, $0xb8;
	[tilespmem:$0x10800] =	vst v63  }
0x9c: {  	_ =	swait.ge [sflag:s22], $0x1000  }
0x9d: {  	[sflag:s22] =	ssyncset.done $0x0  }
0x9e: {  	[sflag:s22] =	ssyncadd.s32 $0xFFFFF000  }
0x9f: {  	[tilespmem:s4], [sflag:$0x3] =	stream.indirect.gather.add.f32 [hbm:s18], $0x80, s25, s23, $0xb8;
	[tilespmem:$0x10800] =	vst v63  }
0xa0: {  	_ =	swait.ge [sflag:s13], $0x1000  }
0xa1: {  	[sflag:s13] =	ssyncset.done $0x0  }
0xa2: {  	s1 =	rddreg [dreg:$0x15];
	[sflag:s13] =	ssyncadd.s32 $0xFFFFF000  }
0xa3: {  	[hbm4b:s1+s2] =	stream.linear.scatter [tilespmem:s21], [sflag:$0x4], $0x1000, $0x38;
	[tilespmem:$0x10800] =	vst v63  }
0xa4: {  	_ =	swait.ge [sflag:s13], $0x1000  }
0xa5: {  	[sflag:s13] =	ssyncset.done $0x0  }
0xa6: {  	s1 =	rddreg [dreg:$0x16];
	[sflag:s13] =	ssyncadd.s32 $0xFFFFF000  }
0xa7: {  	[hbm4b:s1+s2] =	stream.linear.scatter [tilespmem:s20], [sflag:$0x4], $0x1000, $0x38;
	[tilespmem:$0x10800] =	vst v63  }
0xa8: {  	_ =	swait.ge [sflag:s13], $0x1000  }
0xa9: {  	[sflag:s13] =	ssyncset.done $0x0  }
0xaa: {  	s1 =	rddreg [dreg:$0x17];
	[sflag:s13] =	ssyncadd.s32 $0xFFFFF000  }
0xab: {  	[hbm4b:s1+s2] =	stream.linear.scatter [tilespmem:s19], [sflag:$0x4], $0x1000, $0x38;
	[tilespmem:$0x10800] =	vst v63  }
0xac: {  	_ =	swait.ge [sflag:s13], $0x1000  }
0xad: {  	[sflag:s13] =	ssyncset.done $0x0  }
0xae: {  	s1 =	rddreg [dreg:$0x18];
	[sflag:s13] =	ssyncadd.s32 $0xFFFFF000  }
0xaf: {  	[hbm4b:s1+s2] =	stream.linear.scatter [tilespmem:s17], [sflag:$0x4], $0x1000, $0x38;
	[tilespmem:$0x10800] =	vst v63  }
0xb0: {  	_ =	swait.ge [sflag:s13], $0x1000  }
0xb1: {  	[sflag:s13] =	ssyncset.done $0x0  }
0xb2: {  	s1 =	rddreg [dreg:$0x19];
	[sflag:s13] =	ssyncadd.s32 $0xFFFFF000  }
0xb3: {  	[hbm4b:s1+s2] =	stream.linear.scatter [tilespmem:s16], [sflag:$0x4], $0x1000, $0x38;
	[tilespmem:$0x10800] =	vst v63  }
0xb4: {  	_ =	swait.ge [sflag:s13], $0x1000  }
0xb5: {  	[sflag:s13] =	ssyncset.done $0x0  }
0xb6: {  	s1 =	rddreg [dreg:$0x1a];
	[sflag:s13] =	ssyncadd.s32 $0xFFFFF000  }
0xb7: {  	[hbm4b:s1+s2] =	stream.linear.scatter [tilespmem:s15], [sflag:$0x4], $0x1000, $0x38;
	[tilespmem:$0x10800] =	vst v63  }
0xb8: {  	_ =	swait.ge [sflag:s13], $0x1000  }
0xb9: {  	[sflag:s13] =	ssyncset.done $0x0  }
0xba: {  	s1 =	rddreg [dreg:$0x1b];
	[sflag:s13] =	ssyncadd.s32 $0xFFFFF000  }
0xbb: {  	[hbm4b:s1+s2] =	stream.linear.scatter [tilespmem:s14], [sflag:$0x4], $0x1000, $0x38;
	[tilespmem:$0x10800] =	vst v63  }
0xbc: {  	_ =	swait.ge [sflag:s13], $0x1000  }
0xbd: {  	[sflag:s13] =	ssyncset.done $0x0  }
0xbe: {  	s1 =	rddreg [dreg:$0x1c];
	[sflag:s13] =	ssyncadd.s32 $0xFFFFF000  }
0xbf: {  	[hbm4b:s1+s2] =	stream.linear.scatter [tilespmem:s12], [sflag:$0x4], $0x1000, $0x38;
	[tilespmem:$0x10800] =	vst v63  }
0xc0: {  	_ =	swait.ge [sflag:s13], $0x1000  }
0xc1: {  	[sflag:s13] =	ssyncset.done $0x0  }
0xc2: {  	s1 =	rddreg [dreg:$0x1d];
	[sflag:s13] =	ssyncadd.s32 $0xFFFFF000  }
0xc3: {  	[hbm4b:s1+s2] =	stream.linear.scatter [tilespmem:s11], [sflag:$0x4], $0x1000, $0x38;
	[tilespmem:$0x10800] =	vst v63  }
0xc4: {  	_ =	swait.ge [sflag:s13], $0x1000  }
0xc5: {  	[sflag:s13] =	ssyncset.done $0x0  }
0xc6: {  	s1 =	rddreg [dreg:$0x1e];
	[sflag:s13] =	ssyncadd.s32 $0xFFFFF000  }
0xc7: {  	[hbm4b:s1+s2] =	stream.linear.scatter [tilespmem:s10], [sflag:$0x4], $0x1000, $0x38;
	[tilespmem:$0x10800] =	vst v63  }
0xc8: {  	_ =	swait.ge [sflag:s13], $0x1000  }
0xc9: {  	[sflag:s13] =	ssyncset.done $0x0  }
0xca: {  	s1 =	rddreg [dreg:$0x1f];
	[sflag:s13] =	ssyncadd.s32 $0xFFFFF000  }
0xcb: {  	[hbm4b:s1+s2] =	stream.linear.scatter [tilespmem:s9], [sflag:$0x4], $0x1000, $0x38;
	[tilespmem:$0x10800] =	vst v63  }
0xcc: {  	_ =	swait.ge [sflag:s13], $0x1000  }
0xcd: {  	s1 =	sld [smem:$0x7F0]  }
0xce: {  	[sflag:s13] =	ssyncset.done $0x0  }
0xcf: {  	[sflag:s13] =	ssyncadd.s32 $0xFFFFF000  }
0xd0: {  	[hbm4b:s1+s2] =	stream.linear.scatter [tilespmem:s8], [sflag:$0x4], $0x1000, $0x38;
	[tilespmem:$0x10800] =	vst v63  }
0xd1: {  	_ =	swait.ge [sflag:s13], $0x1000  }
0xd2: {  	s1 =	sld [smem:$0x7F1]  }
0xd3: {  	[sflag:s13] =	ssyncset.done $0x0  }
0xd4: {  	[sflag:s13] =	ssyncadd.s32 $0xFFFFF000  }
0xd5: {  	[hbm4b:s1+s2] =	stream.linear.scatter [tilespmem:s7], [sflag:$0x4], $0x1000, $0x38;
	[tilespmem:$0x10800] =	vst v63  }
0xd6: {  	_ =	swait.ge [sflag:s13], $0x1000  }
0xd7: {  	s1 =	sld [smem:$0x7F2]  }
0xd8: {  	[sflag:s13] =	ssyncset.done $0x0  }
0xd9: {  	[sflag:s13] =	ssyncadd.s32 $0xFFFFF000  }
0xda: {  	[hbm4b:s1+s2] =	stream.linear.scatter [tilespmem:s6], [sflag:$0x4], $0x1000, $0x38;
	[tilespmem:$0x10800] =	vst v63  }
0xdb: {  	_ =	swait.ge [sflag:s13], $0x1000  }
0xdc: {  	s1 =	sld [smem:$0x7F3]  }
0xdd: {  	[sflag:s13] =	ssyncset.done $0x0  }
0xde: {  	[sflag:s13] =	ssyncadd.s32 $0xFFFFF000  }
0xdf: {  	[hbm4b:s1+s2] =	stream.linear.scatter [tilespmem:s5], [sflag:$0x4], $0x1000, $0x38;
	[tilespmem:$0x10800] =	vst v63  }
0xe0: {  	_ =	swait.ge [sflag:s13], $0x1000  }
0xe1: {  	s1 =	sld [smem:$0x7F4]  }
0xe2: {  	[sflag:s13] =	ssyncset.done $0x0  }
0xe3: {  	[sflag:s13] =	ssyncadd.s32 $0xFFFFF000  }
0xe4: {  	[hbm4b:s1+s2] =	stream.linear.scatter [tilespmem:s4], [sflag:$0x4], $0x1000, $0x38;
	[tilespmem:$0x10800] =	vst v63  }
0xe5: {  	_ =	swait.ge [sflag:s3], $0x1000  }
0xe6: {  	[sflag:s3] =	ssyncset.done $0x0  }
0xe7: {  	[sflag:s3] =	ssyncadd.s32 $0xFFFFF000  }
0xe8: {  	_ =	swait.ge [sflag:s3], $0x1000  }
0xe9: {  	[sflag:s3] =	ssyncset.done $0x0  }
0xea: {  	[sflag:s3] =	ssyncadd.s32 $0xFFFFF000  }
0xeb: {  	_ =	swait.ge [sflag:s3], $0x1000  }
0xec: {  	[sflag:s3] =	ssyncset.done $0x0  }
0xed: {  	[sflag:s3] =	ssyncadd.s32 $0xFFFFF000  }
0xee: {  	_ =	swait.ge [sflag:s3], $0x1000  }
0xef: {  	[sflag:s3] =	ssyncset.done $0x0  }
0xf0: {  	[sflag:s3] =	ssyncadd.s32 $0xFFFFF000  }
0xf1: {  	_ =	swait.ge [sflag:s3], $0x1000  }
0xf2: {  	[sflag:s3] =	ssyncset.done $0x0  }
0xf3: {  	[sflag:s3] =	ssyncadd.s32 $0xFFFFF000  }
0xf4: {  	_ =	swait.ge [sflag:s3], $0x1000  }
0xf5: {  	[sflag:s3] =	ssyncset.done $0x0  }
0xf6: {  	[sflag:s3] =	ssyncadd.s32 $0xFFFFF000  }
0xf7: {  	_ =	swait.ge [sflag:s3], $0x1000  }
0xf8: {  	[sflag:s3] =	ssyncset.done $0x0  }
0xf9: {  	[sflag:s3] =	ssyncadd.s32 $0xFFFFF000  }
0xfa: {  	_ =	swait.ge [sflag:s3], $0x1000  }
0xfb: {  	[sflag:s3] =	ssyncset.done $0x0  }
0xfc: {  	[sflag:s3] =	ssyncadd.s32 $0xFFFFF000  }
0xfd: {  	_ =	swait.ge [sflag:s3], $0x1000  }
0xfe: {  	[sflag:s3] =	ssyncset.done $0x0  }
0xff: {  	[sflag:s3] =	ssyncadd.s32 $0xFFFFF000  }
0x100: {  	_ =	swait.ge [sflag:s3], $0x1000  }
0x101: {  	[sflag:s3] =	ssyncset.done $0x0  }
0x102: {  	[sflag:s3] =	ssyncadd.s32 $0xFFFFF000  }
0x103: {  	_ =	swait.ge [sflag:s3], $0x1000  }
0x104: {  	[sflag:s3] =	ssyncset.done $0x0  }
0x105: {  	[sflag:s3] =	ssyncadd.s32 $0xFFFFF000  }
0x106: {  	_ =	swait.ge [sflag:s3], $0x1000  }
0x107: {  	[sflag:s3] =	ssyncset.done $0x0  }
0x108: {  	[sflag:s3] =	ssyncadd.s32 $0xFFFFF000  }
0x109: {  	_ =	swait.ge [sflag:s3], $0x1000  }
0x10a: {  	[sflag:s3] =	ssyncset.done $0x0  }
0x10b: {  	[sflag:s3] =	ssyncadd.s32 $0xFFFFF000  }
0x10c: {  	_ =	swait.ge [sflag:s3], $0x1000  }
0x10d: {  	[sflag:s3] =	ssyncset.done $0x0  }
0x10e: {  	p1 =	sne.s32 s24, $0x1;
	[sflag:s3] =	ssyncadd.s32 $0xFFFFF000  }
.Ltmp1:
0x10f: {  	_ =	swait.ge [sflag:s3], $0x1000;
	(pc) =	sbr.rel @!p1 .LBB2_3-.Ltmp1, $4  }
0x110: {  	[sflag:s3] =	ssyncset.done $0x0  }
0x111: {  	[sflag:s3] =	ssyncadd.s32 $0xFFFFF000  }
0x112: {  	p0 =	por $0x1, $0x1;
	_ =	swait.ge [sflag:s3], $0x1000  }
0x113: {  	s1 =	sadd.s32 $0xFFFFFFFF, s24;
	s0 =	rddreg [dreg:$0x4];
	[sflag:s3] =	ssyncset.done $0x0  }
.LBB2_4:
0x114: {  	[sflag:s3] =	ssyncadd.s32 $0xFFFFF000  }
0x115: {  	[tilespmem:s2], [sflag:$0x1] =	stream.linear.gather [hbm4b:s0+s2], $0x800, $0x38;
	[tilespmem:$0x10800] =	vst v63  }
0x116: {  	s24 =	rddreg [dreg:$0x5]  }
0x117: {  	[tilespmem:s21], [sflag:$0x2] =	stream.linear.gather [hbm4b:s24+s2], $0x1000, $0x38;
	[tilespmem:$0x10800] =	vst v63  }
0x118: {  	s0 =	rddreg [dreg:$0x6]  }
0x119: {  	[tilespmem:s20], [sflag:$0x2] =	stream.linear.gather [hbm4b:s0+s2], $0x1000, $0x38;
	[tilespmem:$0x10800] =	vst v63  }
0x11a: {  	s24 =	rddreg [dreg:$0x7]  }
0x11b: {  	[tilespmem:s19], [sflag:$0x2] =	stream.linear.gather [hbm4b:s24+s2], $0x1000, $0x38;
	[tilespmem:$0x10800] =	vst v63  }
0x11c: {  	s0 =	rddreg [dreg:$0x8]  }
0x11d: {  	[tilespmem:s17], [sflag:$0x2] =	stream.linear.gather [hbm4b:s0+s2], $0x1000, $0x38;
	[tilespmem:$0x10800] =	vst v63  }
0x11e: {  	s24 =	rddreg [dreg:$0x9]  }
0x11f: {  	[tilespmem:s16], [sflag:$0x2] =	stream.linear.gather [hbm4b:s24+s2], $0x1000, $0x38;
	[tilespmem:$0x10800] =	vst v63  }
0x120: {  	s0 =	rddreg [dreg:$0xa]  }
0x121: {  	[tilespmem:s15], [sflag:$0x2] =	stream.linear.gather [hbm4b:s0+s2], $0x1000, $0x38;
	[tilespmem:$0x10800] =	vst v63  }
0x122: {  	s24 =	rddreg [dreg:$0xb]  }
0x123: {  	[tilespmem:s14], [sflag:$0x2] =	stream.linear.gather [hbm4b:s24+s2], $0x1000, $0x38;
	[tilespmem:$0x10800] =	vst v63  }
0x124: {  	s0 =	rddreg [dreg:$0xc]  }
0x125: {  	[tilespmem:s12], [sflag:$0x2] =	stream.linear.gather [hbm4b:s0+s2], $0x1000, $0x38;
	[tilespmem:$0x10800] =	vst v63  }
0x126: {  	s24 =	rddreg [dreg:$0xd]  }
0x127: {  	[tilespmem:s11], [sflag:$0x2] =	stream.linear.gather [hbm4b:s24+s2], $0x1000, $0x38;
	[tilespmem:$0x10800] =	vst v63  }
0x128: {  	s0 =	rddreg [dreg:$0xe]  }
0x129: {  	[tilespmem:s10], [sflag:$0x2] =	stream.linear.gather [hbm4b:s0+s2], $0x1000, $0x38;
	[tilespmem:$0x10800] =	vst v63  }
0x12a: {  	s24 =	rddreg [dreg:$0xf]  }
0x12b: {  	[tilespmem:s9], [sflag:$0x2] =	stream.linear.gather [hbm4b:s24+s2], $0x1000, $0x38;
	[tilespmem:$0x10800] =	vst v63  }
0x12c: {  	s0 =	rddreg [dreg:$0x10]  }
0x12d: {  	[tilespmem:s8], [sflag:$0x2] =	stream.linear.gather [hbm4b:s0+s2], $0x1000, $0x38;
	[tilespmem:$0x10800] =	vst v63  }
0x12e: {  	s24 =	rddreg [dreg:$0x11]  }
0x12f: {  	[tilespmem:s7], [sflag:$0x2] =	stream.linear.gather [hbm4b:s24+s2], $0x1000, $0x38;
	[tilespmem:$0x10800] =	vst v63  }
0x130: {  	s0 =	rddreg [dreg:$0x12]  }
0x131: {  	[tilespmem:s6], [sflag:$0x2] =	stream.linear.gather [hbm4b:s0+s2], $0x1000, $0x38;
	[tilespmem:$0x10800] =	vst v63  }
0x132: {  	s24 =	rddreg [dreg:$0x13]  }
0x133: {  	[tilespmem:s5], [sflag:$0x2] =	stream.linear.gather [hbm4b:s24+s2], $0x1000, $0x38;
	[tilespmem:$0x10800] =	vst v63  }
0x134: {  	s0 =	rddreg [dreg:$0x14]  }
0x135: {  	[tilespmem:s4], [sflag:$0x2] =	stream.linear.gather [hbm4b:s0+s2], $0x1000, $0x38;
	[tilespmem:$0x10800] =	vst v63  }
0x136: {  	_ =	swait.ge [sflag:s31], $0x800  }
0x137: {  	[sflag:s31] =	ssyncset.done $0x0  }
0x138: {  	[sflag:s31] =	ssyncadd.s32 $0xFFFFF800  }
0x139: {  	_ =	swait.ge [sflag:s22], $0x1000  }
0x13a: {  	[sflag:s22] =	ssyncset.done $0x0  }
0x13b: {  	[sflag:s22] =	ssyncadd.s32 $0xFFFFF000  }
0x13c: {  	[tilespmem:s21], [sflag:$0x3] =	stream.indirect.gather.add.f32 [hbm:s18], $0x80, s2, s23, $0xb8;
	[tilespmem:$0x10800] =	vst v63  }
0x13d: {  	_ =	swait.ge [sflag:s22], $0x1000  }
0x13e: {  	s24 =	sld [smem:$0x7F5]  }
0x13f: {  	[sflag:s22] =	ssyncset.done $0x0  }
0x140: {  	[sflag:s22] =	ssyncadd.s32 $0xFFFFF000  }
0x141: {  	[tilespmem:s20], [sflag:$0x3] =	stream.indirect.gather.add.f32 [hbm:s18], $0x80, s24, s23, $0xb8;
	[tilespmem:$0x10800] =	vst v63  }
0x142: {  	_ =	swait.ge [sflag:s22], $0x1000  }
0x143: {  	s24 =	sld [smem:$0x7F6]  }
0x144: {  	[sflag:s22] =	ssyncset.done $0x0  }
0x145: {  	[sflag:s22] =	ssyncadd.s32 $0xFFFFF000  }
0x146: {  	[tilespmem:s19], [sflag:$0x3] =	stream.indirect.gather.add.f32 [hbm:s18], $0x80, s24, s23, $0xb8;
	[tilespmem:$0x10800] =	vst v63  }
0x147: {  	_ =	swait.ge [sflag:s22], $0x1000  }
0x148: {  	s24 =	sld [smem:$0x7F7]  }
0x149: {  	[sflag:s22] =	ssyncset.done $0x0  }
0x14a: {  	[sflag:s22] =	ssyncadd.s32 $0xFFFFF000  }
0x14b: {  	[tilespmem:s17], [sflag:$0x3] =	stream.indirect.gather.add.f32 [hbm:s18], $0x80, s24, s23, $0xb8;
	[tilespmem:$0x10800] =	vst v63  }
0x14c: {  	_ =	swait.ge [sflag:s22], $0x1000  }
0x14d: {  	s24 =	sld [smem:$0x7F8]  }
0x14e: {  	[sflag:s22] =	ssyncset.done $0x0  }
0x14f: {  	[sflag:s22] =	ssyncadd.s32 $0xFFFFF000  }
0x150: {  	[tilespmem:s16], [sflag:$0x3] =	stream.indirect.gather.add.f32 [hbm:s18], $0x80, s24, s23, $0xb8;
	[tilespmem:$0x10800] =	vst v63  }
0x151: {  	_ =	swait.ge [sflag:s22], $0x1000  }
0x152: {  	s24 =	sld [smem:$0x7F9]  }
0x153: {  	[sflag:s22] =	ssyncset.done $0x0  }
0x154: {  	[sflag:s22] =	ssyncadd.s32 $0xFFFFF000  }
0x155: {  	[tilespmem:s15], [sflag:$0x3] =	stream.indirect.gather.add.f32 [hbm:s18], $0x80, s24, s23, $0xb8;
	[tilespmem:$0x10800] =	vst v63  }
0x156: {  	_ =	swait.ge [sflag:s22], $0x1000  }
0x157: {  	s24 =	sld [smem:$0x7FA]  }
0x158: {  	[sflag:s22] =	ssyncset.done $0x0  }
0x159: {  	[sflag:s22] =	ssyncadd.s32 $0xFFFFF000  }
0x15a: {  	[tilespmem:s14], [sflag:$0x3] =	stream.indirect.gather.add.f32 [hbm:s18], $0x80, s24, s23, $0xb8;
	[tilespmem:$0x10800] =	vst v63  }
0x15b: {  	_ =	swait.ge [sflag:s22], $0x1000  }
0x15c: {  	s24 =	sld [smem:$0x7FB]  }
0x15d: {  	[sflag:s22] =	ssyncset.done $0x0  }
0x15e: {  	[sflag:s22] =	ssyncadd.s32 $0xFFFFF000  }
0x15f: {  	[tilespmem:s12], [sflag:$0x3] =	stream.indirect.gather.add.f32 [hbm:s18], $0x80, s24, s23, $0xb8;
	[tilespmem:$0x10800] =	vst v63  }
0x160: {  	_ =	swait.ge [sflag:s22], $0x1000  }
0x161: {  	s24 =	sld [smem:$0x7FC]  }
0x162: {  	[sflag:s22] =	ssyncset.done $0x0  }
0x163: {  	[sflag:s22] =	ssyncadd.s32 $0xFFFFF000  }
0x164: {  	[tilespmem:s11], [sflag:$0x3] =	stream.indirect.gather.add.f32 [hbm:s18], $0x80, s24, s23, $0xb8;
	[tilespmem:$0x10800] =	vst v63  }
0x165: {  	_ =	swait.ge [sflag:s22], $0x1000  }
0x166: {  	s24 =	sld [smem:$0x7FD]  }
0x167: {  	[sflag:s22] =	ssyncset.done $0x0  }
0x168: {  	[sflag:s22] =	ssyncadd.s32 $0xFFFFF000  }
0x169: {  	[tilespmem:s10], [sflag:$0x3] =	stream.indirect.gather.add.f32 [hbm:s18], $0x80, s24, s23, $0xb8;
	[tilespmem:$0x10800] =	vst v63  }
0x16a: {  	_ =	swait.ge [sflag:s22], $0x1000  }
0x16b: {  	[sflag:s22] =	ssyncset.done $0x0  }
0x16c: {  	[sflag:s22] =	ssyncadd.s32 $0xFFFFF000  }
0x16d: {  	[tilespmem:s9], [sflag:$0x3] =	stream.indirect.gather.add.f32 [hbm:s18], $0x80, s29, s23, $0xb8;
	[tilespmem:$0x10800] =	vst v63  }
0x16e: {  	_ =	swait.ge [sflag:s22], $0x1000  }
0x16f: {  	[sflag:s22] =	ssyncset.done $0x0  }
0x170: {  	s24 =	simm.s32 $0x580;
	[sflag:s22] =	ssyncadd.s32 $0xFFFFF000  }
0x171: {  	[tilespmem:s8], [sflag:$0x3] =	stream.indirect.gather.add.f32 [hbm:s18], $0x80, s24, s23, $0xb8;
	[tilespmem:$0x10800] =	vst v63  }
0x172: {  	_ =	swait.ge [sflag:s22], $0x1000  }
0x173: {  	[sflag:s22] =	ssyncset.done $0x0  }
0x174: {  	[sflag:s22] =	ssyncadd.s32 $0xFFFFF000  }
0x175: {  	[tilespmem:s7], [sflag:$0x3] =	stream.indirect.gather.add.f32 [hbm:s18], $0x80, s30, s23, $0xb8;
	[tilespmem:$0x10800] =	vst v63  }
0x176: {  	_ =	swait.ge [sflag:s22], $0x1000  }
0x177: {  	[sflag:s22] =	ssyncset.done $0x0  }
0x178: {  	[sflag:s22] =	ssyncadd.s32 $0xFFFFF000  }
0x179: {  	[tilespmem:s6], [sflag:$0x3] =	stream.indirect.gather.add.f32 [hbm:s18], $0x80, s28, s23, $0xb8;
	[tilespmem:$0x10800] =	vst v63  }
0x17a: {  	_ =	swait.ge [sflag:s22], $0x1000  }
0x17b: {  	[sflag:s22] =	ssyncset.done $0x0  }
0x17c: {  	[sflag:s22] =	ssyncadd.s32 $0xFFFFF000  }
0x17d: {  	[tilespmem:s5], [sflag:$0x3] =	stream.indirect.gather.add.f32 [hbm:s18], $0x80, s26, s23, $0xb8;
	[tilespmem:$0x10800] =	vst v63  }
0x17e: {  	_ =	swait.ge [sflag:s22], $0x1000  }
0x17f: {  	[sflag:s22] =	ssyncset.done $0x0  }
0x180: {  	[sflag:s22] =	ssyncadd.s32 $0xFFFFF000  }
0x181: {  	[tilespmem:s4], [sflag:$0x3] =	stream.indirect.gather.add.f32 [hbm:s18], $0x80, s25, s23, $0xb8;
	[tilespmem:$0x10800] =	vst v63  }
0x182: {  	_ =	swait.ge [sflag:s13], $0x1000  }
0x183: {  	[sflag:s13] =	ssyncset.done $0x0  }
0x184: {  	s24 =	rddreg [dreg:$0x15];
	[sflag:s13] =	ssyncadd.s32 $0xFFFFF000  }
0x185: {  	[hbm4b:s24+s2] =	stream.linear.scatter [tilespmem:s21], [sflag:$0x4], $0x1000, $0x38;
	[tilespmem:$0x10800] =	vst v63  }
0x186: {  	_ =	swait.ge [sflag:s13], $0x1000  }
0x187: {  	[sflag:s13] =	ssyncset.done $0x0  }
0x188: {  	s24 =	rddreg [dreg:$0x16];
	[sflag:s13] =	ssyncadd.s32 $0xFFFFF000  }
0x189: {  	[hbm4b:s24+s2] =	stream.linear.scatter [tilespmem:s20], [sflag:$0x4], $0x1000, $0x38;
	[tilespmem:$0x10800] =	vst v63  }
0x18a: {  	_ =	swait.ge [sflag:s13], $0x1000  }
0x18b: {  	[sflag:s13] =	ssyncset.done $0x0  }
0x18c: {  	s24 =	rddreg [dreg:$0x17];
	[sflag:s13] =	ssyncadd.s32 $0xFFFFF000  }
0x18d: {  	[hbm4b:s24+s2] =	stream.linear.scatter [tilespmem:s19], [sflag:$0x4], $0x1000, $0x38;
	[tilespmem:$0x10800] =	vst v63  }
0x18e: {  	_ =	swait.ge [sflag:s13], $0x1000  }
0x18f: {  	[sflag:s13] =	ssyncset.done $0x0  }
0x190: {  	s24 =	rddreg [dreg:$0x18];
	[sflag:s13] =	ssyncadd.s32 $0xFFFFF000  }
0x191: {  	[hbm4b:s24+s2] =	stream.linear.scatter [tilespmem:s17], [sflag:$0x4], $0x1000, $0x38;
	[tilespmem:$0x10800] =	vst v63  }
0x192: {  	_ =	swait.ge [sflag:s13], $0x1000  }
0x193: {  	[sflag:s13] =	ssyncset.done $0x0  }
0x194: {  	s24 =	rddreg [dreg:$0x19];
	[sflag:s13] =	ssyncadd.s32 $0xFFFFF000  }
0x195: {  	[hbm4b:s24+s2] =	stream.linear.scatter [tilespmem:s16], [sflag:$0x4], $0x1000, $0x38;
	[tilespmem:$0x10800] =	vst v63  }
0x196: {  	_ =	swait.ge [sflag:s13], $0x1000  }
0x197: {  	[sflag:s13] =	ssyncset.done $0x0  }
0x198: {  	s24 =	rddreg [dreg:$0x1a];
	[sflag:s13] =	ssyncadd.s32 $0xFFFFF000  }
0x199: {  	[hbm4b:s24+s2] =	stream.linear.scatter [tilespmem:s15], [sflag:$0x4], $0x1000, $0x38;
	[tilespmem:$0x10800] =	vst v63  }
0x19a: {  	_ =	swait.ge [sflag:s13], $0x1000  }
0x19b: {  	[sflag:s13] =	ssyncset.done $0x0  }
0x19c: {  	s24 =	rddreg [dreg:$0x1b];
	[sflag:s13] =	ssyncadd.s32 $0xFFFFF000  }
0x19d: {  	[hbm4b:s24+s2] =	stream.linear.scatter [tilespmem:s14], [sflag:$0x4], $0x1000, $0x38;
	[tilespmem:$0x10800] =	vst v63  }
0x19e: {  	_ =	swait.ge [sflag:s13], $0x1000  }
0x19f: {  	[sflag:s13] =	ssyncset.done $0x0  }
0x1a0: {  	s24 =	rddreg [dreg:$0x1c];
	[sflag:s13] =	ssyncadd.s32 $0xFFFFF000  }
0x1a1: {  	[hbm4b:s24+s2] =	stream.linear.scatter [tilespmem:s12], [sflag:$0x4], $0x1000, $0x38;
	[tilespmem:$0x10800] =	vst v63  }
0x1a2: {  	_ =	swait.ge [sflag:s13], $0x1000  }
0x1a3: {  	[sflag:s13] =	ssyncset.done $0x0  }
0x1a4: {  	s24 =	rddreg [dreg:$0x1d];
	[sflag:s13] =	ssyncadd.s32 $0xFFFFF000  }
0x1a5: {  	[hbm4b:s24+s2] =	stream.linear.scatter [tilespmem:s11], [sflag:$0x4], $0x1000, $0x38;
	[tilespmem:$0x10800] =	vst v63  }
0x1a6: {  	_ =	swait.ge [sflag:s13], $0x1000  }
0x1a7: {  	[sflag:s13] =	ssyncset.done $0x0  }
0x1a8: {  	s24 =	rddreg [dreg:$0x1e];
	[sflag:s13] =	ssyncadd.s32 $0xFFFFF000  }
0x1a9: {  	[hbm4b:s24+s2] =	stream.linear.scatter [tilespmem:s10], [sflag:$0x4], $0x1000, $0x38;
	[tilespmem:$0x10800] =	vst v63  }
0x1aa: {  	_ =	swait.ge [sflag:s13], $0x1000  }
0x1ab: {  	[sflag:s13] =	ssyncset.done $0x0  }
0x1ac: {  	s24 =	rddreg [dreg:$0x1f];
	[sflag:s13] =	ssyncadd.s32 $0xFFFFF000  }
0x1ad: {  	[hbm4b:s24+s2] =	stream.linear.scatter [tilespmem:s9], [sflag:$0x4], $0x1000, $0x38;
	[tilespmem:$0x10800] =	vst v63  }
0x1ae: {  	_ =	swait.ge [sflag:s13], $0x1000  }
0x1af: {  	s24 =	sld [smem:$0x7F0]  }
0x1b0: {  	[sflag:s13] =	ssyncset.done $0x0  }
0x1b1: {  	[sflag:s13] =	ssyncadd.s32 $0xFFFFF000  }
0x1b2: {  	[hbm4b:s24+s2] =	stream.linear.scatter [tilespmem:s8], [sflag:$0x4], $0x1000, $0x38;
	[tilespmem:$0x10800] =	vst v63  }
0x1b3: {  	_ =	swait.ge [sflag:s13], $0x1000  }
0x1b4: {  	s24 =	sld [smem:$0x7F1]  }
0x1b5: {  	[sflag:s13] =	ssyncset.done $0x0  }
0x1b6: {  	[sflag:s13] =	ssyncadd.s32 $0xFFFFF000  }
0x1b7: {  	[hbm4b:s24+s2] =	stream.linear.scatter [tilespmem:s7], [sflag:$0x4], $0x1000, $0x38;
	[tilespmem:$0x10800] =	vst v63  }
0x1b8: {  	_ =	swait.ge [sflag:s13], $0x1000  }
0x1b9: {  	s24 =	sld [smem:$0x7F2]  }
0x1ba: {  	[sflag:s13] =	ssyncset.done $0x0  }
0x1bb: {  	[sflag:s13] =	ssyncadd.s32 $0xFFFFF000  }
0x1bc: {  	[hbm4b:s24+s2] =	stream.linear.scatter [tilespmem:s6], [sflag:$0x4], $0x1000, $0x38;
	[tilespmem:$0x10800] =	vst v63  }
0x1bd: {  	_ =	swait.ge [sflag:s13], $0x1000  }
0x1be: {  	s24 =	sld [smem:$0x7F3]  }
0x1bf: {  	[sflag:s13] =	ssyncset.done $0x0  }
0x1c0: {  	[sflag:s13] =	ssyncadd.s32 $0xFFFFF000  }
0x1c1: {  	[hbm4b:s24+s2] =	stream.linear.scatter [tilespmem:s5], [sflag:$0x4], $0x1000, $0x38;
	[tilespmem:$0x10800] =	vst v63  }
0x1c2: {  	_ =	swait.ge [sflag:s13], $0x1000  }
0x1c3: {  	s24 =	sld [smem:$0x7F4]  }
0x1c4: {  	[sflag:s13] =	ssyncset.done $0x0  }
0x1c5: {  	[sflag:s13] =	ssyncadd.s32 $0xFFFFF000  }
0x1c6: {  	[hbm4b:s24+s2] =	stream.linear.scatter [tilespmem:s4], [sflag:$0x4], $0x1000, $0x38;
	[tilespmem:$0x10800] =	vst v63  }
0x1c7: {  	_ =	swait.ge [sflag:s3], $0x1000  }
0x1c8: {  	[sflag:s3] =	ssyncset.done $0x0  }
0x1c9: {  	[sflag:s3] =	ssyncadd.s32 $0xFFFFF000  }
0x1ca: {  	_ =	swait.ge [sflag:s3], $0x1000  }
0x1cb: {  	[sflag:s3] =	ssyncset.done $0x0  }
0x1cc: {  	[sflag:s3] =	ssyncadd.s32 $0xFFFFF000  }
0x1cd: {  	_ =	swait.ge [sflag:s3], $0x1000  }
0x1ce: {  	[sflag:s3] =	ssyncset.done $0x0  }
0x1cf: {  	[sflag:s3] =	ssyncadd.s32 $0xFFFFF000  }
0x1d0: {  	_ =	swait.ge [sflag:s3], $0x1000  }
0x1d1: {  	[sflag:s3] =	ssyncset.done $0x0  }
0x1d2: {  	[sflag:s3] =	ssyncadd.s32 $0xFFFFF000  }
0x1d3: {  	_ =	swait.ge [sflag:s3], $0x1000  }
0x1d4: {  	[sflag:s3] =	ssyncset.done $0x0  }
0x1d5: {  	[sflag:s3] =	ssyncadd.s32 $0xFFFFF000  }
0x1d6: {  	_ =	swait.ge [sflag:s3], $0x1000  }
0x1d7: {  	[sflag:s3] =	ssyncset.done $0x0  }
0x1d8: {  	[sflag:s3] =	ssyncadd.s32 $0xFFFFF000  }
0x1d9: {  	_ =	swait.ge [sflag:s3], $0x1000  }
0x1da: {  	[sflag:s3] =	ssyncset.done $0x0  }
0x1db: {  	[sflag:s3] =	ssyncadd.s32 $0xFFFFF000  }
0x1dc: {  	_ =	swait.ge [sflag:s3], $0x1000  }
0x1dd: {  	[sflag:s3] =	ssyncset.done $0x0  }
0x1de: {  	[sflag:s3] =	ssyncadd.s32 $0xFFFFF000  }
0x1df: {  	_ =	swait.ge [sflag:s3], $0x1000  }
0x1e0: {  	[sflag:s3] =	ssyncset.done $0x0  }
0x1e1: {  	[sflag:s3] =	ssyncadd.s32 $0xFFFFF000  }
0x1e2: {  	_ =	swait.ge [sflag:s3], $0x1000  }
0x1e3: {  	[sflag:s3] =	ssyncset.done $0x0  }
0x1e4: {  	[sflag:s3] =	ssyncadd.s32 $0xFFFFF000  }
0x1e5: {  	_ =	swait.ge [sflag:s3], $0x1000  }
0x1e6: {  	[sflag:s3] =	ssyncset.done $0x0  }
0x1e7: {  	[sflag:s3] =	ssyncadd.s32 $0xFFFFF000  }
0x1e8: {  	_ =	swait.ge [sflag:s3], $0x1000  }
0x1e9: {  	[sflag:s3] =	ssyncset.done $0x0  }
0x1ea: {  	[sflag:s3] =	ssyncadd.s32 $0xFFFFF000  }
0x1eb: {  	_ =	swait.ge [sflag:s3], $0x1000  }
0x1ec: {  	[sflag:s3] =	ssyncset.done $0x0  }
0x1ed: {  	[sflag:s3] =	ssyncadd.s32 $0xFFFFF000  }
0x1ee: {  	_ =	swait.ge [sflag:s3], $0x1000  }
0x1ef: {  	[sflag:s3] =	ssyncset.done $0x0  }
0x1f0: {  	p1 =	sne.s32 s1, $0x1;
	[sflag:s3] =	ssyncadd.s32 $0xFFFFF000  }
.Ltmp2:
0x1f1: {  	_ =	swait.ge [sflag:s3], $0x1000;
	(pc) =	sbr.rel @p1 .LBB2_4-.Ltmp2, $4  }
0x1f2: {  	[sflag:s3] =	ssyncset.done $0x0  }
0x1f3: {  	[sflag:s3] =	ssyncadd.s32 $0xFFFFF000  }
0x1f4: {  	_ =	swait.ge [sflag:s3], $0x1000  }
0x1f5: {  	s1 =	sadd.s32 $0xFFFFFFFF, s1;
	s0 =	rddreg [dreg:$0x4];
	[sflag:s3] =	ssyncset.done $0x0  }
0x1f6: {  	s24 =	simm.s32 $0x500;
	s30 =	simm.s32 $0x600;
	s29 =	simm.s32 $0x580  }
0x1f7: {  	s28 =	simm.s32 $0x680;
	s26 =	simm.s32 $0x700;
	s25 =	simm.s32 $0x780  }
.LBB2_6:
0x1f8: {  	[sflag:s3] =	ssyncadd.s32 @p0 $0xFFFFF000  }
0x1f9: {  	[tilespmem:s2], [sflag:$0x1] =	stream.linear.gather [hbm4b:s0+s2], $0x800, $0x38;
	[tilespmem:$0x10800] =	vst v63  }
0x1fa: {  	s1 =	rddreg [dreg:$0x5]  }
0x1fb: {  	[tilespmem:s21], [sflag:$0x2] =	stream.linear.gather [hbm4b:s1+s2], $0x1000, $0x38;
	[tilespmem:$0x10800] =	vst v63  }
0x1fc: {  	s0 =	rddreg [dreg:$0x6]  }
0x1fd: {  	[tilespmem:s20], [sflag:$0x2] =	stream.linear.gather [hbm4b:s0+s2], $0x1000, $0x38;
	[tilespmem:$0x10800] =	vst v63  }
0x1fe: {  	s1 =	rddreg [dreg:$0x7]  }
0x1ff: {  	[tilespmem:s19], [sflag:$0x2] =	stream.linear.gather [hbm4b:s1+s2], $0x1000, $0x38;
	[tilespmem:$0x10800] =	vst v63  }
0x200: {  	s0 =	rddreg [dreg:$0x8]  }
0x201: {  	[tilespmem:s17], [sflag:$0x2] =	stream.linear.gather [hbm4b:s0+s2], $0x1000, $0x38;
	[tilespmem:$0x10800] =	vst v63  }
0x202: {  	s1 =	rddreg [dreg:$0x9]  }
0x203: {  	[tilespmem:s16], [sflag:$0x2] =	stream.linear.gather [hbm4b:s1+s2], $0x1000, $0x38;
	[tilespmem:$0x10800] =	vst v63  }
0x204: {  	s0 =	rddreg [dreg:$0xa]  }
0x205: {  	[tilespmem:s15], [sflag:$0x2] =	stream.linear.gather [hbm4b:s0+s2], $0x1000, $0x38;
	[tilespmem:$0x10800] =	vst v63  }
0x206: {  	s1 =	rddreg [dreg:$0xb]  }
0x207: {  	[tilespmem:s14], [sflag:$0x2] =	stream.linear.gather [hbm4b:s1+s2], $0x1000, $0x38;
	[tilespmem:$0x10800] =	vst v63  }
0x208: {  	s0 =	rddreg [dreg:$0xc]  }
0x209: {  	[tilespmem:s12], [sflag:$0x2] =	stream.linear.gather [hbm4b:s0+s2], $0x1000, $0x38;
	[tilespmem:$0x10800] =	vst v63  }
0x20a: {  	s1 =	rddreg [dreg:$0xd]  }
0x20b: {  	[tilespmem:s11], [sflag:$0x2] =	stream.linear.gather [hbm4b:s1+s2], $0x1000, $0x38;
	[tilespmem:$0x10800] =	vst v63  }
0x20c: {  	s0 =	rddreg [dreg:$0xe]  }
0x20d: {  	[tilespmem:s10], [sflag:$0x2] =	stream.linear.gather [hbm4b:s0+s2], $0x1000, $0x38;
	[tilespmem:$0x10800] =	vst v63  }
0x20e: {  	s1 =	rddreg [dreg:$0xf]  }
0x20f: {  	[tilespmem:s9], [sflag:$0x2] =	stream.linear.gather [hbm4b:s1+s2], $0x1000, $0x38;
	[tilespmem:$0x10800] =	vst v63  }
0x210: {  	s0 =	rddreg [dreg:$0x10]  }
0x211: {  	[tilespmem:s8], [sflag:$0x2] =	stream.linear.gather [hbm4b:s0+s2], $0x1000, $0x38;
	[tilespmem:$0x10800] =	vst v63  }
0x212: {  	s1 =	rddreg [dreg:$0x11]  }
0x213: {  	[tilespmem:s7], [sflag:$0x2] =	stream.linear.gather [hbm4b:s1+s2], $0x1000, $0x38;
	[tilespmem:$0x10800] =	vst v63  }
0x214: {  	s0 =	rddreg [dreg:$0x12]  }
0x215: {  	[tilespmem:s6], [sflag:$0x2] =	stream.linear.gather [hbm4b:s0+s2], $0x1000, $0x38;
	[tilespmem:$0x10800] =	vst v63  }
0x216: {  	s1 =	rddreg [dreg:$0x13]  }
0x217: {  	[tilespmem:s5], [sflag:$0x2] =	stream.linear.gather [hbm4b:s1+s2], $0x1000, $0x38;
	[tilespmem:$0x10800] =	vst v63  }
0x218: {  	s0 =	rddreg [dreg:$0x14]  }
0x219: {  	[tilespmem:s4], [sflag:$0x2] =	stream.linear.gather [hbm4b:s0+s2], $0x1000, $0x38;
	[tilespmem:$0x10800] =	vst v63  }
0x21a: {  	_ =	swait.ge [sflag:s31], $0x800  }
0x21b: {  	[sflag:s31] =	ssyncset.done $0x0  }
0x21c: {  	[sflag:s31] =	ssyncadd.s32 $0xFFFFF800  }
0x21d: {  	_ =	swait.ge [sflag:s22], $0x1000  }
0x21e: {  	[sflag:s22] =	ssyncset.done $0x0  }
0x21f: {  	[sflag:s22] =	ssyncadd.s32 $0xFFFFF000  }
0x220: {  	[tilespmem:s21], [sflag:$0x3] =	stream.indirect.gather.add.f32 [hbm:s18], $0x80, s2, s23, $0xb8;
	[tilespmem:$0x10800] =	vst v63  }
0x221: {  	_ =	swait.ge [sflag:s22], $0x1000  }
0x222: {  	s1 =	sld [smem:$0x7F5]  }
0x223: {  	[sflag:s22] =	ssyncset.done $0x0  }
0x224: {  	[sflag:s22] =	ssyncadd.s32 $0xFFFFF000  }
0x225: {  	[tilespmem:s20], [sflag:$0x3] =	stream.indirect.gather.add.f32 [hbm:s18], $0x80, s1, s23, $0xb8;
	[tilespmem:$0x10800] =	vst v63  }
0x226: {  	_ =	swait.ge [sflag:s22], $0x1000  }
0x227: {  	s31 =	sld [smem:$0x7F6]  }
0x228: {  	[sflag:s22] =	ssyncset.done $0x0  }
0x229: {  	[sflag:s22] =	ssyncadd.s32 $0xFFFFF000  }
0x22a: {  	[tilespmem:s19], [sflag:$0x3] =	stream.indirect.gather.add.f32 [hbm:s18], $0x80, s31, s23, $0xb8;
	[tilespmem:$0x10800] =	vst v63  }
0x22b: {  	_ =	swait.ge [sflag:s22], $0x1000  }
0x22c: {  	s1 =	sld [smem:$0x7F7]  }
0x22d: {  	[sflag:s22] =	ssyncset.done $0x0  }
0x22e: {  	[sflag:s22] =	ssyncadd.s32 $0xFFFFF000  }
0x22f: {  	[tilespmem:s17], [sflag:$0x3] =	stream.indirect.gather.add.f32 [hbm:s18], $0x80, s1, s23, $0xb8;
	[tilespmem:$0x10800] =	vst v63  }
0x230: {  	_ =	swait.ge [sflag:s22], $0x1000  }
0x231: {  	s31 =	sld [smem:$0x7F8]  }
0x232: {  	[sflag:s22] =	ssyncset.done $0x0  }
0x233: {  	[sflag:s22] =	ssyncadd.s32 $0xFFFFF000  }
0x234: {  	[tilespmem:s16], [sflag:$0x3] =	stream.indirect.gather.add.f32 [hbm:s18], $0x80, s31, s23, $0xb8;
	[tilespmem:$0x10800] =	vst v63  }
0x235: {  	_ =	swait.ge [sflag:s22], $0x1000  }
0x236: {  	s1 =	sld [smem:$0x7F9]  }
0x237: {  	[sflag:s22] =	ssyncset.done $0x0  }
0x238: {  	[sflag:s22] =	ssyncadd.s32 $0xFFFFF000  }
0x239: {  	[tilespmem:s15], [sflag:$0x3] =	stream.indirect.gather.add.f32 [hbm:s18], $0x80, s1, s23, $0xb8;
	[tilespmem:$0x10800] =	vst v63  }
0x23a: {  	_ =	swait.ge [sflag:s22], $0x1000  }
0x23b: {  	s31 =	sld [smem:$0x7FA]  }
0x23c: {  	[sflag:s22] =	ssyncset.done $0x0  }
0x23d: {  	[sflag:s22] =	ssyncadd.s32 $0xFFFFF000  }
0x23e: {  	[tilespmem:s14], [sflag:$0x3] =	stream.indirect.gather.add.f32 [hbm:s18], $0x80, s31, s23, $0xb8;
	[tilespmem:$0x10800] =	vst v63  }
0x23f: {  	_ =	swait.ge [sflag:s22], $0x1000  }
0x240: {  	s1 =	sld [smem:$0x7FB]  }
0x241: {  	[sflag:s22] =	ssyncset.done $0x0  }
0x242: {  	[sflag:s22] =	ssyncadd.s32 $0xFFFFF000  }
0x243: {  	[tilespmem:s12], [sflag:$0x3] =	stream.indirect.gather.add.f32 [hbm:s18], $0x80, s1, s23, $0xb8;
	[tilespmem:$0x10800] =	vst v63  }
0x244: {  	_ =	swait.ge [sflag:s22], $0x1000  }
0x245: {  	s31 =	sld [smem:$0x7FC]  }
0x246: {  	[sflag:s22] =	ssyncset.done $0x0  }
0x247: {  	[sflag:s22] =	ssyncadd.s32 $0xFFFFF000  }
0x248: {  	[tilespmem:s11], [sflag:$0x3] =	stream.indirect.gather.add.f32 [hbm:s18], $0x80, s31, s23, $0xb8;
	[tilespmem:$0x10800] =	vst v63  }
0x249: {  	_ =	swait.ge [sflag:s22], $0x1000  }
0x24a: {  	s1 =	sld [smem:$0x7FD]  }
0x24b: {  	[sflag:s22] =	ssyncset.done $0x0  }
0x24c: {  	[sflag:s22] =	ssyncadd.s32 $0xFFFFF000  }
0x24d: {  	[tilespmem:s10], [sflag:$0x3] =	stream.indirect.gather.add.f32 [hbm:s18], $0x80, s1, s23, $0xb8;
	[tilespmem:$0x10800] =	vst v63  }
0x24e: {  	_ =	swait.ge [sflag:s22], $0x1000  }
0x24f: {  	[sflag:s22] =	ssyncset.done $0x0  }
0x250: {  	[sflag:s22] =	ssyncadd.s32 $0xFFFFF000  }
0x251: {  	[tilespmem:s9], [sflag:$0x3] =	stream.indirect.gather.add.f32 [hbm:s18], $0x80, s24, s23, $0xb8;
	[tilespmem:$0x10800] =	vst v63  }
0x252: {  	_ =	swait.ge [sflag:s22], $0x1000  }
0x253: {  	[sflag:s22] =	ssyncset.done $0x0  }
0x254: {  	[sflag:s22] =	ssyncadd.s32 $0xFFFFF000  }
0x255: {  	[tilespmem:s8], [sflag:$0x3] =	stream.indirect.gather.add.f32 [hbm:s18], $0x80, s29, s23, $0xb8;
	[tilespmem:$0x10800] =	vst v63  }
0x256: {  	_ =	swait.ge [sflag:s22], $0x1000  }
0x257: {  	[sflag:s22] =	ssyncset.done $0x0  }
0x258: {  	[sflag:s22] =	ssyncadd.s32 $0xFFFFF000  }
0x259: {  	[tilespmem:s7], [sflag:$0x3] =	stream.indirect.gather.add.f32 [hbm:s18], $0x80, s30, s23, $0xb8;
	[tilespmem:$0x10800] =	vst v63  }
0x25a: {  	_ =	swait.ge [sflag:s22], $0x1000  }
0x25b: {  	[sflag:s22] =	ssyncset.done $0x0  }
0x25c: {  	[sflag:s22] =	ssyncadd.s32 $0xFFFFF000  }
0x25d: {  	[tilespmem:s6], [sflag:$0x3] =	stream.indirect.gather.add.f32 [hbm:s18], $0x80, s28, s23, $0xb8;
	[tilespmem:$0x10800] =	vst v63  }
0x25e: {  	_ =	swait.ge [sflag:s22], $0x1000  }
0x25f: {  	[sflag:s22] =	ssyncset.done $0x0  }
0x260: {  	[sflag:s22] =	ssyncadd.s32 $0xFFFFF000  }
0x261: {  	[tilespmem:s5], [sflag:$0x3] =	stream.indirect.gather.add.f32 [hbm:s18], $0x80, s26, s23, $0xb8;
	[tilespmem:$0x10800] =	vst v63  }
0x262: {  	_ =	swait.ge [sflag:s22], $0x1000  }
0x263: {  	[sflag:s22] =	ssyncset.done $0x0  }
0x264: {  	[sflag:s22] =	ssyncadd.s32 $0xFFFFF000  }
0x265: {  	[tilespmem:s4], [sflag:$0x3] =	stream.indirect.gather.add.f32 [hbm:s18], $0x80, s25, s23, $0xb8;
	[tilespmem:$0x10800] =	vst v63  }
0x266: {  	_ =	swait.ge [sflag:s13], $0x1000  }
0x267: {  	[sflag:s13] =	ssyncset.done $0x0  }
0x268: {  	s29 =	rddreg [dreg:$0x15];
	[sflag:s13] =	ssyncadd.s32 $0xFFFFF000  }
0x269: {  	[hbm4b:s29+s2] =	stream.linear.scatter [tilespmem:s21], [sflag:$0x4], $0x1000, $0x38;
	[tilespmem:$0x10800] =	vst v63  }
0x26a: {  	_ =	swait.ge [sflag:s13], $0x1000  }
0x26b: {  	[sflag:s13] =	ssyncset.done $0x0  }
0x26c: {  	s30 =	rddreg [dreg:$0x16];
	[sflag:s13] =	ssyncadd.s32 $0xFFFFF000  }
0x26d: {  	[hbm4b:s30+s2] =	stream.linear.scatter [tilespmem:s20], [sflag:$0x4], $0x1000, $0x38;
	[tilespmem:$0x10800] =	vst v63  }
0x26e: {  	_ =	swait.ge [sflag:s13], $0x1000  }
0x26f: {  	[sflag:s13] =	ssyncset.done $0x0  }
0x270: {  	s31 =	rddreg [dreg:$0x17];
	[sflag:s13] =	ssyncadd.s32 $0xFFFFF000  }
0x271: {  	[hbm4b:s31+s2] =	stream.linear.scatter [tilespmem:s19], [sflag:$0x4], $0x1000, $0x38;
	[tilespmem:$0x10800] =	vst v63  }
0x272: {  	_ =	swait.ge [sflag:s13], $0x1000  }
0x273: {  	[sflag:s13] =	ssyncset.done $0x0  }
0x274: {  	s1 =	rddreg [dreg:$0x18];
	[sflag:s13] =	ssyncadd.s32 $0xFFFFF000  }
0x275: {  	[hbm4b:s1+s2] =	stream.linear.scatter [tilespmem:s17], [sflag:$0x4], $0x1000, $0x38;
	[tilespmem:$0x10800] =	vst v63  }
0x276: {  	_ =	swait.ge [sflag:s13], $0x1000  }
0x277: {  	[sflag:s13] =	ssyncset.done $0x0  }
0x278: {  	s18 =	rddreg [dreg:$0x19];
	[sflag:s13] =	ssyncadd.s32 $0xFFFFF000  }
0x279: {  	[hbm4b:s18+s2] =	stream.linear.scatter [tilespmem:s16], [sflag:$0x4], $0x1000, $0x38;
	[tilespmem:$0x10800] =	vst v63  }
0x27a: {  	_ =	swait.ge [sflag:s13], $0x1000  }
0x27b: {  	[sflag:s13] =	ssyncset.done $0x0  }
0x27c: {  	s19 =	rddreg [dreg:$0x1a];
	[sflag:s13] =	ssyncadd.s32 $0xFFFFF000  }
0x27d: {  	[hbm4b:s19+s2] =	stream.linear.scatter [tilespmem:s15], [sflag:$0x4], $0x1000, $0x38;
	[tilespmem:$0x10800] =	vst v63  }
0x27e: {  	_ =	swait.ge [sflag:s13], $0x1000  }
0x27f: {  	[sflag:s13] =	ssyncset.done $0x0  }
0x280: {  	s20 =	rddreg [dreg:$0x1b];
	[sflag:s13] =	ssyncadd.s32 $0xFFFFF000  }
0x281: {  	[hbm4b:s20+s2] =	stream.linear.scatter [tilespmem:s14], [sflag:$0x4], $0x1000, $0x38;
	[tilespmem:$0x10800] =	vst v63  }
0x282: {  	_ =	swait.ge [sflag:s13], $0x1000  }
0x283: {  	[sflag:s13] =	ssyncset.done $0x0  }
0x284: {  	s21 =	rddreg [dreg:$0x1c];
	[sflag:s13] =	ssyncadd.s32 $0xFFFFF000  }
0x285: {  	[hbm4b:s21+s2] =	stream.linear.scatter [tilespmem:s12], [sflag:$0x4], $0x1000, $0x38;
	[tilespmem:$0x10800] =	vst v63  }
0x286: {  	_ =	swait.ge [sflag:s13], $0x1000  }
0x287: {  	[sflag:s13] =	ssyncset.done $0x0  }
0x288: {  	s22 =	rddreg [dreg:$0x1d];
	[sflag:s13] =	ssyncadd.s32 $0xFFFFF000  }
0x289: {  	[hbm4b:s22+s2] =	stream.linear.scatter [tilespmem:s11], [sflag:$0x4], $0x1000, $0x38;
	[tilespmem:$0x10800] =	vst v63  }
0x28a: {  	_ =	swait.ge [sflag:s13], $0x1000  }
0x28b: {  	[sflag:s13] =	ssyncset.done $0x0  }
0x28c: {  	s23 =	rddreg [dreg:$0x1e];
	[sflag:s13] =	ssyncadd.s32 $0xFFFFF000  }
0x28d: {  	[hbm4b:s23+s2] =	stream.linear.scatter [tilespmem:s10], [sflag:$0x4], $0x1000, $0x38;
	[tilespmem:$0x10800] =	vst v63  }
0x28e: {  	_ =	swait.ge [sflag:s13], $0x1000  }
0x28f: {  	[sflag:s13] =	ssyncset.done $0x0  }
0x290: {  	s24 =	rddreg [dreg:$0x1f];
	[sflag:s13] =	ssyncadd.s32 $0xFFFFF000  }
0x291: {  	[hbm4b:s24+s2] =	stream.linear.scatter [tilespmem:s9], [sflag:$0x4], $0x1000, $0x38;
	[tilespmem:$0x10800] =	vst v63  }
0x292: {  	_ =	swait.ge [sflag:s13], $0x1000  }
0x293: {  	s25 =	sld [smem:$0x7F0]  }
0x294: {  	[sflag:s13] =	ssyncset.done $0x0  }
0x295: {  	[sflag:s13] =	ssyncadd.s32 $0xFFFFF000  }
0x296: {  	[hbm4b:s25+s2] =	stream.linear.scatter [tilespmem:s8], [sflag:$0x4], $0x1000, $0x38;
	[tilespmem:$0x10800] =	vst v63  }
0x297: {  	_ =	swait.ge [sflag:s13], $0x1000  }
0x298: {  	s26 =	sld [smem:$0x7F1]  }
0x299: {  	[sflag:s13] =	ssyncset.done $0x0  }
0x29a: {  	[sflag:s13] =	ssyncadd.s32 $0xFFFFF000  }
0x29b: {  	[hbm4b:s26+s2] =	stream.linear.scatter [tilespmem:s7], [sflag:$0x4], $0x1000, $0x38;
	[tilespmem:$0x10800] =	vst v63  }
0x29c: {  	_ =	swait.ge [sflag:s13], $0x1000  }
0x29d: {  	s28 =	sld [smem:$0x7F2]  }
0x29e: {  	[sflag:s13] =	ssyncset.done $0x0  }
0x29f: {  	[sflag:s13] =	ssyncadd.s32 $0xFFFFF000  }
0x2a0: {  	[hbm4b:s28+s2] =	stream.linear.scatter [tilespmem:s6], [sflag:$0x4], $0x1000, $0x38;
	[tilespmem:$0x10800] =	vst v63  }
0x2a1: {  	_ =	swait.ge [sflag:s13], $0x1000  }
0x2a2: {  	s29 =	sld [smem:$0x7F3]  }
0x2a3: {  	[sflag:s13] =	ssyncset.done $0x0  }
0x2a4: {  	[sflag:s13] =	ssyncadd.s32 $0xFFFFF000  }
0x2a5: {  	[hbm4b:s29+s2] =	stream.linear.scatter [tilespmem:s5], [sflag:$0x4], $0x1000, $0x38;
	[tilespmem:$0x10800] =	vst v63  }
0x2a6: {  	_ =	swait.ge [sflag:s13], $0x1000  }
0x2a7: {  	s30 =	sld [smem:$0x7F4]  }
0x2a8: {  	[sflag:s13] =	ssyncset.done $0x0  }
0x2a9: {  	[sflag:s13] =	ssyncadd.s32 $0xFFFFF000  }
0x2aa: {  	[hbm4b:s30+s2] =	stream.linear.scatter [tilespmem:s4], [sflag:$0x4], $0x1000, $0x38;
	[tilespmem:$0x10800] =	vst v63  }
0x2ab: {  	_ =	swait.ge [sflag:s3], $0x1000  }
0x2ac: {  	[sflag:s3] =	ssyncset.done $0x0  }
0x2ad: {  	[sflag:s3] =	ssyncadd.s32 $0xFFFFF000  }
0x2ae: {  	_ =	swait.ge [sflag:s3], $0x1000  }
0x2af: {  	[sflag:s3] =	ssyncset.done $0x0  }
0x2b0: {  	[sflag:s3] =	ssyncadd.s32 $0xFFFFF000  }
0x2b1: {  	_ =	swait.ge [sflag:s3], $0x1000  }
0x2b2: {  	[sflag:s3] =	ssyncset.done $0x0  }
0x2b3: {  	[sflag:s3] =	ssyncadd.s32 $0xFFFFF000  }
0x2b4: {  	_ =	swait.ge [sflag:s3], $0x1000  }
0x2b5: {  	[sflag:s3] =	ssyncset.done $0x0  }
0x2b6: {  	[sflag:s3] =	ssyncadd.s32 $0xFFFFF000  }
0x2b7: {  	_ =	swait.ge [sflag:s3], $0x1000  }
0x2b8: {  	[sflag:s3] =	ssyncset.done $0x0  }
0x2b9: {  	[sflag:s3] =	ssyncadd.s32 $0xFFFFF000  }
0x2ba: {  	_ =	swait.ge [sflag:s3], $0x1000  }
0x2bb: {  	[sflag:s3] =	ssyncset.done $0x0  }
0x2bc: {  	[sflag:s3] =	ssyncadd.s32 $0xFFFFF000  }
0x2bd: {  	_ =	swait.ge [sflag:s3], $0x1000  }
0x2be: {  	[sflag:s3] =	ssyncset.done $0x0  }
0x2bf: {  	[sflag:s3] =	ssyncadd.s32 $0xFFFFF000  }
0x2c0: {  	_ =	swait.ge [sflag:s3], $0x1000  }
0x2c1: {  	[sflag:s3] =	ssyncset.done $0x0  }
0x2c2: {  	[sflag:s3] =	ssyncadd.s32 $0xFFFFF000  }
0x2c3: {  	_ =	swait.ge [sflag:s3], $0x1000  }
0x2c4: {  	[sflag:s3] =	ssyncset.done $0x0  }
0x2c5: {  	[sflag:s3] =	ssyncadd.s32 $0xFFFFF000  }
0x2c6: {  	_ =	swait.ge [sflag:s3], $0x1000  }
0x2c7: {  	[sflag:s3] =	ssyncset.done $0x0  }
0x2c8: {  	[sflag:s3] =	ssyncadd.s32 $0xFFFFF000  }
0x2c9: {  	_ =	swait.ge [sflag:s3], $0x1000  }
0x2ca: {  	[sflag:s3] =	ssyncset.done $0x0  }
0x2cb: {  	[sflag:s3] =	ssyncadd.s32 $0xFFFFF000  }
0x2cc: {  	_ =	swait.ge [sflag:s3], $0x1000  }
0x2cd: {  	[sflag:s3] =	ssyncset.done $0x0  }
0x2ce: {  	[sflag:s3] =	ssyncadd.s32 $0xFFFFF000  }
0x2cf: {  	_ =	swait.ge [sflag:s3], $0x1000  }
0x2d0: {  	[sflag:s3] =	ssyncset.done $0x0  }
0x2d1: {  	[sflag:s3] =	ssyncadd.s32 $0xFFFFF000  }
0x2d2: {  	_ =	swait.ge [sflag:s3], $0x1000  }
0x2d3: {  	[sflag:s3] =	ssyncset.done $0x0  }
0x2d4: {  	[sflag:s3] =	ssyncadd.s32 $0xFFFFF000  }
0x2d5: {  	_ =	swait.ge [sflag:s3], $0x1000  }
0x2d6: {  	[sflag:s3] =	ssyncset.done $0x0  }
0x2d7: {  	[sflag:s3] =	ssyncadd.s32 $0xFFFFF000  }
0x2d8: {  	_ =	swait.ge [sflag:s3], $0x1000  }
0x2d9: {  	[sflag:s3] =	ssyncset.done $0x0  }
0x2da: {  	[sflag:s3] =	ssyncadd.s32 $0xFFFFF000  }
0x2db: {  	_ =	sfence.sel $0x180000  }
0x2dc: {  	[bflag:$0x0] =	sbarrier.arrive $0xFFFF  }
0x2dd: {  	_ =	strace $0x90000047  }
0x2de: {  	s31 =	stileid.u32;
	[bflag:$0x2] =	sbarrier.arrive $0xFFFF  }
0x2df: {  	p0 =	sne.s32 s31, $0x0;
	s0 =	rddreg [dreg:$0x3]  }
0x2e0: {  	s0 =	sadd.s32 @!p0 $0x100000, s0  }
0x2e1: {  	[sflag:s0] =	ssyncadd.tile.s32 @!p0 $0x1;
	_ =	shalt  }
.LBB2_1:
.Ltmp3:
0x2e2: {  	(pc) =	sbr.rel .LBB2_6-.Ltmp3, $3  }
0x2e3: {  	_ =	sdelay $0x1  }
0x2e4: {  	s24 =	simm.s32 $0x500;
	s30 =	simm.s32 $0x600;
	s29 =	simm.s32 $0x580  }
0x2e5: {  	s28 =	simm.s32 $0x680;
	s26 =	simm.s32 $0x700;
	s25 =	simm.s32 $0x780  }
.LBB2_3:
.Ltmp4:
0x2e6: {  	(pc) =	sbr.rel .LBB2_6-.Ltmp4, $3  }
0x2e7: {  	_ =	sdelay $0x1  }
0x2e8: {  	s24 =	simm.s32 $0x500;
	s30 =	simm.s32 $0x600;
	s29 =	simm.s32 $0x580  }
0x2e9: {  	s28 =	simm.s32 $0x680;
	s26 =	simm.s32 $0x700;
	s25 =	simm.s32 $0x780  }
.Lfunc_end2:
_tile_overlayer_lowered:
.L_overlay_start_2:
0x2ea: {  	(tag) =	ssettag $0x2  }
0x2eb: {  	s0 =	rddreg [dreg:$0x0];
	s2 =	stileid.u32  }
0x2ec: {  	s1 =	rddreg [dreg:$0x1];
	p0 =	sne.s32 s2, $0x0  }
0x2ed: {  	s3 =	rddreg [dreg:$0x2];
	[bflag:$0x3] =	sbarrier.arrive $0xFFFF;
	s2 =	simm.s32 @!p0 $0x1C05  }
0x2ee: {  	[timem:s3], [sflag:s2] =	dma.local @!p0 [hbm:s0], s1  }
0x2ef: {  	s0 =	simm.s32 @!p0 $0x5  }
0x2f0: {  	_ =	swait.ge @!p0 [sflag:s0], s1  }
0x2f1: {  	s1 =	ssub.s32 @!p0 $0x0, s1;
	[sflag:s0] =	ssyncset.done @!p0 $0x0  }
0x2f2: {  	[sflag:s0] =	ssyncadd.s32 @!p0 s1  }
0x2f3: {  	[bflag:$0x3] =	sbarrier.arrive $0xFFFF  }
0x2f4: {  	_ =	shalt  }

</sc_bundles>
